<compile_context>
chip_gen: v7x
topology: tpu7x:2x2x1
jax: 0.10.2.dev20260603
libtpu: 0.0.44.dev20260713+nightly
codegen_flags: <defaults>
</compile_context>

<pallas_src>
import functools

import jax
import jax.numpy as jnp
import numpy as np
from jax import lax
from jax.experimental import pallas as pl
from jax.experimental.pallas import tpu as pltpu
from jax.experimental.pallas import tpu_sc as plsc

NUM_ENT = 10000
IN_C = 128
OUT_C = 128
E_HALF = 320000

NC = 2
NS = 16
NW = NC * NS
NPAD = 10240
ROWS = NPAD // NS

CHUNK = 24
NCHUNK = 417
EPW = NCHUNK * CHUNK
E_PAD = NW * EPW
CHUNK_D = 72
NCHUNK_D = EPW // CHUNK_D

_mesh = plsc.VectorSubcoreMesh(core_axis_name="c", subcore_axis_name="s")

_Q = np.zeros(IN_C, np.int32)
for _j in range(IN_C // 32):
    for _i in range(16):
        _Q[32 * _j + 2 * _i] = 32 * _j + _i
        _Q[32 * _j + 2 * _i + 1] = 32 * _j + 16 + _i


def _gelu(x):
    return 0.5 * x * (1 + jnp.tanh(0.7978845608 * (x + 0.044715 * x ** 3)))


@functools.partial(
    pl.kernel,
    mesh=_mesh,
    out_type=jax.ShapeDtypeStruct((NC, NPAD, OUT_C), jnp.float32),
    scratch_types=[
        pltpu.VMEM((1, CHUNK_D), jnp.int32),
        pltpu.VMEM((1, CHUNK_D), jnp.int32),
        pltpu.VMEM((CHUNK_D, OUT_C), jnp.float32),
        pltpu.VMEM_SHARED((NPAD, OUT_C), jnp.float32),
        pltpu.SemaphoreType.DMA,
        pltpu.SemaphoreType.DMA,
    ],
)
def _deg_kernel(dst_hbm, ones_hbm, z_hbm, out_hbm,
                idx0, idx1, ones_v, deg_sh, d0, d1):
    cid = lax.axis_index("c")
    sid = lax.axis_index("s")
    wid = sid * NC + cid
    pltpu.sync_copy(ones_hbm, ones_v)
    pltpu.sync_copy(z_hbm, deg_sh.at[pl.ds(sid * ROWS, ROWS)])
    plsc.subcore_barrier()

    pltpu.async_copy(dst_hbm.at[wid, pl.ds(0, 1)], idx0, d0)
    pltpu.async_copy(dst_hbm.at[wid, pl.ds(1, 1)], idx1, d1)

    def pair(t, carry):
        c0 = 2 * t
        c1 = c0 + 1
        pltpu.make_async_copy(dst_hbm.at[wid, pl.ds(c0, 1)], idx0, d0).wait()
        pltpu.sync_copy(ones_v, deg_sh.at[idx0.at[0]], add=True)
        pltpu.async_copy(dst_hbm.at[wid, pl.ds(c0 + 2, 1)], idx0, d0)
        pltpu.make_async_copy(dst_hbm.at[wid, pl.ds(c1, 1)], idx1, d1).wait()
        pltpu.sync_copy(ones_v, deg_sh.at[idx1.at[0]], add=True)
        nxt = jnp.minimum(c1 + 2, NCHUNK_D - 2)
        pltpu.async_copy(dst_hbm.at[wid, pl.ds(nxt, 1)], idx1, d1)
        return carry

    lax.fori_loop(0, (NCHUNK_D - 1) // 2, pair, 0)
    pltpu.make_async_copy(dst_hbm.at[wid, pl.ds(NCHUNK_D - 1, 1)], idx0,
                          d0).wait()
    pltpu.sync_copy(ones_v, deg_sh.at[idx0.at[0]], add=True)
    pltpu.make_async_copy(dst_hbm.at[wid, pl.ds(0, 1)], idx1, d1).wait()
    plsc.subcore_barrier()
    pltpu.sync_copy(deg_sh.at[pl.ds(sid * ROWS, ROWS)],
                    out_hbm.at[cid, pl.ds(sid * ROWS, ROWS)])


@functools.partial(
    pl.kernel,
    mesh=_mesh,
    out_type=jax.ShapeDtypeStruct((NC, NPAD, OUT_C), jnp.float32),
    scratch_types=[
        pltpu.VMEM((4, CHUNK), jnp.int32),
        pltpu.VMEM((4, CHUNK), jnp.int32),
        pltpu.VMEM((CHUNK, IN_C), jnp.float32),
        pltpu.VMEM((CHUNK, IN_C), jnp.float32),
        pltpu.VMEM((CHUNK, IN_C), jnp.int32),
        pltpu.VMEM((CHUNK, IN_C), jnp.int32),
        pltpu.VMEM((CHUNK, IN_C), jnp.float32),
        pltpu.VMEM((CHUNK, IN_C), jnp.float32),
        pltpu.VMEM_SHARED((NPAD, OUT_C), jnp.float32),
        pltpu.SemaphoreType.DMA,
        pltpu.SemaphoreType.DMA,
        pltpu.SemaphoreType.DMA,
        pltpu.SemaphoreType.DMA,
        pltpu.SemaphoreType.DMA,
        pltpu.SemaphoreType.DMA,
    ],
)
def _edge_kernel(x2_hbm, rwt_hbm, ew1_hbm, idx_hbm, z_hbm, out_hbm,
                 idx0, idx1, xg0, xg1, rwg0, rwg1, ewg0, ewg1, acc_sh,
                 i0, i1, g0, g1, sc0, sc1):
    cid = lax.axis_index("c")
    sid = lax.axis_index("s")
    wid = sid * NC + cid
    pltpu.sync_copy(z_hbm, acc_sh.at[pl.ds(sid * ROWS, ROWS)])
    plsc.subcore_barrier()

    sets = (
        (idx0, xg0, rwg0, ewg0, g0, i0, sc0),
        (idx1, xg1, rwg1, ewg1, g1, i1, sc1),
    )

    def fire_gathers(s):
        idx, xg, rwg, ewg, g, _, _ = sets[s]
        pltpu.async_copy(x2_hbm.at[idx.at[0]], xg, g)
        pltpu.async_copy(rwt_hbm.at[idx.at[1]], rwg, g)
        pltpu.async_copy(ew1_hbm.at[idx.at[2]], ewg, g)

    def wait_gathers(s):
        idx, xg, rwg, ewg, g, _, _ = sets[s]
        pltpu.make_async_copy(x2_hbm.at[idx.at[0]], xg, g).wait()
        pltpu.make_async_copy(rwt_hbm.at[idx.at[1]], rwg, g).wait()
        pltpu.make_async_copy(ew1_hbm.at[idx.at[2]], ewg, g).wait()

    def fire_idx(s, c):
        idx, _, _, _, _, sem, _ = sets[s]
        pltpu.async_copy(idx_hbm.at[wid, c], idx, sem)

    def wait_idx(s, c):
        idx, _, _, _, _, sem, _ = sets[s]
        pltpu.make_async_copy(idx_hbm.at[wid, c], idx, sem).wait()

    def wait_scatter(s):
        idx, xg, _, _, _, _, ssem = sets[s]
        pltpu.make_async_copy(xg, acc_sh.at[idx.at[3]], ssem).wait()

    hi_mask = jnp.int32(-65536)

    def split_bf16(w):
        a = lax.bitcast_convert_type(lax.shift_left(w, 16), jnp.float32)
        b = lax.bitcast_convert_type(lax.bitwise_and(w, hi_mask), jnp.float32)
        return a, b

    def compute_scatter(s):
        idx, xg, rwg, ewg, _, _, ssem = sets[s]

        def edge_pair(p, carry):
            for u in range(2):
                e = 2 * p + u
                for j in range(IN_C // 32):
                    dsa = pl.ds(j * 32, 16)
                    dsb = pl.ds(j * 32 + 16, 16)
                    ra, rb = split_bf16(rwg[e, pl.ds(j * 16, 16)])
                    wa, wb = split_bf16(rwg[e, pl.ds(IN_C // 2 + j * 16, 16)])
                    xg[e, dsa] = xg[e, dsa] * (ra * ewg[e, dsa] + wa)
                    xg[e, dsb] = xg[e, dsb] * (rb * ewg[e, dsb] + wb)
            return carry

        lax.fori_loop(0, CHUNK // 2, edge_pair, 0)
        pltpu.async_copy(xg, acc_sh.at[idx.at[3]], ssem, add=True)

    fire_idx(0, 0)
    fire_idx(1, 1)
    pltpu.async_copy(z_hbm.at[pl.ds(0, CHUNK)], xg1, sc1)
    wait_idx(0, 0)
    fire_gathers(0)

    def pair(t, carry):
        c0 = 2 * t
        c1 = c0 + 1
        wait_gathers(0)
        wait_idx(1, c1)
        wait_scatter(1)
        fire_gathers(1)
        compute_scatter(0)
        fire_idx(0, c0 + 2)
        wait_gathers(1)
        wait_idx(0, c0 + 2)
        wait_scatter(0)
        fire_gathers(0)
        compute_scatter(1)
        fire_idx(1, jnp.minimum(c1 + 2, NCHUNK - 1))
        return carry

    lax.fori_loop(0, NCHUNK // 2, pair, 0)
    wait_gathers(0)
    compute_scatter(0)
    wait_scatter(0)
    wait_scatter(1)
    wait_idx(1, NCHUNK - 1)

    plsc.subcore_barrier()
    pltpu.sync_copy(acc_sh.at[pl.ds(sid * ROWS, ROWS)],
                    out_hbm.at[cid, pl.ds(sid * ROWS, ROWS)])


def _prep_body(degp, xp, ew2p, lr, w1l, x2, sl, dinv):
    deg = degp[0, :, 0:1] + degp[1, :, 0:1]
    di = jnp.where(deg > 0, lax.rsqrt(deg), 0.0)
    dinv[...] = di
    x2[...] = xp[...] * di
    t = xp[...] * ew2p[...] * lr[...]
    sl[...] = _gelu(jnp.dot(t, w1l[...], preferred_element_type=jnp.float32))


def _final_body(acc, dinv, sl, w1o, attn, gam, bet, re, wr, out, rel1):
    acc2 = acc[0] + acc[1]
    aggr = jnp.dot(acc2, w1o[...], preferred_element_type=jnp.float32) * dinv[...]
    res1 = _gelu(aggr)
    a = jnp.sum(res1 * attn[...], axis=1, keepdims=True)
    out2 = a * res1
    scale = gam[...] * (1.0 / jnp.sqrt(1.0 + 1e-5))
    full = (0.75 * sl[...] + 0.25 * out2) * scale + bet[...]
    out[...] = full[:NUM_ENT, :]
    rel1[...] = jnp.dot(re[...], wr[...], preferred_element_type=jnp.float32)


def kernel(x, rel_embed, edge_index, edge_type, w1_loop, w1_out, w_rel,
           loop_rel, attn_w, rel_weight1, ent_weight1, ent_weight2,
           bn_gamma, bn_beta):
    ei = edge_index.astype(jnp.int32)
    et = edge_type.astype(jnp.int32)
    npad_e = E_PAD - E_HALF
    pad_dst = (NUM_ENT + (jnp.arange(npad_e) % (NPAD - NUM_ENT))).astype(
        jnp.int32)
    zpad = jnp.zeros((npad_e,), jnp.int32)
    dst = jnp.concatenate([ei[0, E_HALF:], pad_dst])
    src = jnp.concatenate([ei[1, E_HALF:], zpad])
    in0 = jnp.concatenate([ei[0, :E_HALF], zpad])
    typ = jnp.concatenate([et[E_HALF:], zpad])
    idx4 = jnp.stack([
        src.reshape(NW, NCHUNK, CHUNK),
        typ.reshape(NW, NCHUNK, CHUNK),
        in0.reshape(NW, NCHUNK, CHUNK),
        dst.reshape(NW, NCHUNK, CHUNK),
    ], axis=2)
    dstd = dst.reshape(NW, NCHUNK_D, CHUNK_D)

    pad = ((0, NPAD - NUM_ENT), (0, 0))
    xp = jnp.pad(x, pad)
    ew2p = jnp.pad(ent_weight2, pad)

    def _to_i32(a):
        n, m = a.shape
        return lax.bitcast_convert_type(a.reshape(n, m // 2, 2), jnp.int32)

    nrel = rel_embed.shape[0]
    rwt = _to_i32(jnp.concatenate(
        [rel_embed[:, _Q], rel_weight1[:nrel][:, _Q]], axis=1
    ).astype(jnp.bfloat16))

    ones128 = jnp.ones((CHUNK_D, OUT_C), jnp.float32)
    z128 = jnp.zeros((ROWS, OUT_C), jnp.float32)

    degp = _deg_kernel(dstd, ones128, z128)

    x2, sl, dinv = pl.pallas_call(
        _prep_body,
        out_shape=[
            jax.ShapeDtypeStruct((NPAD, IN_C), jnp.float32),
            jax.ShapeDtypeStruct((NPAD, OUT_C), jnp.float32),
            jax.ShapeDtypeStruct((NPAD, 1), jnp.float32),
        ],
    )(degp, xp, ew2p, loop_rel, w1_loop)

    acc = _edge_kernel(x2, rwt, ent_weight1, idx4, z128)

    out, rel1 = pl.pallas_call(
        _final_body,
        out_shape=[
            jax.ShapeDtypeStruct((NUM_ENT, OUT_C), jnp.float32),
            jax.ShapeDtypeStruct((rel_embed.shape[0], OUT_C), jnp.float32),
        ],
    )(acc, dinv, sl, w1_out, attn_w, bn_gamma.reshape(1, OUT_C),
      bn_beta.reshape(1, OUT_C), rel_embed, w_rel)

    return out, rel1

# --- scband reference (transcript-rebuilt; emitter-appended) ---
"""Pipeline reference for scband-wacconv-11450382811893 (READ-ONLY COPY).

The authoritative reference and input builder live on the scoring server;
editing this copy changes nothing except your own understanding.
"""

import jax, jax.numpy as jnp
import numpy as np

NUM_ENT = 10000
NUM_RELS = 500
IN_C = 128
OUT_C = 128
N_EDGES_TOTAL = 640000


def gelu(x):
    return 0.5 * x * (1 + jnp.tanh(0.7978845608 * (x + 0.044715 * x ** 3)))


def compute_norm(edge_index, num_ent):
    row, col = edge_index[0], edge_index[1]
    ew = jnp.ones(row.shape, dtype=jnp.float32)
    deg = jnp.zeros((num_ent,), jnp.float32).at[row].add(ew)
    deg_inv = jnp.where(deg > 0, deg ** -0.5, 0.0)
    return deg_inv[row] * ew * deg_inv[col]


def xavier(k, shape):
    std = (2.0 / (shape[0] + shape[1])) ** 0.5
    return jax.random.normal(k, shape, jnp.float32) * std


def setup_inputs(seed: int = 0) -> dict:
    key = jax.random.key(seed)
    ks = jax.random.split(key, 14)
    x = jax.random.normal(ks[0], (NUM_ENT, IN_C), jnp.float32)
    rel_embed = jax.random.normal(ks[1], (2 * NUM_RELS, IN_C), jnp.float32)
    edge_index = jax.random.randint(ks[2], (2, N_EDGES_TOTAL), 0, NUM_ENT, dtype=jnp.int64)
    edge_type = jax.random.randint(ks[3], (N_EDGES_TOTAL,), 0, 2 * NUM_RELS, dtype=jnp.int64)
    w1_loop = xavier(ks[4], (IN_C, OUT_C))
    w1_out = xavier(ks[5], (IN_C, OUT_C))
    w_rel = xavier(ks[6], (OUT_C, OUT_C))
    loop_rel = xavier(ks[7], (1, IN_C))
    attn_w = xavier(ks[8], (1, OUT_C))
    rel_weight1 = xavier(ks[9], (2 * NUM_RELS + 1, IN_C))
    ent_weight1 = xavier(ks[10], (NUM_ENT, IN_C))
    ent_weight2 = xavier(ks[11], (NUM_ENT, IN_C))
    bn_gamma = jnp.ones((OUT_C,), jnp.float32)
    bn_beta = jnp.zeros((OUT_C,), jnp.float32)
    return dict(x=x, rel_embed=rel_embed, edge_index=edge_index, edge_type=edge_type,
                w1_loop=w1_loop, w1_out=w1_out, w_rel=w_rel, loop_rel=loop_rel,
                attn_w=attn_w, rel_weight1=rel_weight1, ent_weight1=ent_weight1,
                ent_weight2=ent_weight2, bn_gamma=bn_gamma, bn_beta=bn_beta)


def reference(x, rel_embed, edge_index, edge_type, w1_loop, w1_out, w_rel, loop_rel,
              attn_w, rel_weight1, ent_weight1, ent_weight2, bn_gamma, bn_beta):
    num_ent = x.shape[0]
    num_edges = edge_index.shape[1] // 2
    in_index = edge_index[:, :num_edges]
    out_index = edge_index[:, num_edges:]
    out_type = edge_type[num_edges:]
    out_norm = compute_norm(out_index, num_ent)

    rel_full = jnp.concatenate([rel_embed, loop_rel], axis=0)  # [2R+1, in]

    # --- self-loop branch (loop_index = [arange, arange], loop_type = 2R) ---
    rel_emb_loop = rel_full[2 * NUM_RELS][None, :]
    # rel_transform2: ent_embed * ent_weight * rel_embed
    xj_rel_loop = x * ent_weight2 * rel_emb_loop
    msg_loop = xj_rel_loop @ w1_loop
    # scatter-add over arange is identity; update applies gelu
    selfloop_res1 = gelu(msg_loop)

    # --- out-edge branch ---
    x_j = jnp.take(x, out_index[1], axis=0)
    rel_emb = jnp.take(rel_full, out_type, axis=0)
    rel_w = jnp.take(rel_weight1, out_type, axis=0)
    ent_w = jnp.take(ent_weight1, in_index[0], axis=0)  # NB: original code indexes with in_index[0]
    # rel_transform1 'W_mult': e*r*ew + e*rw
    xj_rel = x_j * rel_emb * ent_w + x_j * rel_w
    msg = (xj_rel @ w1_out) * out_norm[:, None]
    aggr = jnp.zeros((num_ent, OUT_C), jnp.float32).at[out_index[0]].add(msg)
    original_res1 = gelu(aggr)

    # agg_multi_head with head_no=1 (dropout is identity in eval)
    a = original_res1 @ attn_w.T  # [N, 1]
    out2 = a * original_res1

    out = 0.75 * selfloop_res1 + 0.25 * out2  # p.bias is False
    relation1 = rel_full @ w_rel

    # eval-mode BatchNorm1d with fresh running stats (mean=0, var=1)
    out = bn_gamma * out / jnp.sqrt(1.0 + 1e-5) + bn_beta
    return out, relation1[:-1]

if __name__ == "__main__":
    import jax
    _d = setup_inputs()
    print(jax.jit(kernel)(*tuple(_d.values())))

</pallas_src>

<mosaic_0001>
#map = affine_map<(d0, d1) -> (0, 0, 0)>
#map1 = affine_map<(d0, d1) -> (0, 0)>
module attributes {stable_mosaic.version = 14 : i64} {
  func.func @_deg_kernel(%arg0: i32, %arg1: i32, %arg2: memref<32x139x72xi32, #tpu.memory_space<hbm>>, %arg3: memref<72x128xf32, #tpu.memory_space<hbm>>, %arg4: memref<640x128xf32, #tpu.memory_space<hbm>>, %arg5: memref<2x10240x128xf32, #tpu.memory_space<hbm>>, %arg6: memref<1x72xi32, #tpu.memory_space<vmem>>, %arg7: memref<1x72xi32, #tpu.memory_space<vmem>>, %arg8: memref<72x128xf32, #tpu.memory_space<vmem>>, %arg9: memref<10240x128xf32, #tpu.memory_space<vmem_shared>>, %arg10: memref<!tpu.dma_semaphore, #tpu.memory_space<semaphore_mem>>, %arg11: memref<!tpu.dma_semaphore, #tpu.memory_space<semaphore_mem>>) attributes {dimension_semantics = [#tpu.dimension_semantics<core_parallel>, #tpu.dimension_semantics<subcore_parallel>], iteration_bounds = array<i64: 2, 16>, scalar_prefetch = 0 : i64, scratch_operands = 6 : i64, tpu.core_type = #tpu.core_type<sc_vector_subcore>, window_params = [{transform_indices = #map}, {transform_indices = #map1}, {transform_indices = #map1}, {transform_indices = #map}]} {
    %mul3A = arith.constant 2 : i32
    %mul3A_0 = arith.muli %arg1, %mul3A : i32
    %add3A = arith.addi %mul3A_0, %arg0 : i32
    "tpu.region"() ({
      %run_scoped3A_43 = tpu.sem_alloc : memref<!tpu.dma_semaphore, #tpu.memory_space<semaphore_mem>>
      tpu.enqueue_dma source(%arg3 : memref<72x128xf32, #tpu.memory_space<hbm>>) target(%arg8 : memref<72x128xf32, #tpu.memory_space<vmem>>) target_semaphore(%run_scoped3A_43 : memref<!tpu.dma_semaphore, #tpu.memory_space<semaphore_mem>>)
      tpu.wait_dma2 semaphore(%run_scoped3A_43 : memref<!tpu.dma_semaphore, #tpu.memory_space<semaphore_mem>>) src(%arg3 : memref<72x128xf32, #tpu.memory_space<hbm>>) dst(%arg8 : memref<72x128xf32, #tpu.memory_space<vmem>>)
      tpu.yield
    }) : () -> ()
    %mul3A_1 = arith.constant 640 : i32
    %mul3A_2 = arith.muli %arg1, %mul3A_1 : i32
    "tpu.region"() ({
      %run_scoped3A_43 = tpu.sem_alloc : memref<!tpu.dma_semaphore, #tpu.memory_space<semaphore_mem>>
      %dma_start3A_44 = arith.constant 0 : i32
      %dma_start3A_45 = tpu.memref_slice %arg9[%mul3A_2, %dma_start3A_44] : memref<10240x128xf32, #tpu.memory_space<vmem_shared>> -> memref<640x128xf32, #tpu.memory_space<vmem_shared>>
      tpu.enqueue_dma source(%arg4 : memref<640x128xf32, #tpu.memory_space<hbm>>) target(%dma_start3A_45 : memref<640x128xf32, #tpu.memory_space<vmem_shared>>) target_semaphore(%run_scoped3A_43 : memref<!tpu.dma_semaphore, #tpu.memory_space<semaphore_mem>>)
      %dma_wait3A_46 = arith.constant 0 : i32
      %dma_wait3A_47 = tpu.memref_slice %arg9[%mul3A_2, %dma_wait3A_46] : memref<10240x128xf32, #tpu.memory_space<vmem_shared>> -> memref<640x128xf32, #tpu.memory_space<vmem_shared>>
      tpu.wait_dma2 semaphore(%run_scoped3A_43 : memref<!tpu.dma_semaphore, #tpu.memory_space<semaphore_mem>>) src(%arg4 : memref<640x128xf32, #tpu.memory_space<hbm>>) dst(%dma_wait3A_47 : memref<640x128xf32, #tpu.memory_space<vmem_shared>>)
      tpu.yield
    }) : () -> ()
    %barrier3A = arith.constant 0 : index
    tpu.barrier barrier_id(%barrier3A)
    %dma_start3A = arith.constant 0 : i32
    %dma_start3A_3 = arith.constant 0 : i32
    %dma_start3A_4 = tpu.memref_slice %arg2[%add3A, %dma_start3A, %dma_start3A_3] : memref<32x139x72xi32, #tpu.memory_space<hbm>> -> memref<1x1x72xi32, #tpu.memory_space<hbm>>
    %dma_start3A_5 = tpu.memref_squeeze %dma_start3A_4 : memref<1x1x72xi32, #tpu.memory_space<hbm>> -> memref<1x72xi32, #tpu.memory_space<hbm>>
    %dma_start3A_6 = arith.constant 0 : i32
    %dma_start3A_7 = arith.constant 0 : i32
    %dma_start3A_8 = tpu.memref_slice %arg2[%add3A, %dma_start3A_6, %dma_start3A_7] : memref<32x139x72xi32, #tpu.memory_space<hbm>> -> memref<1x1x72xi32, #tpu.memory_space<hbm>>
    %dma_start3A_9 = tpu.memref_squeeze %dma_start3A_8 : memref<1x1x72xi32, #tpu.memory_space<hbm>> -> memref<1x72xi32, #tpu.memory_space<hbm>>
    tpu.enqueue_dma source(%dma_start3A_9 : memref<1x72xi32, #tpu.memory_space<hbm>>) target(%arg6 : memref<1x72xi32, #tpu.memory_space<vmem>>) target_semaphore(%arg10 : memref<!tpu.dma_semaphore, #tpu.memory_space<semaphore_mem>>)
    %dma_start3A_10 = arith.constant 1 : i32
    %dma_start3A_11 = arith.constant 0 : i32
    %dma_start3A_12 = tpu.memref_slice %arg2[%add3A, %dma_start3A_10, %dma_start3A_11] : memref<32x139x72xi32, #tpu.memory_space<hbm>> -> memref<1x1x72xi32, #tpu.memory_space<hbm>>
    %dma_start3A_13 = tpu.memref_squeeze %dma_start3A_12 : memref<1x1x72xi32, #tpu.memory_space<hbm>> -> memref<1x72xi32, #tpu.memory_space<hbm>>
    %dma_start3A_14 = arith.constant 1 : i32
    %dma_start3A_15 = arith.constant 0 : i32
    %dma_start3A_16 = tpu.memref_slice %arg2[%add3A, %dma_start3A_14, %dma_start3A_15] : memref<32x139x72xi32, #tpu.memory_space<hbm>> -> memref<1x1x72xi32, #tpu.memory_space<hbm>>
    %dma_start3A_17 = tpu.memref_squeeze %dma_start3A_16 : memref<1x1x72xi32, #tpu.memory_space<hbm>> -> memref<1x72xi32, #tpu.memory_space<hbm>>
    tpu.enqueue_dma source(%dma_start3A_17 : memref<1x72xi32, #tpu.memory_space<hbm>>) target(%arg7 : memref<1x72xi32, #tpu.memory_space<vmem>>) target_semaphore(%arg11 : memref<!tpu.dma_semaphore, #tpu.memory_space<semaphore_mem>>)
    %scan3A = arith.constant 0 : i32
    %scan3A_18 = arith.constant 0 : i32
    %scan3A_19 = arith.constant 69 : i32
    %scan3A_20 = arith.addi %scan3A_18, %scan3A_19 : i32
    %scan3A_21 = arith.constant 1 : i32
    scf.for %scan3A_43 = %scan3A_18 to %scan3A_20 step %scan3A_21  : i32 {
      %mul3A_44 = arith.constant 2 : i32
      %mul3A_45 = arith.muli %mul3A_44, %scan3A_43 : i32
      %add3A_46 = arith.constant 1 : i32
      %add3A_47 = arith.addi %mul3A_45, %add3A_46 : i32
      %dma_wait3A_48 = arith.constant 0 : i32
      %dma_wait3A_49 = tpu.memref_slice %arg2[%add3A, %mul3A_45, %dma_wait3A_48] : memref<32x139x72xi32, #tpu.memory_space<hbm>> -> memref<1x1x72xi32, #tpu.memory_space<hbm>>
      %dma_wait3A_50 = tpu.memref_squeeze %dma_wait3A_49 : memref<1x1x72xi32, #tpu.memory_space<hbm>> -> memref<1x72xi32, #tpu.memory_space<hbm>>
      %dma_wait3A_51 = arith.constant 0 : i32
      %dma_wait3A_52 = tpu.memref_slice %arg2[%add3A, %mul3A_45, %dma_wait3A_51] : memref<32x139x72xi32, #tpu.memory_space<hbm>> -> memref<1x1x72xi32, #tpu.memory_space<hbm>>
      %dma_wait3A_53 = tpu.memref_squeeze %dma_wait3A_52 : memref<1x1x72xi32, #tpu.memory_space<hbm>> -> memref<1x72xi32, #tpu.memory_space<hbm>>
      tpu.wait_dma2 semaphore(%arg10 : memref<!tpu.dma_semaphore, #tpu.memory_space<semaphore_mem>>) src(%dma_wait3A_53 : memref<1x72xi32, #tpu.memory_space<hbm>>) dst(%arg6 : memref<1x72xi32, #tpu.memory_space<vmem>>)
      %run_scoped3A_54 = arith.constant 0 : i32
      "tpu.region"() ({
        %run_scoped3A_79 = tpu.sem_alloc : memref<!tpu.dma_semaphore, #tpu.memory_space<semaphore_mem>>
        %dma_start3A_80 = arith.constant 0 : i32
        %dma_start3A_81 = tpu.memref_slice %arg6[%run_scoped3A_54, %dma_start3A_80] : memref<1x72xi32, #tpu.memory_space<vmem>> -> memref<1x72xi32, #tpu.memory_space<vmem>>
        %dma_start3A_82 = tpu.memref_squeeze %dma_start3A_81 : memref<1x72xi32, #tpu.memory_space<vmem>> -> memref<72xi32, #tpu.memory_space<vmem>>
        %dma_start3A_83 = arith.constant 0 : i32
        %dma_start3A_84 = arith.constant 0 : i32
        %dma_start3A_85 = tpu.memref_slice %arg9[%dma_start3A_83, %dma_start3A_84] : memref<10240x128xf32, #tpu.memory_space<vmem_shared>> -> memref<10240x128xf32, #tpu.memory_space<vmem_shared>>
        tpu.enqueue_indirect_dma source(%arg8 : memref<72x128xf32, #tpu.memory_space<vmem>>) target(%dma_start3A_85 : memref<10240x128xf32, #tpu.memory_space<vmem_shared>>) offsets(%dma_start3A_82 : memref<72xi32, #tpu.memory_space<vmem>>) semaphore(%run_scoped3A_79 : memref<!tpu.dma_semaphore, #tpu.memory_space<semaphore_mem>>) {add = true}
        %dma_wait3A_86 = arith.constant 0 : i32
        %dma_wait3A_87 = tpu.memref_slice %arg6[%run_scoped3A_54, %dma_wait3A_86] : memref<1x72xi32, #tpu.memory_space<vmem>> -> memref<1x72xi32, #tpu.memory_space<vmem>>
        %dma_wait3A_88 = tpu.memref_squeeze %dma_wait3A_87 : memref<1x72xi32, #tpu.memory_space<vmem>> -> memref<72xi32, #tpu.memory_space<vmem>>
        %dma_wait3A_89 = arith.constant 0 : i32
        %dma_wait3A_90 = arith.constant 0 : i32
        %dma_wait3A_91 = tpu.memref_slice %arg9[%dma_wait3A_89, %dma_wait3A_90] : memref<10240x128xf32, #tpu.memory_space<vmem_shared>> -> memref<10240x128xf32, #tpu.memory_space<vmem_shared>>
        tpu.wait_indirect_dma semaphore(%run_scoped3A_79 : memref<!tpu.dma_semaphore, #tpu.memory_space<semaphore_mem>>) src(%arg8 : memref<72x128xf32, #tpu.memory_space<vmem>>) dst(%dma_wait3A_91 : memref<10240x128xf32, #tpu.memory_space<vmem_shared>>)
        tpu.yield
      }) : () -> ()
      %add3A_55 = arith.constant 2 : i32
      %add3A_56 = arith.addi %mul3A_45, %add3A_55 : i32
      %dma_start3A_57 = arith.constant 0 : i32
      %dma_start3A_58 = tpu.memref_slice %arg2[%add3A, %add3A_56, %dma_start3A_57] : memref<32x139x72xi32, #tpu.memory_space<hbm>> -> memref<1x1x72xi32, #tpu.memory_space<hbm>>
      %dma_start3A_59 = tpu.memref_squeeze %dma_start3A_58 : memref<1x1x72xi32, #tpu.memory_space<hbm>> -> memref<1x72xi32, #tpu.memory_space<hbm>>
      %dma_start3A_60 = arith.constant 0 : i32
      %dma_start3A_61 = tpu.memref_slice %arg2[%add3A, %add3A_56, %dma_start3A_60] : memref<32x139x72xi32, #tpu.memory_space<hbm>> -> memref<1x1x72xi32, #tpu.memory_space<hbm>>
      %dma_start3A_62 = tpu.memref_squeeze %dma_start3A_61 : memref<1x1x72xi32, #tpu.memory_space<hbm>> -> memref<1x72xi32, #tpu.memory_space<hbm>>
      tpu.enqueue_dma source(%dma_start3A_62 : memref<1x72xi32, #tpu.memory_space<hbm>>) target(%arg6 : memref<1x72xi32, #tpu.memory_space<vmem>>) target_semaphore(%arg10 : memref<!tpu.dma_semaphore, #tpu.memory_space<semaphore_mem>>)
      %dma_wait3A_63 = arith.constant 0 : i32
      %dma_wait3A_64 = tpu.memref_slice %arg2[%add3A, %add3A_47, %dma_wait3A_63] : memref<32x139x72xi32, #tpu.memory_space<hbm>> -> memref<1x1x72xi32, #tpu.memory_space<hbm>>
      %dma_wait3A_65 = tpu.memref_squeeze %dma_wait3A_64 : memref<1x1x72xi32, #tpu.memory_space<hbm>> -> memref<1x72xi32, #tpu.memory_space<hbm>>
      %dma_wait3A_66 = arith.constant 0 : i32
      %dma_wait3A_67 = tpu.memref_slice %arg2[%add3A, %add3A_47, %dma_wait3A_66] : memref<32x139x72xi32, #tpu.memory_space<hbm>> -> memref<1x1x72xi32, #tpu.memory_space<hbm>>
      %dma_wait3A_68 = tpu.memref_squeeze %dma_wait3A_67 : memref<1x1x72xi32, #tpu.memory_space<hbm>> -> memref<1x72xi32, #tpu.memory_space<hbm>>
      tpu.wait_dma2 semaphore(%arg11 : memref<!tpu.dma_semaphore, #tpu.memory_space<semaphore_mem>>) src(%dma_wait3A_68 : memref<1x72xi32, #tpu.memory_space<hbm>>) dst(%arg7 : memref<1x72xi32, #tpu.memory_space<vmem>>)
      %run_scoped3A_69 = arith.constant 0 : i32
      "tpu.region"() ({
        %run_scoped3A_79 = tpu.sem_alloc : memref<!tpu.dma_semaphore, #tpu.memory_space<semaphore_mem>>
        %dma_start3A_80 = arith.constant 0 : i32
        %dma_start3A_81 = tpu.memref_slice %arg7[%run_scoped3A_69, %dma_start3A_80] : memref<1x72xi32, #tpu.memory_space<vmem>> -> memref<1x72xi32, #tpu.memory_space<vmem>>
        %dma_start3A_82 = tpu.memref_squeeze %dma_start3A_81 : memref<1x72xi32, #tpu.memory_space<vmem>> -> memref<72xi32, #tpu.memory_space<vmem>>
        %dma_start3A_83 = arith.constant 0 : i32
        %dma_start3A_84 = arith.constant 0 : i32
        %dma_start3A_85 = tpu.memref_slice %arg9[%dma_start3A_83, %dma_start3A_84] : memref<10240x128xf32, #tpu.memory_space<vmem_shared>> -> memref<10240x128xf32, #tpu.memory_space<vmem_shared>>
        tpu.enqueue_indirect_dma source(%arg8 : memref<72x128xf32, #tpu.memory_space<vmem>>) target(%dma_start3A_85 : memref<10240x128xf32, #tpu.memory_space<vmem_shared>>) offsets(%dma_start3A_82 : memref<72xi32, #tpu.memory_space<vmem>>) semaphore(%run_scoped3A_79 : memref<!tpu.dma_semaphore, #tpu.memory_space<semaphore_mem>>) {add = true}
        %dma_wait3A_86 = arith.constant 0 : i32
        %dma_wait3A_87 = tpu.memref_slice %arg7[%run_scoped3A_69, %dma_wait3A_86] : memref<1x72xi32, #tpu.memory_space<vmem>> -> memref<1x72xi32, #tpu.memory_space<vmem>>
        %dma_wait3A_88 = tpu.memref_squeeze %dma_wait3A_87 : memref<1x72xi32, #tpu.memory_space<vmem>> -> memref<72xi32, #tpu.memory_space<vmem>>
        %dma_wait3A_89 = arith.constant 0 : i32
        %dma_wait3A_90 = arith.constant 0 : i32
        %dma_wait3A_91 = tpu.memref_slice %arg9[%dma_wait3A_89, %dma_wait3A_90] : memref<10240x128xf32, #tpu.memory_space<vmem_shared>> -> memref<10240x128xf32, #tpu.memory_space<vmem_shared>>
        tpu.wait_indirect_dma semaphore(%run_scoped3A_79 : memref<!tpu.dma_semaphore, #tpu.memory_space<semaphore_mem>>) src(%arg8 : memref<72x128xf32, #tpu.memory_space<vmem>>) dst(%dma_wait3A_91 : memref<10240x128xf32, #tpu.memory_space<vmem_shared>>)
        tpu.yield
      }) : () -> ()
      %add3A_70 = arith.constant 2 : i32
      %add3A_71 = arith.addi %add3A_47, %add3A_70 : i32
      %min3A = arith.constant 137 : i32
      %min3A_72 = arith.minsi %add3A_71, %min3A : i32
      %dma_start3A_73 = arith.constant 0 : i32
      %dma_start3A_74 = tpu.memref_slice %arg2[%add3A, %min3A_72, %dma_start3A_73] : memref<32x139x72xi32, #tpu.memory_space<hbm>> -> memref<1x1x72xi32, #tpu.memory_space<hbm>>
      %dma_start3A_75 = tpu.memref_squeeze %dma_start3A_74 : memref<1x1x72xi32, #tpu.memory_space<hbm>> -> memref<1x72xi32, #tpu.memory_space<hbm>>
      %dma_start3A_76 = arith.constant 0 : i32
      %dma_start3A_77 = tpu.memref_slice %arg2[%add3A, %min3A_72, %dma_start3A_76] : memref<32x139x72xi32, #tpu.memory_space<hbm>> -> memref<1x1x72xi32, #tpu.memory_space<hbm>>
      %dma_start3A_78 = tpu.memref_squeeze %dma_start3A_77 : memref<1x1x72xi32, #tpu.memory_space<hbm>> -> memref<1x72xi32, #tpu.memory_space<hbm>>
      tpu.enqueue_dma source(%dma_start3A_78 : memref<1x72xi32, #tpu.memory_space<hbm>>) target(%arg7 : memref<1x72xi32, #tpu.memory_space<vmem>>) target_semaphore(%arg11 : memref<!tpu.dma_semaphore, #tpu.memory_space<semaphore_mem>>)
    }
    %scan3A_22 = arith.constant 69 : i32
    %dma_wait3A = arith.constant 138 : i32
    %dma_wait3A_23 = arith.constant 0 : i32
    %dma_wait3A_24 = tpu.memref_slice %arg2[%add3A, %dma_wait3A, %dma_wait3A_23] : memref<32x139x72xi32, #tpu.memory_space<hbm>> -> memref<1x1x72xi32, #tpu.memory_space<hbm>>
    %dma_wait3A_25 = tpu.memref_squeeze %dma_wait3A_24 : memref<1x1x72xi32, #tpu.memory_space<hbm>> -> memref<1x72xi32, #tpu.memory_space<hbm>>
    %dma_wait3A_26 = arith.constant 138 : i32
    %dma_wait3A_27 = arith.constant 0 : i32
    %dma_wait3A_28 = tpu.memref_slice %arg2[%add3A, %dma_wait3A_26, %dma_wait3A_27] : memref<32x139x72xi32, #tpu.memory_space<hbm>> -> memref<1x1x72xi32, #tpu.memory_space<hbm>>
    %dma_wait3A_29 = tpu.memref_squeeze %dma_wait3A_28 : memref<1x1x72xi32, #tpu.memory_space<hbm>> -> memref<1x72xi32, #tpu.memory_space<hbm>>
    tpu.wait_dma2 semaphore(%arg10 : memref<!tpu.dma_semaphore, #tpu.memory_space<semaphore_mem>>) src(%dma_wait3A_29 : memref<1x72xi32, #tpu.memory_space<hbm>>) dst(%arg6 : memref<1x72xi32, #tpu.memory_space<vmem>>)
    %run_scoped3A = arith.constant 0 : i32
    "tpu.region"() ({
      %run_scoped3A_43 = tpu.sem_alloc : memref<!tpu.dma_semaphore, #tpu.memory_space<semaphore_mem>>
      %dma_start3A_44 = arith.constant 0 : i32
      %dma_start3A_45 = tpu.memref_slice %arg6[%run_scoped3A, %dma_start3A_44] : memref<1x72xi32, #tpu.memory_space<vmem>> -> memref<1x72xi32, #tpu.memory_space<vmem>>
      %dma_start3A_46 = tpu.memref_squeeze %dma_start3A_45 : memref<1x72xi32, #tpu.memory_space<vmem>> -> memref<72xi32, #tpu.memory_space<vmem>>
      %dma_start3A_47 = arith.constant 0 : i32
      %dma_start3A_48 = arith.constant 0 : i32
      %dma_start3A_49 = tpu.memref_slice %arg9[%dma_start3A_47, %dma_start3A_48] : memref<10240x128xf32, #tpu.memory_space<vmem_shared>> -> memref<10240x128xf32, #tpu.memory_space<vmem_shared>>
      tpu.enqueue_indirect_dma source(%arg8 : memref<72x128xf32, #tpu.memory_space<vmem>>) target(%dma_start3A_49 : memref<10240x128xf32, #tpu.memory_space<vmem_shared>>) offsets(%dma_start3A_46 : memref<72xi32, #tpu.memory_space<vmem>>) semaphore(%run_scoped3A_43 : memref<!tpu.dma_semaphore, #tpu.memory_space<semaphore_mem>>) {add = true}
      %dma_wait3A_50 = arith.constant 0 : i32
      %dma_wait3A_51 = tpu.memref_slice %arg6[%run_scoped3A, %dma_wait3A_50] : memref<1x72xi32, #tpu.memory_space<vmem>> -> memref<1x72xi32, #tpu.memory_space<vmem>>
      %dma_wait3A_52 = tpu.memref_squeeze %dma_wait3A_51 : memref<1x72xi32, #tpu.memory_space<vmem>> -> memref<72xi32, #tpu.memory_space<vmem>>
      %dma_wait3A_53 = arith.constant 0 : i32
      %dma_wait3A_54 = arith.constant 0 : i32
      %dma_wait3A_55 = tpu.memref_slice %arg9[%dma_wait3A_53, %dma_wait3A_54] : memref<10240x128xf32, #tpu.memory_space<vmem_shared>> -> memref<10240x128xf32, #tpu.memory_space<vmem_shared>>
      tpu.wait_indirect_dma semaphore(%run_scoped3A_43 : memref<!tpu.dma_semaphore, #tpu.memory_space<semaphore_mem>>) src(%arg8 : memref<72x128xf32, #tpu.memory_space<vmem>>) dst(%dma_wait3A_55 : memref<10240x128xf32, #tpu.memory_space<vmem_shared>>)
      tpu.yield
    }) : () -> ()
    %dma_wait3A_30 = arith.constant 0 : i32
    %dma_wait3A_31 = arith.constant 0 : i32
    %dma_wait3A_32 = tpu.memref_slice %arg2[%add3A, %dma_wait3A_30, %dma_wait3A_31] : memref<32x139x72xi32, #tpu.memory_space<hbm>> -> memref<1x1x72xi32, #tpu.memory_space<hbm>>
    %dma_wait3A_33 = tpu.memref_squeeze %dma_wait3A_32 : memref<1x1x72xi32, #tpu.memory_space<hbm>> -> memref<1x72xi32, #tpu.memory_space<hbm>>
    %dma_wait3A_34 = arith.constant 0 : i32
    %dma_wait3A_35 = arith.constant 0 : i32
    %dma_wait3A_36 = tpu.memref_slice %arg2[%add3A, %dma_wait3A_34, %dma_wait3A_35] : memref<32x139x72xi32, #tpu.memory_space<hbm>> -> memref<1x1x72xi32, #tpu.memory_space<hbm>>
    %dma_wait3A_37 = tpu.memref_squeeze %dma_wait3A_36 : memref<1x1x72xi32, #tpu.memory_space<hbm>> -> memref<1x72xi32, #tpu.memory_space<hbm>>
    tpu.wait_dma2 semaphore(%arg11 : memref<!tpu.dma_semaphore, #tpu.memory_space<semaphore_mem>>) src(%dma_wait3A_37 : memref<1x72xi32, #tpu.memory_space<hbm>>) dst(%arg7 : memref<1x72xi32, #tpu.memory_space<vmem>>)
    %barrier3A_38 = arith.constant 0 : index
    tpu.barrier barrier_id(%barrier3A_38)
    %mul3A_39 = arith.constant 640 : i32
    %mul3A_40 = arith.muli %arg1, %mul3A_39 : i32
    %mul3A_41 = arith.constant 640 : i32
    %mul3A_42 = arith.muli %arg1, %mul3A_41 : i32
    "tpu.region"() ({
      %run_scoped3A_43 = tpu.sem_alloc : memref<!tpu.dma_semaphore, #tpu.memory_space<semaphore_mem>>
      %dma_start3A_44 = arith.constant 0 : i32
      %dma_start3A_45 = tpu.memref_slice %arg5[%arg0, %mul3A_42, %dma_start3A_44] : memref<2x10240x128xf32, #tpu.memory_space<hbm>> -> memref<1x640x128xf32, #tpu.memory_space<hbm>>
      %dma_start3A_46 = tpu.memref_squeeze %dma_start3A_45 : memref<1x640x128xf32, #tpu.memory_space<hbm>> -> memref<640x128xf32, #tpu.memory_space<hbm>>
      %dma_start3A_47 = arith.constant 0 : i32
      %dma_start3A_48 = tpu.memref_slice %arg9[%mul3A_40, %dma_start3A_47] : memref<10240x128xf32, #tpu.memory_space<vmem_shared>> -> memref<640x128xf32, #tpu.memory_space<vmem_shared>>
      tpu.enqueue_dma source(%dma_start3A_48 : memref<640x128xf32, #tpu.memory_space<vmem_shared>>) target(%dma_start3A_46 : memref<640x128xf32, #tpu.memory_space<hbm>>) target_semaphore(%run_scoped3A_43 : memref<!tpu.dma_semaphore, #tpu.memory_space<semaphore_mem>>)
      %dma_wait3A_49 = arith.constant 0 : i32
      %dma_wait3A_50 = tpu.memref_slice %arg5[%arg0, %mul3A_42, %dma_wait3A_49] : memref<2x10240x128xf32, #tpu.memory_space<hbm>> -> memref<1x640x128xf32, #tpu.memory_space<hbm>>
      %dma_wait3A_51 = tpu.memref_squeeze %dma_wait3A_50 : memref<1x640x128xf32, #tpu.memory_space<hbm>> -> memref<640x128xf32, #tpu.memory_space<hbm>>
      %dma_wait3A_52 = arith.constant 0 : i32
      %dma_wait3A_53 = tpu.memref_slice %arg9[%mul3A_40, %dma_wait3A_52] : memref<10240x128xf32, #tpu.memory_space<vmem_shared>> -> memref<640x128xf32, #tpu.memory_space<vmem_shared>>
      tpu.wait_dma2 semaphore(%run_scoped3A_43 : memref<!tpu.dma_semaphore, #tpu.memory_space<semaphore_mem>>) src(%dma_wait3A_53 : memref<640x128xf32, #tpu.memory_space<vmem_shared>>) dst(%dma_wait3A_51 : memref<640x128xf32, #tpu.memory_space<hbm>>)
      tpu.yield
    }) : () -> ()
    return
  }
}

#map = affine_map<(d0, d1) -> (0, 0)>
#map1 = affine_map<(d0, d1) -> (0, 0, 0, 0)>
#map2 = affine_map<(d0, d1) -> (0, 0, 0)>
module attributes {stable_mosaic.version = 14 : i64} {
  func.func @_edge_kernel(%arg0: i32, %arg1: i32, %arg2: memref<10240x128xf32, #tpu.memory_space<hbm>>, %arg3: memref<1000x128xi32, #tpu.memory_space<hbm>>, %arg4: memref<10000x128xf32, #tpu.memory_space<hbm>>, %arg5: memref<32x417x4x24xi32, #tpu.memory_space<hbm>>, %arg6: memref<640x128xf32, #tpu.memory_space<hbm>>, %arg7: memref<2x10240x128xf32, #tpu.memory_space<hbm>>, %arg8: memref<4x24xi32, #tpu.memory_space<vmem>>, %arg9: memref<4x24xi32, #tpu.memory_space<vmem>>, %arg10: memref<24x128xf32, #tpu.memory_space<vmem>>, %arg11: memref<24x128xf32, #tpu.memory_space<vmem>>, %arg12: memref<24x128xi32, #tpu.memory_space<vmem>>, %arg13: memref<24x128xi32, #tpu.memory_space<vmem>>, %arg14: memref<24x128xf32, #tpu.memory_space<vmem>>, %arg15: memref<24x128xf32, #tpu.memory_space<vmem>>, %arg16: memref<10240x128xf32, #tpu.memory_space<vmem_shared>>, %arg17: memref<!tpu.dma_semaphore, #tpu.memory_space<semaphore_mem>>, %arg18: memref<!tpu.dma_semaphore, #tpu.memory_space<semaphore_mem>>, %arg19: memref<!tpu.dma_semaphore, #tpu.memory_space<semaphore_mem>>, %arg20: memref<!tpu.dma_semaphore, #tpu.memory_space<semaphore_mem>>, %arg21: memref<!tpu.dma_semaphore, #tpu.memory_space<semaphore_mem>>, %arg22: memref<!tpu.dma_semaphore, #tpu.memory_space<semaphore_mem>>) attributes {dimension_semantics = [#tpu.dimension_semantics<core_parallel>, #tpu.dimension_semantics<subcore_parallel>], iteration_bounds = array<i64: 2, 16>, scalar_prefetch = 0 : i64, scratch_operands = 15 : i64, tpu.core_type = #tpu.core_type<sc_vector_subcore>, window_params = [{transform_indices = #map}, {transform_indices = #map}, {transform_indices = #map}, {transform_indices = #map1}, {transform_indices = #map}, {transform_indices = #map2}]} {
    %mul3A = arith.constant 2 : i32
    %mul3A_0 = arith.muli %arg1, %mul3A : i32
    %add3A = arith.addi %mul3A_0, %arg0 : i32
    %mul3A_1 = arith.constant 640 : i32
    %mul3A_2 = arith.muli %arg1, %mul3A_1 : i32
    "tpu.region"() ({
      %run_scoped3A = tpu.sem_alloc : memref<!tpu.dma_semaphore, #tpu.memory_space<semaphore_mem>>
      %dma_start3A_124 = arith.constant 0 : i32
      %dma_start3A_125 = tpu.memref_slice %arg16[%mul3A_2, %dma_start3A_124] : memref<10240x128xf32, #tpu.memory_space<vmem_shared>> -> memref<640x128xf32, #tpu.memory_space<vmem_shared>>
      tpu.enqueue_dma source(%arg6 : memref<640x128xf32, #tpu.memory_space<hbm>>) target(%dma_start3A_125 : memref<640x128xf32, #tpu.memory_space<vmem_shared>>) target_semaphore(%run_scoped3A : memref<!tpu.dma_semaphore, #tpu.memory_space<semaphore_mem>>)
      %dma_wait3A_126 = arith.constant 0 : i32
      %dma_wait3A_127 = tpu.memref_slice %arg16[%mul3A_2, %dma_wait3A_126] : memref<10240x128xf32, #tpu.memory_space<vmem_shared>> -> memref<640x128xf32, #tpu.memory_space<vmem_shared>>
      tpu.wait_dma2 semaphore(%run_scoped3A : memref<!tpu.dma_semaphore, #tpu.memory_space<semaphore_mem>>) src(%arg6 : memref<640x128xf32, #tpu.memory_space<hbm>>) dst(%dma_wait3A_127 : memref<640x128xf32, #tpu.memory_space<vmem_shared>>)
      tpu.yield
    }) : () -> ()
    %barrier3A = arith.constant 0 : index
    tpu.barrier barrier_id(%barrier3A)
    %dma_start3A = arith.constant 0 : i32
    %dma_start3A_3 = arith.constant 0 : i32
    %dma_start3A_4 = arith.constant 0 : i32
    %dma_start3A_5 = tpu.memref_slice %arg5[%add3A, %dma_start3A, %dma_start3A_3, %dma_start3A_4] : memref<32x417x4x24xi32, #tpu.memory_space<hbm>> -> memref<1x1x4x24xi32, #tpu.memory_space<hbm>>
    %dma_start3A_6 = tpu.memref_squeeze %dma_start3A_5 : memref<1x1x4x24xi32, #tpu.memory_space<hbm>> -> memref<4x24xi32, #tpu.memory_space<hbm>>
    %dma_start3A_7 = arith.constant 0 : i32
    %dma_start3A_8 = arith.constant 0 : i32
    %dma_start3A_9 = tpu.memref_slice %arg5[%add3A, %dma_start3A, %dma_start3A_7, %dma_start3A_8] : memref<32x417x4x24xi32, #tpu.memory_space<hbm>> -> memref<1x1x4x24xi32, #tpu.memory_space<hbm>>
    %dma_start3A_10 = tpu.memref_squeeze %dma_start3A_9 : memref<1x1x4x24xi32, #tpu.memory_space<hbm>> -> memref<4x24xi32, #tpu.memory_space<hbm>>
    tpu.enqueue_dma source(%dma_start3A_10 : memref<4x24xi32, #tpu.memory_space<hbm>>) target(%arg8 : memref<4x24xi32, #tpu.memory_space<vmem>>) target_semaphore(%arg17 : memref<!tpu.dma_semaphore, #tpu.memory_space<semaphore_mem>>)
    %dma_start3A_11 = arith.constant 1 : i32
    %dma_start3A_12 = arith.constant 0 : i32
    %dma_start3A_13 = arith.constant 0 : i32
    %dma_start3A_14 = tpu.memref_slice %arg5[%add3A, %dma_start3A_11, %dma_start3A_12, %dma_start3A_13] : memref<32x417x4x24xi32, #tpu.memory_space<hbm>> -> memref<1x1x4x24xi32, #tpu.memory_space<hbm>>
    %dma_start3A_15 = tpu.memref_squeeze %dma_start3A_14 : memref<1x1x4x24xi32, #tpu.memory_space<hbm>> -> memref<4x24xi32, #tpu.memory_space<hbm>>
    %dma_start3A_16 = arith.constant 0 : i32
    %dma_start3A_17 = arith.constant 0 : i32
    %dma_start3A_18 = tpu.memref_slice %arg5[%add3A, %dma_start3A_11, %dma_start3A_16, %dma_start3A_17] : memref<32x417x4x24xi32, #tpu.memory_space<hbm>> -> memref<1x1x4x24xi32, #tpu.memory_space<hbm>>
    %dma_start3A_19 = tpu.memref_squeeze %dma_start3A_18 : memref<1x1x4x24xi32, #tpu.memory_space<hbm>> -> memref<4x24xi32, #tpu.memory_space<hbm>>
    tpu.enqueue_dma source(%dma_start3A_19 : memref<4x24xi32, #tpu.memory_space<hbm>>) target(%arg9 : memref<4x24xi32, #tpu.memory_space<vmem>>) target_semaphore(%arg18 : memref<!tpu.dma_semaphore, #tpu.memory_space<semaphore_mem>>)
    %dma_start3A_20 = arith.constant 0 : i32
    %dma_start3A_21 = arith.constant 0 : i32
    %dma_start3A_22 = tpu.memref_slice %arg6[%dma_start3A_20, %dma_start3A_21] : memref<640x128xf32, #tpu.memory_space<hbm>> -> memref<24x128xf32, #tpu.memory_space<hbm>>
    %dma_start3A_23 = arith.constant 0 : i32
    %dma_start3A_24 = arith.constant 0 : i32
    %dma_start3A_25 = tpu.memref_slice %arg6[%dma_start3A_23, %dma_start3A_24] : memref<640x128xf32, #tpu.memory_space<hbm>> -> memref<24x128xf32, #tpu.memory_space<hbm>>
    tpu.enqueue_dma source(%dma_start3A_25 : memref<24x128xf32, #tpu.memory_space<hbm>>) target(%arg11 : memref<24x128xf32, #tpu.memory_space<vmem>>) target_semaphore(%arg22 : memref<!tpu.dma_semaphore, #tpu.memory_space<semaphore_mem>>)
    %dma_wait3A = arith.constant 0 : i32
    %dma_wait3A_26 = arith.constant 0 : i32
    %dma_wait3A_27 = arith.constant 0 : i32
    %dma_wait3A_28 = tpu.memref_slice %arg5[%add3A, %dma_wait3A, %dma_wait3A_26, %dma_wait3A_27] : memref<32x417x4x24xi32, #tpu.memory_space<hbm>> -> memref<1x1x4x24xi32, #tpu.memory_space<hbm>>
    %dma_wait3A_29 = tpu.memref_squeeze %dma_wait3A_28 : memref<1x1x4x24xi32, #tpu.memory_space<hbm>> -> memref<4x24xi32, #tpu.memory_space<hbm>>
    %dma_wait3A_30 = arith.constant 0 : i32
    %dma_wait3A_31 = arith.constant 0 : i32
    %dma_wait3A_32 = tpu.memref_slice %arg5[%add3A, %dma_wait3A, %dma_wait3A_30, %dma_wait3A_31] : memref<32x417x4x24xi32, #tpu.memory_space<hbm>> -> memref<1x1x4x24xi32, #tpu.memory_space<hbm>>
    %dma_wait3A_33 = tpu.memref_squeeze %dma_wait3A_32 : memref<1x1x4x24xi32, #tpu.memory_space<hbm>> -> memref<4x24xi32, #tpu.memory_space<hbm>>
    tpu.wait_dma2 semaphore(%arg17 : memref<!tpu.dma_semaphore, #tpu.memory_space<semaphore_mem>>) src(%dma_wait3A_33 : memref<4x24xi32, #tpu.memory_space<hbm>>) dst(%arg8 : memref<4x24xi32, #tpu.memory_space<vmem>>)
    %dma_start3A_34 = arith.constant 0 : i32
    %dma_start3A_35 = arith.constant 0 : i32
    %dma_start3A_36 = tpu.memref_slice %arg8[%dma_start3A_34, %dma_start3A_35] : memref<4x24xi32, #tpu.memory_space<vmem>> -> memref<1x24xi32, #tpu.memory_space<vmem>>
    %dma_start3A_37 = tpu.memref_squeeze %dma_start3A_36 : memref<1x24xi32, #tpu.memory_space<vmem>> -> memref<24xi32, #tpu.memory_space<vmem>>
    %dma_start3A_38 = arith.constant 0 : i32
    %dma_start3A_39 = arith.constant 0 : i32
    %dma_start3A_40 = tpu.memref_slice %arg2[%dma_start3A_38, %dma_start3A_39] : memref<10240x128xf32, #tpu.memory_space<hbm>> -> memref<10240x128xf32, #tpu.memory_space<hbm>>
    tpu.enqueue_indirect_dma source(%dma_start3A_40 : memref<10240x128xf32, #tpu.memory_space<hbm>>) target(%arg10 : memref<24x128xf32, #tpu.memory_space<vmem>>) offsets(%dma_start3A_37 : memref<24xi32, #tpu.memory_space<vmem>>) semaphore(%arg19 : memref<!tpu.dma_semaphore, #tpu.memory_space<semaphore_mem>>)
    %dma_start3A_41 = arith.constant 1 : i32
    %dma_start3A_42 = arith.constant 0 : i32
    %dma_start3A_43 = tpu.memref_slice %arg8[%dma_start3A_41, %dma_start3A_42] : memref<4x24xi32, #tpu.memory_space<vmem>> -> memref<1x24xi32, #tpu.memory_space<vmem>>
    %dma_start3A_44 = tpu.memref_squeeze %dma_start3A_43 : memref<1x24xi32, #tpu.memory_space<vmem>> -> memref<24xi32, #tpu.memory_space<vmem>>
    %dma_start3A_45 = arith.constant 0 : i32
    %dma_start3A_46 = arith.constant 0 : i32
    %dma_start3A_47 = tpu.memref_slice %arg3[%dma_start3A_45, %dma_start3A_46] : memref<1000x128xi32, #tpu.memory_space<hbm>> -> memref<1000x128xi32, #tpu.memory_space<hbm>>
    tpu.enqueue_indirect_dma source(%dma_start3A_47 : memref<1000x128xi32, #tpu.memory_space<hbm>>) target(%arg12 : memref<24x128xi32, #tpu.memory_space<vmem>>) offsets(%dma_start3A_44 : memref<24xi32, #tpu.memory_space<vmem>>) semaphore(%arg19 : memref<!tpu.dma_semaphore, #tpu.memory_space<semaphore_mem>>)
    %dma_start3A_48 = arith.constant 2 : i32
    %dma_start3A_49 = arith.constant 0 : i32
    %dma_start3A_50 = tpu.memref_slice %arg8[%dma_start3A_48, %dma_start3A_49] : memref<4x24xi32, #tpu.memory_space<vmem>> -> memref<1x24xi32, #tpu.memory_space<vmem>>
    %dma_start3A_51 = tpu.memref_squeeze %dma_start3A_50 : memref<1x24xi32, #tpu.memory_space<vmem>> -> memref<24xi32, #tpu.memory_space<vmem>>
    %dma_start3A_52 = arith.constant 0 : i32
    %dma_start3A_53 = arith.constant 0 : i32
    %dma_start3A_54 = tpu.memref_slice %arg4[%dma_start3A_52, %dma_start3A_53] : memref<10000x128xf32, #tpu.memory_space<hbm>> -> memref<10000x128xf32, #tpu.memory_space<hbm>>
    tpu.enqueue_indirect_dma source(%dma_start3A_54 : memref<10000x128xf32, #tpu.memory_space<hbm>>) target(%arg14 : memref<24x128xf32, #tpu.memory_space<vmem>>) offsets(%dma_start3A_51 : memref<24xi32, #tpu.memory_space<vmem>>) semaphore(%arg19 : memref<!tpu.dma_semaphore, #tpu.memory_space<semaphore_mem>>)
    %scan3A = arith.constant 0 : i32
    %scan3A_55 = arith.constant -65536 : i32
    %scan3A_56 = arith.constant 0 : i32
    %scan3A_57 = arith.constant 208 : i32
    %scan3A_58 = arith.addi %scan3A_56, %scan3A_57 : i32
    %scan3A_59 = arith.constant 1 : i32
    scf.for %scan3A_124 = %scan3A_56 to %scan3A_58 step %scan3A_59  : i32 {
      %mul3A_125 = arith.constant 2 : i32
      %mul3A_126 = arith.muli %mul3A_125, %scan3A_124 : i32
      %add3A_127 = arith.constant 1 : i32
      %add3A_128 = arith.addi %mul3A_126, %add3A_127 : i32
      %dma_wait3A_129 = arith.constant 0 : i32
      %dma_wait3A_130 = arith.constant 0 : i32
      %dma_wait3A_131 = tpu.memref_slice %arg8[%dma_wait3A_129, %dma_wait3A_130] : memref<4x24xi32, #tpu.memory_space<vmem>> -> memref<1x24xi32, #tpu.memory_space<vmem>>
      %dma_wait3A_132 = tpu.memref_squeeze %dma_wait3A_131 : memref<1x24xi32, #tpu.memory_space<vmem>> -> memref<24xi32, #tpu.memory_space<vmem>>
      %dma_wait3A_133 = arith.constant 0 : i32
      %dma_wait3A_134 = arith.constant 0 : i32
      %dma_wait3A_135 = tpu.memref_slice %arg2[%dma_wait3A_133, %dma_wait3A_134] : memref<10240x128xf32, #tpu.memory_space<hbm>> -> memref<10240x128xf32, #tpu.memory_space<hbm>>
      tpu.wait_indirect_dma semaphore(%arg19 : memref<!tpu.dma_semaphore, #tpu.memory_space<semaphore_mem>>) src(%dma_wait3A_135 : memref<10240x128xf32, #tpu.memory_space<hbm>>) dst(%arg10 : memref<24x128xf32, #tpu.memory_space<vmem>>)
      %dma_wait3A_136 = arith.constant 1 : i32
      %dma_wait3A_137 = arith.constant 0 : i32
      %dma_wait3A_138 = tpu.memref_slice %arg8[%dma_wait3A_136, %dma_wait3A_137] : memref<4x24xi32, #tpu.memory_space<vmem>> -> memref<1x24xi32, #tpu.memory_space<vmem>>
      %dma_wait3A_139 = tpu.memref_squeeze %dma_wait3A_138 : memref<1x24xi32, #tpu.memory_space<vmem>> -> memref<24xi32, #tpu.memory_space<vmem>>
      %dma_wait3A_140 = arith.constant 0 : i32
      %dma_wait3A_141 = arith.constant 0 : i32
      %dma_wait3A_142 = tpu.memref_slice %arg3[%dma_wait3A_140, %dma_wait3A_141] : memref<1000x128xi32, #tpu.memory_space<hbm>> -> memref<1000x128xi32, #tpu.memory_space<hbm>>
      tpu.wait_indirect_dma semaphore(%arg19 : memref<!tpu.dma_semaphore, #tpu.memory_space<semaphore_mem>>) src(%dma_wait3A_142 : memref<1000x128xi32, #tpu.memory_space<hbm>>) dst(%arg12 : memref<24x128xi32, #tpu.memory_space<vmem>>)
      %dma_wait3A_143 = arith.constant 2 : i32
      %dma_wait3A_144 = arith.constant 0 : i32
      %dma_wait3A_145 = tpu.memref_slice %arg8[%dma_wait3A_143, %dma_wait3A_144] : memref<4x24xi32, #tpu.memory_space<vmem>> -> memref<1x24xi32, #tpu.memory_space<vmem>>
      %dma_wait3A_146 = tpu.memref_squeeze %dma_wait3A_145 : memref<1x24xi32, #tpu.memory_space<vmem>> -> memref<24xi32, #tpu.memory_space<vmem>>
      %dma_wait3A_147 = arith.constant 0 : i32
      %dma_wait3A_148 = arith.constant 0 : i32
      %dma_wait3A_149 = tpu.memref_slice %arg4[%dma_wait3A_147, %dma_wait3A_148] : memref<10000x128xf32, #tpu.memory_space<hbm>> -> memref<10000x128xf32, #tpu.memory_space<hbm>>
      tpu.wait_indirect_dma semaphore(%arg19 : memref<!tpu.dma_semaphore, #tpu.memory_space<semaphore_mem>>) src(%dma_wait3A_149 : memref<10000x128xf32, #tpu.memory_space<hbm>>) dst(%arg14 : memref<24x128xf32, #tpu.memory_space<vmem>>)
      %dma_wait3A_150 = arith.constant 0 : i32
      %dma_wait3A_151 = arith.constant 0 : i32
      %dma_wait3A_152 = tpu.memref_slice %arg5[%add3A, %add3A_128, %dma_wait3A_150, %dma_wait3A_151] : memref<32x417x4x24xi32, #tpu.memory_space<hbm>> -> memref<1x1x4x24xi32, #tpu.memory_space<hbm>>
      %dma_wait3A_153 = tpu.memref_squeeze %dma_wait3A_152 : memref<1x1x4x24xi32, #tpu.memory_space<hbm>> -> memref<4x24xi32, #tpu.memory_space<hbm>>
      %dma_wait3A_154 = arith.constant 0 : i32
      %dma_wait3A_155 = arith.constant 0 : i32
      %dma_wait3A_156 = tpu.memref_slice %arg5[%add3A, %add3A_128, %dma_wait3A_154, %dma_wait3A_155] : memref<32x417x4x24xi32, #tpu.memory_space<hbm>> -> memref<1x1x4x24xi32, #tpu.memory_space<hbm>>
      %dma_wait3A_157 = tpu.memref_squeeze %dma_wait3A_156 : memref<1x1x4x24xi32, #tpu.memory_space<hbm>> -> memref<4x24xi32, #tpu.memory_space<hbm>>
      tpu.wait_dma2 semaphore(%arg18 : memref<!tpu.dma_semaphore, #tpu.memory_space<semaphore_mem>>) src(%dma_wait3A_157 : memref<4x24xi32, #tpu.memory_space<hbm>>) dst(%arg9 : memref<4x24xi32, #tpu.memory_space<vmem>>)
      %dma_wait3A_158 = arith.constant 3 : i32
      %dma_wait3A_159 = arith.constant 0 : i32
      %dma_wait3A_160 = tpu.memref_slice %arg9[%dma_wait3A_158, %dma_wait3A_159] : memref<4x24xi32, #tpu.memory_space<vmem>> -> memref<1x24xi32, #tpu.memory_space<vmem>>
      %dma_wait3A_161 = tpu.memref_squeeze %dma_wait3A_160 : memref<1x24xi32, #tpu.memory_space<vmem>> -> memref<24xi32, #tpu.memory_space<vmem>>
      %dma_wait3A_162 = arith.constant 0 : i32
      %dma_wait3A_163 = arith.constant 0 : i32
      %dma_wait3A_164 = tpu.memref_slice %arg16[%dma_wait3A_162, %dma_wait3A_163] : memref<10240x128xf32, #tpu.memory_space<vmem_shared>> -> memref<10240x128xf32, #tpu.memory_space<vmem_shared>>
      tpu.wait_indirect_dma semaphore(%arg22 : memref<!tpu.dma_semaphore, #tpu.memory_space<semaphore_mem>>) src(%arg11 : memref<24x128xf32, #tpu.memory_space<vmem>>) dst(%dma_wait3A_164 : memref<10240x128xf32, #tpu.memory_space<vmem_shared>>)
      %dma_start3A_165 = arith.constant 0 : i32
      %dma_start3A_166 = arith.constant 0 : i32
      %dma_start3A_167 = tpu.memref_slice %arg9[%dma_start3A_165, %dma_start3A_166] : memref<4x24xi32, #tpu.memory_space<vmem>> -> memref<1x24xi32, #tpu.memory_space<vmem>>
      %dma_start3A_168 = tpu.memref_squeeze %dma_start3A_167 : memref<1x24xi32, #tpu.memory_space<vmem>> -> memref<24xi32, #tpu.memory_space<vmem>>
      %dma_start3A_169 = arith.constant 0 : i32
      %dma_start3A_170 = arith.constant 0 : i32
      %dma_start3A_171 = tpu.memref_slice %arg2[%dma_start3A_169, %dma_start3A_170] : memref<10240x128xf32, #tpu.memory_space<hbm>> -> memref<10240x128xf32, #tpu.memory_space<hbm>>
      tpu.enqueue_indirect_dma source(%dma_start3A_171 : memref<10240x128xf32, #tpu.memory_space<hbm>>) target(%arg11 : memref<24x128xf32, #tpu.memory_space<vmem>>) offsets(%dma_start3A_168 : memref<24xi32, #tpu.memory_space<vmem>>) semaphore(%arg20 : memref<!tpu.dma_semaphore, #tpu.memory_space<semaphore_mem>>)
      %dma_start3A_172 = arith.constant 1 : i32
      %dma_start3A_173 = arith.constant 0 : i32
      %dma_start3A_174 = tpu.memref_slice %arg9[%dma_start3A_172, %dma_start3A_173] : memref<4x24xi32, #tpu.memory_space<vmem>> -> memref<1x24xi32, #tpu.memory_space<vmem>>
      %dma_start3A_175 = tpu.memref_squeeze %dma_start3A_174 : memref<1x24xi32, #tpu.memory_space<vmem>> -> memref<24xi32, #tpu.memory_space<vmem>>
      %dma_start3A_176 = arith.constant 0 : i32
      %dma_start3A_177 = arith.constant 0 : i32
      %dma_start3A_178 = tpu.memref_slice %arg3[%dma_start3A_176, %dma_start3A_177] : memref<1000x128xi32, #tpu.memory_space<hbm>> -> memref<1000x128xi32, #tpu.memory_space<hbm>>
      tpu.enqueue_indirect_dma source(%dma_start3A_178 : memref<1000x128xi32, #tpu.memory_space<hbm>>) target(%arg13 : memref<24x128xi32, #tpu.memory_space<vmem>>) offsets(%dma_start3A_175 : memref<24xi32, #tpu.memory_space<vmem>>) semaphore(%arg20 : memref<!tpu.dma_semaphore, #tpu.memory_space<semaphore_mem>>)
      %dma_start3A_179 = arith.constant 2 : i32
      %dma_start3A_180 = arith.constant 0 : i32
      %dma_start3A_181 = tpu.memref_slice %arg9[%dma_start3A_179, %dma_start3A_180] : memref<4x24xi32, #tpu.memory_space<vmem>> -> memref<1x24xi32, #tpu.memory_space<vmem>>
      %dma_start3A_182 = tpu.memref_squeeze %dma_start3A_181 : memref<1x24xi32, #tpu.memory_space<vmem>> -> memref<24xi32, #tpu.memory_space<vmem>>
      %dma_start3A_183 = arith.constant 0 : i32
      %dma_start3A_184 = arith.constant 0 : i32
      %dma_start3A_185 = tpu.memref_slice %arg4[%dma_start3A_183, %dma_start3A_184] : memref<10000x128xf32, #tpu.memory_space<hbm>> -> memref<10000x128xf32, #tpu.memory_space<hbm>>
      tpu.enqueue_indirect_dma source(%dma_start3A_185 : memref<10000x128xf32, #tpu.memory_space<hbm>>) target(%arg15 : memref<24x128xf32, #tpu.memory_space<vmem>>) offsets(%dma_start3A_182 : memref<24xi32, #tpu.memory_space<vmem>>) semaphore(%arg20 : memref<!tpu.dma_semaphore, #tpu.memory_space<semaphore_mem>>)
      %scan3A_186 = arith.constant 0 : i32
      %scan3A_187 = arith.constant 0 : i32
      %scan3A_188 = arith.constant 12 : i32
      %scan3A_189 = arith.addi %scan3A_187, %scan3A_188 : i32
      %scan3A_190 = arith.constant 1 : i32
      scf.for %scan3A_292 = %scan3A_187 to %scan3A_189 step %scan3A_190  : i32 {
        %mul3A_293 = arith.constant 2 : i32
        %mul3A_294 = arith.muli %mul3A_293, %scan3A_292 : i32
        %add3A_295 = arith.constant 0 : i32
        %add3A_296 = arith.addi %mul3A_294, %add3A_295 : i32
        %get3A = arith.index_cast %add3A_296 : i32 to index
        %get3A_297 = arith.constant 0 : index
        %get3A_298 = tpu.vector_load %arg12[%get3A, %get3A_297] {strides = array<i32>} : memref<24x128xi32, #tpu.memory_space<vmem>>, vector<1x16xi32>,
        %get3A_299 = vector.shape_cast %get3A_298 : vector<1x16xi32> to vector<16xi32>
        %shift_left3A = arith.constant 16 : i32
        %shift_left3A_300 = vector.broadcast %shift_left3A : i32 to vector<16xi32>
        %shift_left3A_301 = arith.shli %get3A_299, %shift_left3A_300 : vector<16xi32>
        %bitcast_convert_type3A = tpu.bitcast %shift_left3A_301 : vector<16xi32> -> vector<16xf32>
        %and3A = vector.broadcast %scan3A_55 : i32 to vector<16xi32>
        %and3A_302 = arith.andi %get3A_299, %and3A : vector<16xi32>
        %bitcast_convert_type3A_303 = tpu.bitcast %and3A_302 : vector<16xi32> -> vector<16xf32>
        %get3A_304 = arith.index_cast %add3A_296 : i32 to index
        %get3A_305 = arith.constant 64 : index
        %get3A_306 = tpu.vector_load %arg12[%get3A_304, %get3A_305] {strides = array<i32>} : memref<24x128xi32, #tpu.memory_space<vmem>>, vector<1x16xi32>,
        %get3A_307 = vector.shape_cast %get3A_306 : vector<1x16xi32> to vector<16xi32>
        %shift_left3A_308 = arith.constant 16 : i32
        %shift_left3A_309 = vector.broadcast %shift_left3A_308 : i32 to vector<16xi32>
        %shift_left3A_310 = arith.shli %get3A_307, %shift_left3A_309 : vector<16xi32>
        %bitcast_convert_type3A_311 = tpu.bitcast %shift_left3A_310 : vector<16xi32> -> vector<16xf32>
        %and3A_312 = vector.broadcast %scan3A_55 : i32 to vector<16xi32>
        %and3A_313 = arith.andi %get3A_307, %and3A_312 : vector<16xi32>
        %bitcast_convert_type3A_314 = tpu.bitcast %and3A_313 : vector<16xi32> -> vector<16xf32>
        %get3A_315 = arith.index_cast %add3A_296 : i32 to index
        %get3A_316 = arith.constant 0 : index
        %get3A_317 = tpu.vector_load %arg10[%get3A_315, %get3A_316] {strides = array<i32>} : memref<24x128xf32, #tpu.memory_space<vmem>>, vector<1x16xf32>,
        %get3A_318 = vector.shape_cast %get3A_317 : vector<1x16xf32> to vector<16xf32>
        %get3A_319 = arith.index_cast %add3A_296 : i32 to index
        %get3A_320 = arith.constant 0 : index
        %get3A_321 = tpu.vector_load %arg14[%get3A_319, %get3A_320] {strides = array<i32>} : memref<24x128xf32, #tpu.memory_space<vmem>>, vector<1x16xf32>,
        %get3A_322 = vector.shape_cast %get3A_321 : vector<1x16xf32> to vector<16xf32>
        %mul3A_323 = arith.mulf %bitcast_convert_type3A, %get3A_322 : vector<16xf32>
        %add3A_324 = arith.addf %mul3A_323, %bitcast_convert_type3A_311 : vector<16xf32>
        %mul3A_325 = arith.mulf %get3A_318, %add3A_324 : vector<16xf32>
        %swap3A = arith.index_cast %add3A_296 : i32 to index
        %swap3A_326 = arith.constant 0 : index
        %swap3A_327 = tpu.vector_load %arg10[%swap3A, %swap3A_326] {strides = array<i32>} : memref<24x128xf32, #tpu.memory_space<vmem>>, vector<1x16xf32>,
        %swap3A_328 = vector.shape_cast %swap3A_327 : vector<1x16xf32> to vector<16xf32>
        %swap3A_329 = vector.shape_cast %mul3A_325 : vector<16xf32> to vector<1x16xf32>
        tpu.vector_store %arg10[%swap3A, %swap3A_326], %swap3A_329 {strides = array<i32>} : memref<24x128xf32, #tpu.memory_space<vmem>>, vector<1x16xf32>,
        %get3A_330 = arith.index_cast %add3A_296 : i32 to index
        %get3A_331 = arith.constant 16 : index
        %get3A_332 = tpu.vector_load %arg10[%get3A_330, %get3A_331] {strides = array<i32>} : memref<24x128xf32, #tpu.memory_space<vmem>>, vector<1x16xf32>,
        %get3A_333 = vector.shape_cast %get3A_332 : vector<1x16xf32> to vector<16xf32>
        %get3A_334 = arith.index_cast %add3A_296 : i32 to index
        %get3A_335 = arith.constant 16 : index
        %get3A_336 = tpu.vector_load %arg14[%get3A_334, %get3A_335] {strides = array<i32>} : memref<24x128xf32, #tpu.memory_space<vmem>>, vector<1x16xf32>,
        %get3A_337 = vector.shape_cast %get3A_336 : vector<1x16xf32> to vector<16xf32>
        %mul3A_338 = arith.mulf %bitcast_convert_type3A_303, %get3A_337 : vector<16xf32>
        %add3A_339 = arith.addf %mul3A_338, %bitcast_convert_type3A_314 : vector<16xf32>
        %mul3A_340 = arith.mulf %get3A_333, %add3A_339 : vector<16xf32>
        %swap3A_341 = arith.index_cast %add3A_296 : i32 to index
        %swap3A_342 = arith.constant 16 : index
        %swap3A_343 = tpu.vector_load %arg10[%swap3A_341, %swap3A_342] {strides = array<i32>} : memref<24x128xf32, #tpu.memory_space<vmem>>, vector<1x16xf32>,
        %swap3A_344 = vector.shape_cast %swap3A_343 : vector<1x16xf32> to vector<16xf32>
        %swap3A_345 = vector.shape_cast %mul3A_340 : vector<16xf32> to vector<1x16xf32>
        tpu.vector_store %arg10[%swap3A_341, %swap3A_342], %swap3A_345 {strides = array<i32>} : memref<24x128xf32, #tpu.memory_space<vmem>>, vector<1x16xf32>,
        %get3A_346 = arith.index_cast %add3A_296 : i32 to index
        %get3A_347 = arith.constant 16 : index
        %get3A_348 = tpu.vector_load %arg12[%get3A_346, %get3A_347] {strides = array<i32>} : memref<24x128xi32, #tpu.memory_space<vmem>>, vector<1x16xi32>,
        %get3A_349 = vector.shape_cast %get3A_348 : vector<1x16xi32> to vector<16xi32>
        %shift_left3A_350 = arith.constant 16 : i32
        %shift_left3A_351 = vector.broadcast %shift_left3A_350 : i32 to vector<16xi32>
        %shift_left3A_352 = arith.shli %get3A_349, %shift_left3A_351 : vector<16xi32>
        %bitcast_convert_type3A_353 = tpu.bitcast %shift_left3A_352 : vector<16xi32> -> vector<16xf32>
        %and3A_354 = vector.broadcast %scan3A_55 : i32 to vector<16xi32>
        %and3A_355 = arith.andi %get3A_349, %and3A_354 : vector<16xi32>
        %bitcast_convert_type3A_356 = tpu.bitcast %and3A_355 : vector<16xi32> -> vector<16xf32>
        %get3A_357 = arith.index_cast %add3A_296 : i32 to index
        %get3A_358 = arith.constant 80 : index
        %get3A_359 = tpu.vector_load %arg12[%get3A_357, %get3A_358] {strides = array<i32>} : memref<24x128xi32, #tpu.memory_space<vmem>>, vector<1x16xi32>,
        %get3A_360 = vector.shape_cast %get3A_359 : vector<1x16xi32> to vector<16xi32>
        %shift_left3A_361 = arith.constant 16 : i32
        %shift_left3A_362 = vector.broadcast %shift_left3A_361 : i32 to vector<16xi32>
        %shift_left3A_363 = arith.shli %get3A_360, %shift_left3A_362 : vector<16xi32>
        %bitcast_convert_type3A_364 = tpu.bitcast %shift_left3A_363 : vector<16xi32> -> vector<16xf32>
        %and3A_365 = vector.broadcast %scan3A_55 : i32 to vector<16xi32>
        %and3A_366 = arith.andi %get3A_360, %and3A_365 : vector<16xi32>
        %bitcast_convert_type3A_367 = tpu.bitcast %and3A_366 : vector<16xi32> -> vector<16xf32>
        %get3A_368 = arith.index_cast %add3A_296 : i32 to index
        %get3A_369 = arith.constant 32 : index
        %get3A_370 = tpu.vector_load %arg10[%get3A_368, %get3A_369] {strides = array<i32>} : memref<24x128xf32, #tpu.memory_space<vmem>>, vector<1x16xf32>,
        %get3A_371 = vector.shape_cast %get3A_370 : vector<1x16xf32> to vector<16xf32>
        %get3A_372 = arith.index_cast %add3A_296 : i32 to index
        %get3A_373 = arith.constant 32 : index
        %get3A_374 = tpu.vector_load %arg14[%get3A_372, %get3A_373] {strides = array<i32>} : memref<24x128xf32, #tpu.memory_space<vmem>>, vector<1x16xf32>,
        %get3A_375 = vector.shape_cast %get3A_374 : vector<1x16xf32> to vector<16xf32>
        %mul3A_376 = arith.mulf %bitcast_convert_type3A_353, %get3A_375 : vector<16xf32>
        %add3A_377 = arith.addf %mul3A_376, %bitcast_convert_type3A_364 : vector<16xf32>
        %mul3A_378 = arith.mulf %get3A_371, %add3A_377 : vector<16xf32>
        %swap3A_379 = arith.index_cast %add3A_296 : i32 to index
        %swap3A_380 = arith.constant 32 : index
        %swap3A_381 = tpu.vector_load %arg10[%swap3A_379, %swap3A_380] {strides = array<i32>} : memref<24x128xf32, #tpu.memory_space<vmem>>, vector<1x16xf32>,
        %swap3A_382 = vector.shape_cast %swap3A_381 : vector<1x16xf32> to vector<16xf32>
        %swap3A_383 = vector.shape_cast %mul3A_378 : vector<16xf32> to vector<1x16xf32>
        tpu.vector_store %arg10[%swap3A_379, %swap3A_380], %swap3A_383 {strides = array<i32>} : memref<24x128xf32, #tpu.memory_space<vmem>>, vector<1x16xf32>,
        %get3A_384 = arith.index_cast %add3A_296 : i32 to index
        %get3A_385 = arith.constant 48 : index
        %get3A_386 = tpu.vector_load %arg10[%get3A_384, %get3A_385] {strides = array<i32>} : memref<24x128xf32, #tpu.memory_space<vmem>>, vector<1x16xf32>,
        %get3A_387 = vector.shape_cast %get3A_386 : vector<1x16xf32> to vector<16xf32>
        %get3A_388 = arith.index_cast %add3A_296 : i32 to index
        %get3A_389 = arith.constant 48 : index
        %get3A_390 = tpu.vector_load %arg14[%get3A_388, %get3A_389] {strides = array<i32>} : memref<24x128xf32, #tpu.memory_space<vmem>>, vector<1x16xf32>,
        %get3A_391 = vector.shape_cast %get3A_390 : vector<1x16xf32> to vector<16xf32>
        %mul3A_392 = arith.mulf %bitcast_convert_type3A_356, %get3A_391 : vector<16xf32>
        %add3A_393 = arith.addf %mul3A_392, %bitcast_convert_type3A_367 : vector<16xf32>
        %mul3A_394 = arith.mulf %get3A_387, %add3A_393 : vector<16xf32>
        %swap3A_395 = arith.index_cast %add3A_296 : i32 to index
        %swap3A_396 = arith.constant 48 : index
        %swap3A_397 = tpu.vector_load %arg10[%swap3A_395, %swap3A_396] {strides = array<i32>} : memref<24x128xf32, #tpu.memory_space<vmem>>, vector<1x16xf32>,
        %swap3A_398 = vector.shape_cast %swap3A_397 : vector<1x16xf32> to vector<16xf32>
        %swap3A_399 = vector.shape_cast %mul3A_394 : vector<16xf32> to vector<1x16xf32>
        tpu.vector_store %arg10[%swap3A_395, %swap3A_396], %swap3A_399 {strides = array<i32>} : memref<24x128xf32, #tpu.memory_space<vmem>>, vector<1x16xf32>,
        %get3A_400 = arith.index_cast %add3A_296 : i32 to index
        %get3A_401 = arith.constant 32 : index
        %get3A_402 = tpu.vector_load %arg12[%get3A_400, %get3A_401] {strides = array<i32>} : memref<24x128xi32, #tpu.memory_space<vmem>>, vector<1x16xi32>,
        %get3A_403 = vector.shape_cast %get3A_402 : vector<1x16xi32> to vector<16xi32>
        %shift_left3A_404 = arith.constant 16 : i32
        %shift_left3A_405 = vector.broadcast %shift_left3A_404 : i32 to vector<16xi32>
        %shift_left3A_406 = arith.shli %get3A_403, %shift_left3A_405 : vector<16xi32>
        %bitcast_convert_type3A_407 = tpu.bitcast %shift_left3A_406 : vector<16xi32> -> vector<16xf32>
        %and3A_408 = vector.broadcast %scan3A_55 : i32 to vector<16xi32>
        %and3A_409 = arith.andi %get3A_403, %and3A_408 : vector<16xi32>
        %bitcast_convert_type3A_410 = tpu.bitcast %and3A_409 : vector<16xi32> -> vector<16xf32>
        %get3A_411 = arith.index_cast %add3A_296 : i32 to index
        %get3A_412 = arith.constant 96 : index
        %get3A_413 = tpu.vector_load %arg12[%get3A_411, %get3A_412] {strides = array<i32>} : memref<24x128xi32, #tpu.memory_space<vmem>>, vector<1x16xi32>,
        %get3A_414 = vector.shape_cast %get3A_413 : vector<1x16xi32> to vector<16xi32>
        %shift_left3A_415 = arith.constant 16 : i32
        %shift_left3A_416 = vector.broadcast %shift_left3A_415 : i32 to vector<16xi32>
        %shift_left3A_417 = arith.shli %get3A_414, %shift_left3A_416 : vector<16xi32>
        %bitcast_convert_type3A_418 = tpu.bitcast %shift_left3A_417 : vector<16xi32> -> vector<16xf32>
        %and3A_419 = vector.broadcast %scan3A_55 : i32 to vector<16xi32>
        %and3A_420 = arith.andi %get3A_414, %and3A_419 : vector<16xi32>
        %bitcast_convert_type3A_421 = tpu.bitcast %and3A_420 : vector<16xi32> -> vector<16xf32>
        %get3A_422 = arith.index_cast %add3A_296 : i32 to index
        %get3A_423 = arith.constant 64 : index
        %get3A_424 = tpu.vector_load %arg10[%get3A_422, %get3A_423] {strides = array<i32>} : memref<24x128xf32, #tpu.memory_space<vmem>>, vector<1x16xf32>,
        %get3A_425 = vector.shape_cast %get3A_424 : vector<1x16xf32> to vector<16xf32>
        %get3A_426 = arith.index_cast %add3A_296 : i32 to index
        %get3A_427 = arith.constant 64 : index
        %get3A_428 = tpu.vector_load %arg14[%get3A_426, %get3A_427] {strides = array<i32>} : memref<24x128xf32, #tpu.memory_space<vmem>>, vector<1x16xf32>,
        %get3A_429 = vector.shape_cast %get3A_428 : vector<1x16xf32> to vector<16xf32>
        %mul3A_430 = arith.mulf %bitcast_convert_type3A_407, %get3A_429 : vector<16xf32>
        %add3A_431 = arith.addf %mul3A_430, %bitcast_convert_type3A_418 : vector<16xf32>
        %mul3A_432 = arith.mulf %get3A_425, %add3A_431 : vector<16xf32>
        %swap3A_433 = arith.index_cast %add3A_296 : i32 to index
        %swap3A_434 = arith.constant 64 : index
        %swap3A_435 = tpu.vector_load %arg10[%swap3A_433, %swap3A_434] {strides = array<i32>} : memref<24x128xf32, #tpu.memory_space<vmem>>, vector<1x16xf32>,
        %swap3A_436 = vector.shape_cast %swap3A_435 : vector<1x16xf32> to vector<16xf32>
        %swap3A_437 = vector.shape_cast %mul3A_432 : vector<16xf32> to vector<1x16xf32>
        tpu.vector_store %arg10[%swap3A_433, %swap3A_434], %swap3A_437 {strides = array<i32>} : memref<24x128xf32, #tpu.memory_space<vmem>>, vector<1x16xf32>,
        %get3A_438 = arith.index_cast %add3A_296 : i32 to index
        %get3A_439 = arith.constant 80 : index
        %get3A_440 = tpu.vector_load %arg10[%get3A_438, %get3A_439] {strides = array<i32>} : memref<24x128xf32, #tpu.memory_space<vmem>>, vector<1x16xf32>,
        %get3A_441 = vector.shape_cast %get3A_440 : vector<1x16xf32> to vector<16xf32>
        %get3A_442 = arith.index_cast %add3A_296 : i32 to index
        %get3A_443 = arith.constant 80 : index
        %get3A_444 = tpu.vector_load %arg14[%get3A_442, %get3A_443] {strides = array<i32>} : memref<24x128xf32, #tpu.memory_space<vmem>>, vector<1x16xf32>,
        %get3A_445 = vector.shape_cast %get3A_444 : vector<1x16xf32> to vector<16xf32>
        %mul3A_446 = arith.mulf %bitcast_convert_type3A_410, %get3A_445 : vector<16xf32>
        %add3A_447 = arith.addf %mul3A_446, %bitcast_convert_type3A_421 : vector<16xf32>
        %mul3A_448 = arith.mulf %get3A_441, %add3A_447 : vector<16xf32>
        %swap3A_449 = arith.index_cast %add3A_296 : i32 to index
        %swap3A_450 = arith.constant 80 : index
        %swap3A_451 = tpu.vector_load %arg10[%swap3A_449, %swap3A_450] {strides = array<i32>} : memref<24x128xf32, #tpu.memory_space<vmem>>, vector<1x16xf32>,
        %swap3A_452 = vector.shape_cast %swap3A_451 : vector<1x16xf32> to vector<16xf32>
        %swap3A_453 = vector.shape_cast %mul3A_448 : vector<16xf32> to vector<1x16xf32>
        tpu.vector_store %arg10[%swap3A_449, %swap3A_450], %swap3A_453 {strides = array<i32>} : memref<24x128xf32, #tpu.memory_space<vmem>>, vector<1x16xf32>,
        %get3A_454 = arith.index_cast %add3A_296 : i32 to index
        %get3A_455 = arith.constant 48 : index
        %get3A_456 = tpu.vector_load %arg12[%get3A_454, %get3A_455] {strides = array<i32>} : memref<24x128xi32, #tpu.memory_space<vmem>>, vector<1x16xi32>,
        %get3A_457 = vector.shape_cast %get3A_456 : vector<1x16xi32> to vector<16xi32>
        %shift_left3A_458 = arith.constant 16 : i32
        %shift_left3A_459 = vector.broadcast %shift_left3A_458 : i32 to vector<16xi32>
        %shift_left3A_460 = arith.shli %get3A_457, %shift_left3A_459 : vector<16xi32>
        %bitcast_convert_type3A_461 = tpu.bitcast %shift_left3A_460 : vector<16xi32> -> vector<16xf32>
        %and3A_462 = vector.broadcast %scan3A_55 : i32 to vector<16xi32>
        %and3A_463 = arith.andi %get3A_457, %and3A_462 : vector<16xi32>
        %bitcast_convert_type3A_464 = tpu.bitcast %and3A_463 : vector<16xi32> -> vector<16xf32>
        %get3A_465 = arith.index_cast %add3A_296 : i32 to index
        %get3A_466 = arith.constant 112 : index
        %get3A_467 = tpu.vector_load %arg12[%get3A_465, %get3A_466] {strides = array<i32>} : memref<24x128xi32, #tpu.memory_space<vmem>>, vector<1x16xi32>,
        %get3A_468 = vector.shape_cast %get3A_467 : vector<1x16xi32> to vector<16xi32>
        %shift_left3A_469 = arith.constant 16 : i32
        %shift_left3A_470 = vector.broadcast %shift_left3A_469 : i32 to vector<16xi32>
        %shift_left3A_471 = arith.shli %get3A_468, %shift_left3A_470 : vector<16xi32>
        %bitcast_convert_type3A_472 = tpu.bitcast %shift_left3A_471 : vector<16xi32> -> vector<16xf32>
        %and3A_473 = vector.broadcast %scan3A_55 : i32 to vector<16xi32>
        %and3A_474 = arith.andi %get3A_468, %and3A_473 : vector<16xi32>
        %bitcast_convert_type3A_475 = tpu.bitcast %and3A_474 : vector<16xi32> -> vector<16xf32>
        %get3A_476 = arith.index_cast %add3A_296 : i32 to index
        %get3A_477 = arith.constant 96 : index
        %get3A_478 = tpu.vector_load %arg10[%get3A_476, %get3A_477] {strides = array<i32>} : memref<24x128xf32, #tpu.memory_space<vmem>>, vector<1x16xf32>,
        %get3A_479 = vector.shape_cast %get3A_478 : vector<1x16xf32> to vector<16xf32>
        %get3A_480 = arith.index_cast %add3A_296 : i32 to index
        %get3A_481 = arith.constant 96 : index
        %get3A_482 = tpu.vector_load %arg14[%get3A_480, %get3A_481] {strides = array<i32>} : memref<24x128xf32, #tpu.memory_space<vmem>>, vector<1x16xf32>,
        %get3A_483 = vector.shape_cast %get3A_482 : vector<1x16xf32> to vector<16xf32>
        %mul3A_484 = arith.mulf %bitcast_convert_type3A_461, %get3A_483 : vector<16xf32>
        %add3A_485 = arith.addf %mul3A_484, %bitcast_convert_type3A_472 : vector<16xf32>
        %mul3A_486 = arith.mulf %get3A_479, %add3A_485 : vector<16xf32>
        %swap3A_487 = arith.index_cast %add3A_296 : i32 to index
        %swap3A_488 = arith.constant 96 : index
        %swap3A_489 = tpu.vector_load %arg10[%swap3A_487, %swap3A_488] {strides = array<i32>} : memref<24x128xf32, #tpu.memory_space<vmem>>, vector<1x16xf32>,
        %swap3A_490 = vector.shape_cast %swap3A_489 : vector<1x16xf32> to vector<16xf32>
        %swap3A_491 = vector.shape_cast %mul3A_486 : vector<16xf32> to vector<1x16xf32>
        tpu.vector_store %arg10[%swap3A_487, %swap3A_488], %swap3A_491 {strides = array<i32>} : memref<24x128xf32, #tpu.memory_space<vmem>>, vector<1x16xf32>,
        %get3A_492 = arith.index_cast %add3A_296 : i32 to index
        %get3A_493 = arith.constant 112 : index
        %get3A_494 = tpu.vector_load %arg10[%get3A_492, %get3A_493] {strides = array<i32>} : memref<24x128xf32, #tpu.memory_space<vmem>>, vector<1x16xf32>,
        %get3A_495 = vector.shape_cast %get3A_494 : vector<1x16xf32> to vector<16xf32>
        %get3A_496 = arith.index_cast %add3A_296 : i32 to index
        %get3A_497 = arith.constant 112 : index
        %get3A_498 = tpu.vector_load %arg14[%get3A_496, %get3A_497] {strides = array<i32>} : memref<24x128xf32, #tpu.memory_space<vmem>>, vector<1x16xf32>,
        %get3A_499 = vector.shape_cast %get3A_498 : vector<1x16xf32> to vector<16xf32>
        %mul3A_500 = arith.mulf %bitcast_convert_type3A_464, %get3A_499 : vector<16xf32>
        %add3A_501 = arith.addf %mul3A_500, %bitcast_convert_type3A_475 : vector<16xf32>
        %mul3A_502 = arith.mulf %get3A_495, %add3A_501 : vector<16xf32>
        %swap3A_503 = arith.index_cast %add3A_296 : i32 to index
        %swap3A_504 = arith.constant 112 : index
        %swap3A_505 = tpu.vector_load %arg10[%swap3A_503, %swap3A_504] {strides = array<i32>} : memref<24x128xf32, #tpu.memory_space<vmem>>, vector<1x16xf32>,
        %swap3A_506 = vector.shape_cast %swap3A_505 : vector<1x16xf32> to vector<16xf32>
        %swap3A_507 = vector.shape_cast %mul3A_502 : vector<16xf32> to vector<1x16xf32>
        tpu.vector_store %arg10[%swap3A_503, %swap3A_504], %swap3A_507 {strides = array<i32>} : memref<24x128xf32, #tpu.memory_space<vmem>>, vector<1x16xf32>,
        %mul3A_508 = arith.constant 2 : i32
        %mul3A_509 = arith.muli %mul3A_508, %scan3A_292 : i32
        %add3A_510 = arith.constant 1 : i32
        %add3A_511 = arith.addi %mul3A_509, %add3A_510 : i32
        %get3A_512 = arith.index_cast %add3A_511 : i32 to index
        %get3A_513 = arith.constant 0 : index
        %get3A_514 = tpu.vector_load %arg12[%get3A_512, %get3A_513] {strides = array<i32>} : memref<24x128xi32, #tpu.memory_space<vmem>>, vector<1x16xi32>,
        %get3A_515 = vector.shape_cast %get3A_514 : vector<1x16xi32> to vector<16xi32>
        %shift_left3A_516 = arith.constant 16 : i32
        %shift_left3A_517 = vector.broadcast %shift_left3A_516 : i32 to vector<16xi32>
        %shift_left3A_518 = arith.shli %get3A_515, %shift_left3A_517 : vector<16xi32>
        %bitcast_convert_type3A_519 = tpu.bitcast %shift_left3A_518 : vector<16xi32> -> vector<16xf32>
        %and3A_520 = vector.broadcast %scan3A_55 : i32 to vector<16xi32>
        %and3A_521 = arith.andi %get3A_515, %and3A_520 : vector<16xi32>
        %bitcast_convert_type3A_522 = tpu.bitcast %and3A_521 : vector<16xi32> -> vector<16xf32>
        %get3A_523 = arith.index_cast %add3A_511 : i32 to index
        %get3A_524 = arith.constant 64 : index
        %get3A_525 = tpu.vector_load %arg12[%get3A_523, %get3A_524] {strides = array<i32>} : memref<24x128xi32, #tpu.memory_space<vmem>>, vector<1x16xi32>,
        %get3A_526 = vector.shape_cast %get3A_525 : vector<1x16xi32> to vector<16xi32>
        %shift_left3A_527 = arith.constant 16 : i32
        %shift_left3A_528 = vector.broadcast %shift_left3A_527 : i32 to vector<16xi32>
        %shift_left3A_529 = arith.shli %get3A_526, %shift_left3A_528 : vector<16xi32>
        %bitcast_convert_type3A_530 = tpu.bitcast %shift_left3A_529 : vector<16xi32> -> vector<16xf32>
        %and3A_531 = vector.broadcast %scan3A_55 : i32 to vector<16xi32>
        %and3A_532 = arith.andi %get3A_526, %and3A_531 : vector<16xi32>
        %bitcast_convert_type3A_533 = tpu.bitcast %and3A_532 : vector<16xi32> -> vector<16xf32>
        %get3A_534 = arith.index_cast %add3A_511 : i32 to index
        %get3A_535 = arith.constant 0 : index
        %get3A_536 = tpu.vector_load %arg10[%get3A_534, %get3A_535] {strides = array<i32>} : memref<24x128xf32, #tpu.memory_space<vmem>>, vector<1x16xf32>,
        %get3A_537 = vector.shape_cast %get3A_536 : vector<1x16xf32> to vector<16xf32>
        %get3A_538 = arith.index_cast %add3A_511 : i32 to index
        %get3A_539 = arith.constant 0 : index
        %get3A_540 = tpu.vector_load %arg14[%get3A_538, %get3A_539] {strides = array<i32>} : memref<24x128xf32, #tpu.memory_space<vmem>>, vector<1x16xf32>,
        %get3A_541 = vector.shape_cast %get3A_540 : vector<1x16xf32> to vector<16xf32>
        %mul3A_542 = arith.mulf %bitcast_convert_type3A_519, %get3A_541 : vector<16xf32>
        %add3A_543 = arith.addf %mul3A_542, %bitcast_convert_type3A_530 : vector<16xf32>
        %mul3A_544 = arith.mulf %get3A_537, %add3A_543 : vector<16xf32>
        %swap3A_545 = arith.index_cast %add3A_511 : i32 to index
        %swap3A_546 = arith.constant 0 : index
        %swap3A_547 = tpu.vector_load %arg10[%swap3A_545, %swap3A_546] {strides = array<i32>} : memref<24x128xf32, #tpu.memory_space<vmem>>, vector<1x16xf32>,
        %swap3A_548 = vector.shape_cast %swap3A_547 : vector<1x16xf32> to vector<16xf32>
        %swap3A_549 = vector.shape_cast %mul3A_544 : vector<16xf32> to vector<1x16xf32>
        tpu.vector_store %arg10[%swap3A_545, %swap3A_546], %swap3A_549 {strides = array<i32>} : memref<24x128xf32, #tpu.memory_space<vmem>>, vector<1x16xf32>,
        %get3A_550 = arith.index_cast %add3A_511 : i32 to index
        %get3A_551 = arith.constant 16 : index
        %get3A_552 = tpu.vector_load %arg10[%get3A_550, %get3A_551] {strides = array<i32>} : memref<24x128xf32, #tpu.memory_space<vmem>>, vector<1x16xf32>,
        %get3A_553 = vector.shape_cast %get3A_552 : vector<1x16xf32> to vector<16xf32>
        %get3A_554 = arith.index_cast %add3A_511 : i32 to index
        %get3A_555 = arith.constant 16 : index
        %get3A_556 = tpu.vector_load %arg14[%get3A_554, %get3A_555] {strides = array<i32>} : memref<24x128xf32, #tpu.memory_space<vmem>>, vector<1x16xf32>,
        %get3A_557 = vector.shape_cast %get3A_556 : vector<1x16xf32> to vector<16xf32>
        %mul3A_558 = arith.mulf %bitcast_convert_type3A_522, %get3A_557 : vector<16xf32>
        %add3A_559 = arith.addf %mul3A_558, %bitcast_convert_type3A_533 : vector<16xf32>
        %mul3A_560 = arith.mulf %get3A_553, %add3A_559 : vector<16xf32>
        %swap3A_561 = arith.index_cast %add3A_511 : i32 to index
        %swap3A_562 = arith.constant 16 : index
        %swap3A_563 = tpu.vector_load %arg10[%swap3A_561, %swap3A_562] {strides = array<i32>} : memref<24x128xf32, #tpu.memory_space<vmem>>, vector<1x16xf32>,
        %swap3A_564 = vector.shape_cast %swap3A_563 : vector<1x16xf32> to vector<16xf32>
        %swap3A_565 = vector.shape_cast %mul3A_560 : vector<16xf32> to vector<1x16xf32>
        tpu.vector_store %arg10[%swap3A_561, %swap3A_562], %swap3A_565 {strides = array<i32>} : memref<24x128xf32, #tpu.memory_space<vmem>>, vector<1x16xf32>,
        %get3A_566 = arith.index_cast %add3A_511 : i32 to index
        %get3A_567 = arith.constant 16 : index
        %get3A_568 = tpu.vector_load %arg12[%get3A_566, %get3A_567] {strides = array<i32>} : memref<24x128xi32, #tpu.memory_space<vmem>>, vector<1x16xi32>,
        %get3A_569 = vector.shape_cast %get3A_568 : vector<1x16xi32> to vector<16xi32>
        %shift_left3A_570 = arith.constant 16 : i32
        %shift_left3A_571 = vector.broadcast %shift_left3A_570 : i32 to vector<16xi32>
        %shift_left3A_572 = arith.shli %get3A_569, %shift_left3A_571 : vector<16xi32>
        %bitcast_convert_type3A_573 = tpu.bitcast %shift_left3A_572 : vector<16xi32> -> vector<16xf32>
        %and3A_574 = vector.broadcast %scan3A_55 : i32 to vector<16xi32>
        %and3A_575 = arith.andi %get3A_569, %and3A_574 : vector<16xi32>
        %bitcast_convert_type3A_576 = tpu.bitcast %and3A_575 : vector<16xi32> -> vector<16xf32>
        %get3A_577 = arith.index_cast %add3A_511 : i32 to index
        %get3A_578 = arith.constant 80 : index
        %get3A_579 = tpu.vector_load %arg12[%get3A_577, %get3A_578] {strides = array<i32>} : memref<24x128xi32, #tpu.memory_space<vmem>>, vector<1x16xi32>,
        %get3A_580 = vector.shape_cast %get3A_579 : vector<1x16xi32> to vector<16xi32>
        %shift_left3A_581 = arith.constant 16 : i32
        %shift_left3A_582 = vector.broadcast %shift_left3A_581 : i32 to vector<16xi32>
        %shift_left3A_583 = arith.shli %get3A_580, %shift_left3A_582 : vector<16xi32>
        %bitcast_convert_type3A_584 = tpu.bitcast %shift_left3A_583 : vector<16xi32> -> vector<16xf32>
        %and3A_585 = vector.broadcast %scan3A_55 : i32 to vector<16xi32>
        %and3A_586 = arith.andi %get3A_580, %and3A_585 : vector<16xi32>
        %bitcast_convert_type3A_587 = tpu.bitcast %and3A_586 : vector<16xi32> -> vector<16xf32>
        %get3A_588 = arith.index_cast %add3A_511 : i32 to index
        %get3A_589 = arith.constant 32 : index
        %get3A_590 = tpu.vector_load %arg10[%get3A_588, %get3A_589] {strides = array<i32>} : memref<24x128xf32, #tpu.memory_space<vmem>>, vector<1x16xf32>,
        %get3A_591 = vector.shape_cast %get3A_590 : vector<1x16xf32> to vector<16xf32>
        %get3A_592 = arith.index_cast %add3A_511 : i32 to index
        %get3A_593 = arith.constant 32 : index
        %get3A_594 = tpu.vector_load %arg14[%get3A_592, %get3A_593] {strides = array<i32>} : memref<24x128xf32, #tpu.memory_space<vmem>>, vector<1x16xf32>,
        %get3A_595 = vector.shape_cast %get3A_594 : vector<1x16xf32> to vector<16xf32>
        %mul3A_596 = arith.mulf %bitcast_convert_type3A_573, %get3A_595 : vector<16xf32>
        %add3A_597 = arith.addf %mul3A_596, %bitcast_convert_type3A_584 : vector<16xf32>
        %mul3A_598 = arith.mulf %get3A_591, %add3A_597 : vector<16xf32>
        %swap3A_599 = arith.index_cast %add3A_511 : i32 to index
        %swap3A_600 = arith.constant 32 : index
        %swap3A_601 = tpu.vector_load %arg10[%swap3A_599, %swap3A_600] {strides = array<i32>} : memref<24x128xf32, #tpu.memory_space<vmem>>, vector<1x16xf32>,
        %swap3A_602 = vector.shape_cast %swap3A_601 : vector<1x16xf32> to vector<16xf32>
        %swap3A_603 = vector.shape_cast %mul3A_598 : vector<16xf32> to vector<1x16xf32>
        tpu.vector_store %arg10[%swap3A_599, %swap3A_600], %swap3A_603 {strides = array<i32>} : memref<24x128xf32, #tpu.memory_space<vmem>>, vector<1x16xf32>,
        %get3A_604 = arith.index_cast %add3A_511 : i32 to index
        %get3A_605 = arith.constant 48 : index
        %get3A_606 = tpu.vector_load %arg10[%get3A_604, %get3A_605] {strides = array<i32>} : memref<24x128xf32, #tpu.memory_space<vmem>>, vector<1x16xf32>,
        %get3A_607 = vector.shape_cast %get3A_606 : vector<1x16xf32> to vector<16xf32>
        %get3A_608 = arith.index_cast %add3A_511 : i32 to index
        %get3A_609 = arith.constant 48 : index
        %get3A_610 = tpu.vector_load %arg14[%get3A_608, %get3A_609] {strides = array<i32>} : memref<24x128xf32, #tpu.memory_space<vmem>>, vector<1x16xf32>,
        %get3A_611 = vector.shape_cast %get3A_610 : vector<1x16xf32> to vector<16xf32>
        %mul3A_612 = arith.mulf %bitcast_convert_type3A_576, %get3A_611 : vector<16xf32>
        %add3A_613 = arith.addf %mul3A_612, %bitcast_convert_type3A_587 : vector<16xf32>
        %mul3A_614 = arith.mulf %get3A_607, %add3A_613 : vector<16xf32>
        %swap3A_615 = arith.index_cast %add3A_511 : i32 to index
        %swap3A_616 = arith.constant 48 : index
        %swap3A_617 = tpu.vector_load %arg10[%swap3A_615, %swap3A_616] {strides = array<i32>} : memref<24x128xf32, #tpu.memory_space<vmem>>, vector<1x16xf32>,
        %swap3A_618 = vector.shape_cast %swap3A_617 : vector<1x16xf32> to vector<16xf32>
        %swap3A_619 = vector.shape_cast %mul3A_614 : vector<16xf32> to vector<1x16xf32>
        tpu.vector_store %arg10[%swap3A_615, %swap3A_616], %swap3A_619 {strides = array<i32>} : memref<24x128xf32, #tpu.memory_space<vmem>>, vector<1x16xf32>,
        %get3A_620 = arith.index_cast %add3A_511 : i32 to index
        %get3A_621 = arith.constant 32 : index
        %get3A_622 = tpu.vector_load %arg12[%get3A_620, %get3A_621] {strides = array<i32>} : memref<24x128xi32, #tpu.memory_space<vmem>>, vector<1x16xi32>,
        %get3A_623 = vector.shape_cast %get3A_622 : vector<1x16xi32> to vector<16xi32>
        %shift_left3A_624 = arith.constant 16 : i32
        %shift_left3A_625 = vector.broadcast %shift_left3A_624 : i32 to vector<16xi32>
        %shift_left3A_626 = arith.shli %get3A_623, %shift_left3A_625 : vector<16xi32>
        %bitcast_convert_type3A_627 = tpu.bitcast %shift_left3A_626 : vector<16xi32> -> vector<16xf32>
        %and3A_628 = vector.broadcast %scan3A_55 : i32 to vector<16xi32>
        %and3A_629 = arith.andi %get3A_623, %and3A_628 : vector<16xi32>
        %bitcast_convert_type3A_630 = tpu.bitcast %and3A_629 : vector<16xi32> -> vector<16xf32>
        %get3A_631 = arith.index_cast %add3A_511 : i32 to index
        %get3A_632 = arith.constant 96 : index
        %get3A_633 = tpu.vector_load %arg12[%get3A_631, %get3A_632] {strides = array<i32>} : memref<24x128xi32, #tpu.memory_space<vmem>>, vector<1x16xi32>,
        %get3A_634 = vector.shape_cast %get3A_633 : vector<1x16xi32> to vector<16xi32>
        %shift_left3A_635 = arith.constant 16 : i32
        %shift_left3A_636 = vector.broadcast %shift_left3A_635 : i32 to vector<16xi32>
        %shift_left3A_637 = arith.shli %get3A_634, %shift_left3A_636 : vector<16xi32>
        %bitcast_convert_type3A_638 = tpu.bitcast %shift_left3A_637 : vector<16xi32> -> vector<16xf32>
        %and3A_639 = vector.broadcast %scan3A_55 : i32 to vector<16xi32>
        %and3A_640 = arith.andi %get3A_634, %and3A_639 : vector<16xi32>
        %bitcast_convert_type3A_641 = tpu.bitcast %and3A_640 : vector<16xi32> -> vector<16xf32>
        %get3A_642 = arith.index_cast %add3A_511 : i32 to index
        %get3A_643 = arith.constant 64 : index
        %get3A_644 = tpu.vector_load %arg10[%get3A_642, %get3A_643] {strides = array<i32>} : memref<24x128xf32, #tpu.memory_space<vmem>>, vector<1x16xf32>,
        %get3A_645 = vector.shape_cast %get3A_644 : vector<1x16xf32> to vector<16xf32>
        %get3A_646 = arith.index_cast %add3A_511 : i32 to index
        %get3A_647 = arith.constant 64 : index
        %get3A_648 = tpu.vector_load %arg14[%get3A_646, %get3A_647] {strides = array<i32>} : memref<24x128xf32, #tpu.memory_space<vmem>>, vector<1x16xf32>,
        %get3A_649 = vector.shape_cast %get3A_648 : vector<1x16xf32> to vector<16xf32>
        %mul3A_650 = arith.mulf %bitcast_convert_type3A_627, %get3A_649 : vector<16xf32>
        %add3A_651 = arith.addf %mul3A_650, %bitcast_convert_type3A_638 : vector<16xf32>
        %mul3A_652 = arith.mulf %get3A_645, %add3A_651 : vector<16xf32>
        %swap3A_653 = arith.index_cast %add3A_511 : i32 to index
        %swap3A_654 = arith.constant 64 : index
        %swap3A_655 = tpu.vector_load %arg10[%swap3A_653, %swap3A_654] {strides = array<i32>} : memref<24x128xf32, #tpu.memory_space<vmem>>, vector<1x16xf32>,
        %swap3A_656 = vector.shape_cast %swap3A_655 : vector<1x16xf32> to vector<16xf32>
        %swap3A_657 = vector.shape_cast %mul3A_652 : vector<16xf32> to vector<1x16xf32>
        tpu.vector_store %arg10[%swap3A_653, %swap3A_654], %swap3A_657 {strides = array<i32>} : memref<24x128xf32, #tpu.memory_space<vmem>>, vector<1x16xf32>,
        %get3A_658 = arith.index_cast %add3A_511 : i32 to index
        %get3A_659 = arith.constant 80 : index
        %get3A_660 = tpu.vector_load %arg10[%get3A_658, %get3A_659] {strides = array<i32>} : memref<24x128xf32, #tpu.memory_space<vmem>>, vector<1x16xf32>,
        %get3A_661 = vector.shape_cast %get3A_660 : vector<1x16xf32> to vector<16xf32>
        %get3A_662 = arith.index_cast %add3A_511 : i32 to index
        %get3A_663 = arith.constant 80 : index
        %get3A_664 = tpu.vector_load %arg14[%get3A_662, %get3A_663] {strides = array<i32>} : memref<24x128xf32, #tpu.memory_space<vmem>>, vector<1x16xf32>,
        %get3A_665 = vector.shape_cast %get3A_664 : vector<1x16xf32> to vector<16xf32>
        %mul3A_666 = arith.mulf %bitcast_convert_type3A_630, %get3A_665 : vector<16xf32>
        %add3A_667 = arith.addf %mul3A_666, %bitcast_convert_type3A_641 : vector<16xf32>
        %mul3A_668 = arith.mulf %get3A_661, %add3A_667 : vector<16xf32>
        %swap3A_669 = arith.index_cast %add3A_511 : i32 to index
        %swap3A_670 = arith.constant 80 : index
        %swap3A_671 = tpu.vector_load %arg10[%swap3A_669, %swap3A_670] {strides = array<i32>} : memref<24x128xf32, #tpu.memory_space<vmem>>, vector<1x16xf32>,
        %swap3A_672 = vector.shape_cast %swap3A_671 : vector<1x16xf32> to vector<16xf32>
        %swap3A_673 = vector.shape_cast %mul3A_668 : vector<16xf32> to vector<1x16xf32>
        tpu.vector_store %arg10[%swap3A_669, %swap3A_670], %swap3A_673 {strides = array<i32>} : memref<24x128xf32, #tpu.memory_space<vmem>>, vector<1x16xf32>,
        %get3A_674 = arith.index_cast %add3A_511 : i32 to index
        %get3A_675 = arith.constant 48 : index
        %get3A_676 = tpu.vector_load %arg12[%get3A_674, %get3A_675] {strides = array<i32>} : memref<24x128xi32, #tpu.memory_space<vmem>>, vector<1x16xi32>,
        %get3A_677 = vector.shape_cast %get3A_676 : vector<1x16xi32> to vector<16xi32>
        %shift_left3A_678 = arith.constant 16 : i32
        %shift_left3A_679 = vector.broadcast %shift_left3A_678 : i32 to vector<16xi32>
        %shift_left3A_680 = arith.shli %get3A_677, %shift_left3A_679 : vector<16xi32>
        %bitcast_convert_type3A_681 = tpu.bitcast %shift_left3A_680 : vector<16xi32> -> vector<16xf32>
        %and3A_682 = vector.broadcast %scan3A_55 : i32 to vector<16xi32>
        %and3A_683 = arith.andi %get3A_677, %and3A_682 : vector<16xi32>
        %bitcast_convert_type3A_684 = tpu.bitcast %and3A_683 : vector<16xi32> -> vector<16xf32>
        %get3A_685 = arith.index_cast %add3A_511 : i32 to index
        %get3A_686 = arith.constant 112 : index
        %get3A_687 = tpu.vector_load %arg12[%get3A_685, %get3A_686] {strides = array<i32>} : memref<24x128xi32, #tpu.memory_space<vmem>>, vector<1x16xi32>,
        %get3A_688 = vector.shape_cast %get3A_687 : vector<1x16xi32> to vector<16xi32>
        %shift_left3A_689 = arith.constant 16 : i32
        %shift_left3A_690 = vector.broadcast %shift_left3A_689 : i32 to vector<16xi32>
        %shift_left3A_691 = arith.shli %get3A_688, %shift_left3A_690 : vector<16xi32>
        %bitcast_convert_type3A_692 = tpu.bitcast %shift_left3A_691 : vector<16xi32> -> vector<16xf32>
        %and3A_693 = vector.broadcast %scan3A_55 : i32 to vector<16xi32>
        %and3A_694 = arith.andi %get3A_688, %and3A_693 : vector<16xi32>
        %bitcast_convert_type3A_695 = tpu.bitcast %and3A_694 : vector<16xi32> -> vector<16xf32>
        %get3A_696 = arith.index_cast %add3A_511 : i32 to index
        %get3A_697 = arith.constant 96 : index
        %get3A_698 = tpu.vector_load %arg10[%get3A_696, %get3A_697] {strides = array<i32>} : memref<24x128xf32, #tpu.memory_space<vmem>>, vector<1x16xf32>,
        %get3A_699 = vector.shape_cast %get3A_698 : vector<1x16xf32> to vector<16xf32>
        %get3A_700 = arith.index_cast %add3A_511 : i32 to index
        %get3A_701 = arith.constant 96 : index
        %get3A_702 = tpu.vector_load %arg14[%get3A_700, %get3A_701] {strides = array<i32>} : memref<24x128xf32, #tpu.memory_space<vmem>>, vector<1x16xf32>,
        %get3A_703 = vector.shape_cast %get3A_702 : vector<1x16xf32> to vector<16xf32>
        %mul3A_704 = arith.mulf %bitcast_convert_type3A_681, %get3A_703 : vector<16xf32>
        %add3A_705 = arith.addf %mul3A_704, %bitcast_convert_type3A_692 : vector<16xf32>
        %mul3A_706 = arith.mulf %get3A_699, %add3A_705 : vector<16xf32>
        %swap3A_707 = arith.index_cast %add3A_511 : i32 to index
        %swap3A_708 = arith.constant 96 : index
        %swap3A_709 = tpu.vector_load %arg10[%swap3A_707, %swap3A_708] {strides = array<i32>} : memref<24x128xf32, #tpu.memory_space<vmem>>, vector<1x16xf32>,
        %swap3A_710 = vector.shape_cast %swap3A_709 : vector<1x16xf32> to vector<16xf32>
        %swap3A_711 = vector.shape_cast %mul3A_706 : vector<16xf32> to vector<1x16xf32>
        tpu.vector_store %arg10[%swap3A_707, %swap3A_708], %swap3A_711 {strides = array<i32>} : memref<24x128xf32, #tpu.memory_space<vmem>>, vector<1x16xf32>,
        %get3A_712 = arith.index_cast %add3A_511 : i32 to index
        %get3A_713 = arith.constant 112 : index
        %get3A_714 = tpu.vector_load %arg10[%get3A_712, %get3A_713] {strides = array<i32>} : memref<24x128xf32, #tpu.memory_space<vmem>>, vector<1x16xf32>,
        %get3A_715 = vector.shape_cast %get3A_714 : vector<1x16xf32> to vector<16xf32>
        %get3A_716 = arith.index_cast %add3A_511 : i32 to index
        %get3A_717 = arith.constant 112 : index
        %get3A_718 = tpu.vector_load %arg14[%get3A_716, %get3A_717] {strides = array<i32>} : memref<24x128xf32, #tpu.memory_space<vmem>>, vector<1x16xf32>,
        %get3A_719 = vector.shape_cast %get3A_718 : vector<1x16xf32> to vector<16xf32>
        %mul3A_720 = arith.mulf %bitcast_convert_type3A_684, %get3A_719 : vector<16xf32>
        %add3A_721 = arith.addf %mul3A_720, %bitcast_convert_type3A_695 : vector<16xf32>
        %mul3A_722 = arith.mulf %get3A_715, %add3A_721 : vector<16xf32>
        %swap3A_723 = arith.index_cast %add3A_511 : i32 to index
        %swap3A_724 = arith.constant 112 : index
        %swap3A_725 = tpu.vector_load %arg10[%swap3A_723, %swap3A_724] {strides = array<i32>} : memref<24x128xf32, #tpu.memory_space<vmem>>, vector<1x16xf32>,
        %swap3A_726 = vector.shape_cast %swap3A_725 : vector<1x16xf32> to vector<16xf32>
        %swap3A_727 = vector.shape_cast %mul3A_722 : vector<16xf32> to vector<1x16xf32>
        tpu.vector_store %arg10[%swap3A_723, %swap3A_724], %swap3A_727 {strides = array<i32>} : memref<24x128xf32, #tpu.memory_space<vmem>>, vector<1x16xf32>,
      }
      %scan3A_191 = arith.constant 12 : i32
      %dma_start3A_192 = arith.constant 3 : i32
      %dma_start3A_193 = arith.constant 0 : i32
      %dma_start3A_194 = tpu.memref_slice %arg8[%dma_start3A_192, %dma_start3A_193] : memref<4x24xi32, #tpu.memory_space<vmem>> -> memref<1x24xi32, #tpu.memory_space<vmem>>
      %dma_start3A_195 = tpu.memref_squeeze %dma_start3A_194 : memref<1x24xi32, #tpu.memory_space<vmem>> -> memref<24xi32, #tpu.memory_space<vmem>>
      %dma_start3A_196 = arith.constant 0 : i32
      %dma_start3A_197 = arith.constant 0 : i32
      %dma_start3A_198 = tpu.memref_slice %arg16[%dma_start3A_196, %dma_start3A_197] : memref<10240x128xf32, #tpu.memory_space<vmem_shared>> -> memref<10240x128xf32, #tpu.memory_space<vmem_shared>>
      tpu.enqueue_indirect_dma source(%arg10 : memref<24x128xf32, #tpu.memory_space<vmem>>) target(%dma_start3A_198 : memref<10240x128xf32, #tpu.memory_space<vmem_shared>>) offsets(%dma_start3A_195 : memref<24xi32, #tpu.memory_space<vmem>>) semaphore(%arg21 : memref<!tpu.dma_semaphore, #tpu.memory_space<semaphore_mem>>) {add = true}
      %add3A_199 = arith.constant 2 : i32
      %add3A_200 = arith.addi %mul3A_126, %add3A_199 : i32
      %dma_start3A_201 = arith.constant 0 : i32
      %dma_start3A_202 = arith.constant 0 : i32
      %dma_start3A_203 = tpu.memref_slice %arg5[%add3A, %add3A_200, %dma_start3A_201, %dma_start3A_202] : memref<32x417x4x24xi32, #tpu.memory_space<hbm>> -> memref<1x1x4x24xi32, #tpu.memory_space<hbm>>
      %dma_start3A_204 = tpu.memref_squeeze %dma_start3A_203 : memref<1x1x4x24xi32, #tpu.memory_space<hbm>> -> memref<4x24xi32, #tpu.memory_space<hbm>>
      %dma_start3A_205 = arith.constant 0 : i32
      %dma_start3A_206 = arith.constant 0 : i32
      %dma_start3A_207 = tpu.memref_slice %arg5[%add3A, %add3A_200, %dma_start3A_205, %dma_start3A_206] : memref<32x417x4x24xi32, #tpu.memory_space<hbm>> -> memref<1x1x4x24xi32, #tpu.memory_space<hbm>>
      %dma_start3A_208 = tpu.memref_squeeze %dma_start3A_207 : memref<1x1x4x24xi32, #tpu.memory_space<hbm>> -> memref<4x24xi32, #tpu.memory_space<hbm>>
      tpu.enqueue_dma source(%dma_start3A_208 : memref<4x24xi32, #tpu.memory_space<hbm>>) target(%arg8 : memref<4x24xi32, #tpu.memory_space<vmem>>) target_semaphore(%arg17 : memref<!tpu.dma_semaphore, #tpu.memory_space<semaphore_mem>>)
      %dma_wait3A_209 = arith.constant 0 : i32
      %dma_wait3A_210 = arith.constant 0 : i32
      %dma_wait3A_211 = tpu.memref_slice %arg9[%dma_wait3A_209, %dma_wait3A_210] : memref<4x24xi32, #tpu.memory_space<vmem>> -> memref<1x24xi32, #tpu.memory_space<vmem>>
      %dma_wait3A_212 = tpu.memref_squeeze %dma_wait3A_211 : memref<1x24xi32, #tpu.memory_space<vmem>> -> memref<24xi32, #tpu.memory_space<vmem>>
      %dma_wait3A_213 = arith.constant 0 : i32
      %dma_wait3A_214 = arith.constant 0 : i32
      %dma_wait3A_215 = tpu.memref_slice %arg2[%dma_wait3A_213, %dma_wait3A_214] : memref<10240x128xf32, #tpu.memory_space<hbm>> -> memref<10240x128xf32, #tpu.memory_space<hbm>>
      tpu.wait_indirect_dma semaphore(%arg20 : memref<!tpu.dma_semaphore, #tpu.memory_space<semaphore_mem>>) src(%dma_wait3A_215 : memref<10240x128xf32, #tpu.memory_space<hbm>>) dst(%arg11 : memref<24x128xf32, #tpu.memory_space<vmem>>)
      %dma_wait3A_216 = arith.constant 1 : i32
      %dma_wait3A_217 = arith.constant 0 : i32
      %dma_wait3A_218 = tpu.memref_slice %arg9[%dma_wait3A_216, %dma_wait3A_217] : memref<4x24xi32, #tpu.memory_space<vmem>> -> memref<1x24xi32, #tpu.memory_space<vmem>>
      %dma_wait3A_219 = tpu.memref_squeeze %dma_wait3A_218 : memref<1x24xi32, #tpu.memory_space<vmem>> -> memref<24xi32, #tpu.memory_space<vmem>>
      %dma_wait3A_220 = arith.constant 0 : i32
      %dma_wait3A_221 = arith.constant 0 : i32
      %dma_wait3A_222 = tpu.memref_slice %arg3[%dma_wait3A_220, %dma_wait3A_221] : memref<1000x128xi32, #tpu.memory_space<hbm>> -> memref<1000x128xi32, #tpu.memory_space<hbm>>
      tpu.wait_indirect_dma semaphore(%arg20 : memref<!tpu.dma_semaphore, #tpu.memory_space<semaphore_mem>>) src(%dma_wait3A_222 : memref<1000x128xi32, #tpu.memory_space<hbm>>) dst(%arg13 : memref<24x128xi32, #tpu.memory_space<vmem>>)
      %dma_wait3A_223 = arith.constant 2 : i32
      %dma_wait3A_224 = arith.constant 0 : i32
      %dma_wait3A_225 = tpu.memref_slice %arg9[%dma_wait3A_223, %dma_wait3A_224] : memref<4x24xi32, #tpu.memory_space<vmem>> -> memref<1x24xi32, #tpu.memory_space<vmem>>
      %dma_wait3A_226 = tpu.memref_squeeze %dma_wait3A_225 : memref<1x24xi32, #tpu.memory_space<vmem>> -> memref<24xi32, #tpu.memory_space<vmem>>
      %dma_wait3A_227 = arith.constant 0 : i32
      %dma_wait3A_228 = arith.constant 0 : i32
      %dma_wait3A_229 = tpu.memref_slice %arg4[%dma_wait3A_227, %dma_wait3A_228] : memref<10000x128xf32, #tpu.memory_space<hbm>> -> memref<10000x128xf32, #tpu.memory_space<hbm>>
      tpu.wait_indirect_dma semaphore(%arg20 : memref<!tpu.dma_semaphore, #tpu.memory_space<semaphore_mem>>) src(%dma_wait3A_229 : memref<10000x128xf32, #tpu.memory_space<hbm>>) dst(%arg15 : memref<24x128xf32, #tpu.memory_space<vmem>>)
      %add3A_230 = arith.constant 2 : i32
      %add3A_231 = arith.addi %mul3A_126, %add3A_230 : i32
      %dma_wait3A_232 = arith.constant 0 : i32
      %dma_wait3A_233 = arith.constant 0 : i32
      %dma_wait3A_234 = tpu.memref_slice %arg5[%add3A, %add3A_231, %dma_wait3A_232, %dma_wait3A_233] : memref<32x417x4x24xi32, #tpu.memory_space<hbm>> -> memref<1x1x4x24xi32, #tpu.memory_space<hbm>>
      %dma_wait3A_235 = tpu.memref_squeeze %dma_wait3A_234 : memref<1x1x4x24xi32, #tpu.memory_space<hbm>> -> memref<4x24xi32, #tpu.memory_space<hbm>>
      %dma_wait3A_236 = arith.constant 0 : i32
      %dma_wait3A_237 = arith.constant 0 : i32
      %dma_wait3A_238 = tpu.memref_slice %arg5[%add3A, %add3A_231, %dma_wait3A_236, %dma_wait3A_237] : memref<32x417x4x24xi32, #tpu.memory_space<hbm>> -> memref<1x1x4x24xi32, #tpu.memory_space<hbm>>
      %dma_wait3A_239 = tpu.memref_squeeze %dma_wait3A_238 : memref<1x1x4x24xi32, #tpu.memory_space<hbm>> -> memref<4x24xi32, #tpu.memory_space<hbm>>
      tpu.wait_dma2 semaphore(%arg17 : memref<!tpu.dma_semaphore, #tpu.memory_space<semaphore_mem>>) src(%dma_wait3A_239 : memref<4x24xi32, #tpu.memory_space<hbm>>) dst(%arg8 : memref<4x24xi32, #tpu.memory_space<vmem>>)
      %dma_wait3A_240 = arith.constant 3 : i32
      %dma_wait3A_241 = arith.constant 0 : i32
      %dma_wait3A_242 = tpu.memref_slice %arg8[%dma_wait3A_240, %dma_wait3A_241] : memref<4x24xi32, #tpu.memory_space<vmem>> -> memref<1x24xi32, #tpu.memory_space<vmem>>
      %dma_wait3A_243 = tpu.memref_squeeze %dma_wait3A_242 : memref<1x24xi32, #tpu.memory_space<vmem>> -> memref<24xi32, #tpu.memory_space<vmem>>
      %dma_wait3A_244 = arith.constant 0 : i32
      %dma_wait3A_245 = arith.constant 0 : i32
      %dma_wait3A_246 = tpu.memref_slice %arg16[%dma_wait3A_244, %dma_wait3A_245] : memref<10240x128xf32, #tpu.memory_space<vmem_shared>> -> memref<10240x128xf32, #tpu.memory_space<vmem_shared>>
      tpu.wait_indirect_dma semaphore(%arg21 : memref<!tpu.dma_semaphore, #tpu.memory_space<semaphore_mem>>) src(%arg10 : memref<24x128xf32, #tpu.memory_space<vmem>>) dst(%dma_wait3A_246 : memref<10240x128xf32, #tpu.memory_space<vmem_shared>>)
      %dma_start3A_247 = arith.constant 0 : i32
      %dma_start3A_248 = arith.constant 0 : i32
      %dma_start3A_249 = tpu.memref_slice %arg8[%dma_start3A_247, %dma_start3A_248] : memref<4x24xi32, #tpu.memory_space<vmem>> -> memref<1x24xi32, #tpu.memory_space<vmem>>
      %dma_start3A_250 = tpu.memref_squeeze %dma_start3A_249 : memref<1x24xi32, #tpu.memory_space<vmem>> -> memref<24xi32, #tpu.memory_space<vmem>>
      %dma_start3A_251 = arith.constant 0 : i32
      %dma_start3A_252 = arith.constant 0 : i32
      %dma_start3A_253 = tpu.memref_slice %arg2[%dma_start3A_251, %dma_start3A_252] : memref<10240x128xf32, #tpu.memory_space<hbm>> -> memref<10240x128xf32, #tpu.memory_space<hbm>>
      tpu.enqueue_indirect_dma source(%dma_start3A_253 : memref<10240x128xf32, #tpu.memory_space<hbm>>) target(%arg10 : memref<24x128xf32, #tpu.memory_space<vmem>>) offsets(%dma_start3A_250 : memref<24xi32, #tpu.memory_space<vmem>>) semaphore(%arg19 : memref<!tpu.dma_semaphore, #tpu.memory_space<semaphore_mem>>)
      %dma_start3A_254 = arith.constant 1 : i32
      %dma_start3A_255 = arith.constant 0 : i32
      %dma_start3A_256 = tpu.memref_slice %arg8[%dma_start3A_254, %dma_start3A_255] : memref<4x24xi32, #tpu.memory_space<vmem>> -> memref<1x24xi32, #tpu.memory_space<vmem>>
      %dma_start3A_257 = tpu.memref_squeeze %dma_start3A_256 : memref<1x24xi32, #tpu.memory_space<vmem>> -> memref<24xi32, #tpu.memory_space<vmem>>
      %dma_start3A_258 = arith.constant 0 : i32
      %dma_start3A_259 = arith.constant 0 : i32
      %dma_start3A_260 = tpu.memref_slice %arg3[%dma_start3A_258, %dma_start3A_259] : memref<1000x128xi32, #tpu.memory_space<hbm>> -> memref<1000x128xi32, #tpu.memory_space<hbm>>
      tpu.enqueue_indirect_dma source(%dma_start3A_260 : memref<1000x128xi32, #tpu.memory_space<hbm>>) target(%arg12 : memref<24x128xi32, #tpu.memory_space<vmem>>) offsets(%dma_start3A_257 : memref<24xi32, #tpu.memory_space<vmem>>) semaphore(%arg19 : memref<!tpu.dma_semaphore, #tpu.memory_space<semaphore_mem>>)
      %dma_start3A_261 = arith.constant 2 : i32
      %dma_start3A_262 = arith.constant 0 : i32
      %dma_start3A_263 = tpu.memref_slice %arg8[%dma_start3A_261, %dma_start3A_262] : memref<4x24xi32, #tpu.memory_space<vmem>> -> memref<1x24xi32, #tpu.memory_space<vmem>>
      %dma_start3A_264 = tpu.memref_squeeze %dma_start3A_263 : memref<1x24xi32, #tpu.memory_space<vmem>> -> memref<24xi32, #tpu.memory_space<vmem>>
      %dma_start3A_265 = arith.constant 0 : i32
      %dma_start3A_266 = arith.constant 0 : i32
      %dma_start3A_267 = tpu.memref_slice %arg4[%dma_start3A_265, %dma_start3A_266] : memref<10000x128xf32, #tpu.memory_space<hbm>> -> memref<10000x128xf32, #tpu.memory_space<hbm>>
      tpu.enqueue_indirect_dma source(%dma_start3A_267 : memref<10000x128xf32, #tpu.memory_space<hbm>>) target(%arg14 : memref<24x128xf32, #tpu.memory_space<vmem>>) offsets(%dma_start3A_264 : memref<24xi32, #tpu.memory_space<vmem>>) semaphore(%arg19 : memref<!tpu.dma_semaphore, #tpu.memory_space<semaphore_mem>>)
      %scan3A_268 = arith.constant 0 : i32
      %scan3A_269 = arith.constant 0 : i32
      %scan3A_270 = arith.constant 12 : i32
      %scan3A_271 = arith.addi %scan3A_269, %scan3A_270 : i32
      %scan3A_272 = arith.constant 1 : i32
      scf.for %scan3A_292 = %scan3A_269 to %scan3A_271 step %scan3A_272  : i32 {
        %mul3A_293 = arith.constant 2 : i32
        %mul3A_294 = arith.muli %mul3A_293, %scan3A_292 : i32
        %add3A_295 = arith.constant 0 : i32
        %add3A_296 = arith.addi %mul3A_294, %add3A_295 : i32
        %get3A = arith.index_cast %add3A_296 : i32 to index
        %get3A_297 = arith.constant 0 : index
        %get3A_298 = tpu.vector_load %arg13[%get3A, %get3A_297] {strides = array<i32>} : memref<24x128xi32, #tpu.memory_space<vmem>>, vector<1x16xi32>,
        %get3A_299 = vector.shape_cast %get3A_298 : vector<1x16xi32> to vector<16xi32>
        %shift_left3A = arith.constant 16 : i32
        %shift_left3A_300 = vector.broadcast %shift_left3A : i32 to vector<16xi32>
        %shift_left3A_301 = arith.shli %get3A_299, %shift_left3A_300 : vector<16xi32>
        %bitcast_convert_type3A = tpu.bitcast %shift_left3A_301 : vector<16xi32> -> vector<16xf32>
        %and3A = vector.broadcast %scan3A_55 : i32 to vector<16xi32>
        %and3A_302 = arith.andi %get3A_299, %and3A : vector<16xi32>
        %bitcast_convert_type3A_303 = tpu.bitcast %and3A_302 : vector<16xi32> -> vector<16xf32>
        %get3A_304 = arith.index_cast %add3A_296 : i32 to index
        %get3A_305 = arith.constant 64 : index
        %get3A_306 = tpu.vector_load %arg13[%get3A_304, %get3A_305] {strides = array<i32>} : memref<24x128xi32, #tpu.memory_space<vmem>>, vector<1x16xi32>,
        %get3A_307 = vector.shape_cast %get3A_306 : vector<1x16xi32> to vector<16xi32>
        %shift_left3A_308 = arith.constant 16 : i32
        %shift_left3A_309 = vector.broadcast %shift_left3A_308 : i32 to vector<16xi32>
        %shift_left3A_310 = arith.shli %get3A_307, %shift_left3A_309 : vector<16xi32>
        %bitcast_convert_type3A_311 = tpu.bitcast %shift_left3A_310 : vector<16xi32> -> vector<16xf32>
        %and3A_312 = vector.broadcast %scan3A_55 : i32 to vector<16xi32>
        %and3A_313 = arith.andi %get3A_307, %and3A_312 : vector<16xi32>
        %bitcast_convert_type3A_314 = tpu.bitcast %and3A_313 : vector<16xi32> -> vector<16xf32>
        %get3A_315 = arith.index_cast %add3A_296 : i32 to index
        %get3A_316 = arith.constant 0 : index
        %get3A_317 = tpu.vector_load %arg11[%get3A_315, %get3A_316] {strides = array<i32>} : memref<24x128xf32, #tpu.memory_space<vmem>>, vector<1x16xf32>,
        %get3A_318 = vector.shape_cast %get3A_317 : vector<1x16xf32> to vector<16xf32>
        %get3A_319 = arith.index_cast %add3A_296 : i32 to index
        %get3A_320 = arith.constant 0 : index
        %get3A_321 = tpu.vector_load %arg15[%get3A_319, %get3A_320] {strides = array<i32>} : memref<24x128xf32, #tpu.memory_space<vmem>>, vector<1x16xf32>,
        %get3A_322 = vector.shape_cast %get3A_321 : vector<1x16xf32> to vector<16xf32>
        %mul3A_323 = arith.mulf %bitcast_convert_type3A, %get3A_322 : vector<16xf32>
        %add3A_324 = arith.addf %mul3A_323, %bitcast_convert_type3A_311 : vector<16xf32>
        %mul3A_325 = arith.mulf %get3A_318, %add3A_324 : vector<16xf32>
        %swap3A = arith.index_cast %add3A_296 : i32 to index
        %swap3A_326 = arith.constant 0 : index
        %swap3A_327 = tpu.vector_load %arg11[%swap3A, %swap3A_326] {strides = array<i32>} : memref<24x128xf32, #tpu.memory_space<vmem>>, vector<1x16xf32>,
        %swap3A_328 = vector.shape_cast %swap3A_327 : vector<1x16xf32> to vector<16xf32>
        %swap3A_329 = vector.shape_cast %mul3A_325 : vector<16xf32> to vector<1x16xf32>
        tpu.vector_store %arg11[%swap3A, %swap3A_326], %swap3A_329 {strides = array<i32>} : memref<24x128xf32, #tpu.memory_space<vmem>>, vector<1x16xf32>,
        %get3A_330 = arith.index_cast %add3A_296 : i32 to index
        %get3A_331 = arith.constant 16 : index
        %get3A_332 = tpu.vector_load %arg11[%get3A_330, %get3A_331] {strides = array<i32>} : memref<24x128xf32, #tpu.memory_space<vmem>>, vector<1x16xf32>,
        %get3A_333 = vector.shape_cast %get3A_332 : vector<1x16xf32> to vector<16xf32>
        %get3A_334 = arith.index_cast %add3A_296 : i32 to index
        %get3A_335 = arith.constant 16 : index
        %get3A_336 = tpu.vector_load %arg15[%get3A_334, %get3A_335] {strides = array<i32>} : memref<24x128xf32, #tpu.memory_space<vmem>>, vector<1x16xf32>,
        %get3A_337 = vector.shape_cast %get3A_336 : vector<1x16xf32> to vector<16xf32>
        %mul3A_338 = arith.mulf %bitcast_convert_type3A_303, %get3A_337 : vector<16xf32>
        %add3A_339 = arith.addf %mul3A_338, %bitcast_convert_type3A_314 : vector<16xf32>
        %mul3A_340 = arith.mulf %get3A_333, %add3A_339 : vector<16xf32>
        %swap3A_341 = arith.index_cast %add3A_296 : i32 to index
        %swap3A_342 = arith.constant 16 : index
        %swap3A_343 = tpu.vector_load %arg11[%swap3A_341, %swap3A_342] {strides = array<i32>} : memref<24x128xf32, #tpu.memory_space<vmem>>, vector<1x16xf32>,
        %swap3A_344 = vector.shape_cast %swap3A_343 : vector<1x16xf32> to vector<16xf32>
        %swap3A_345 = vector.shape_cast %mul3A_340 : vector<16xf32> to vector<1x16xf32>
        tpu.vector_store %arg11[%swap3A_341, %swap3A_342], %swap3A_345 {strides = array<i32>} : memref<24x128xf32, #tpu.memory_space<vmem>>, vector<1x16xf32>,
        %get3A_346 = arith.index_cast %add3A_296 : i32 to index
        %get3A_347 = arith.constant 16 : index
        %get3A_348 = tpu.vector_load %arg13[%get3A_346, %get3A_347] {strides = array<i32>} : memref<24x128xi32, #tpu.memory_space<vmem>>, vector<1x16xi32>,
        %get3A_349 = vector.shape_cast %get3A_348 : vector<1x16xi32> to vector<16xi32>
        %shift_left3A_350 = arith.constant 16 : i32
        %shift_left3A_351 = vector.broadcast %shift_left3A_350 : i32 to vector<16xi32>
        %shift_left3A_352 = arith.shli %get3A_349, %shift_left3A_351 : vector<16xi32>
        %bitcast_convert_type3A_353 = tpu.bitcast %shift_left3A_352 : vector<16xi32> -> vector<16xf32>
        %and3A_354 = vector.broadcast %scan3A_55 : i32 to vector<16xi32>
        %and3A_355 = arith.andi %get3A_349, %and3A_354 : vector<16xi32>
        %bitcast_convert_type3A_356 = tpu.bitcast %and3A_355 : vector<16xi32> -> vector<16xf32>
        %get3A_357 = arith.index_cast %add3A_296 : i32 to index
        %get3A_358 = arith.constant 80 : index
        %get3A_359 = tpu.vector_load %arg13[%get3A_357, %get3A_358] {strides = array<i32>} : memref<24x128xi32, #tpu.memory_space<vmem>>, vector<1x16xi32>,
        %get3A_360 = vector.shape_cast %get3A_359 : vector<1x16xi32> to vector<16xi32>
        %shift_left3A_361 = arith.constant 16 : i32
        %shift_left3A_362 = vector.broadcast %shift_left3A_361 : i32 to vector<16xi32>
        %shift_left3A_363 = arith.shli %get3A_360, %shift_left3A_362 : vector<16xi32>
        %bitcast_convert_type3A_364 = tpu.bitcast %shift_left3A_363 : vector<16xi32> -> vector<16xf32>
        %and3A_365 = vector.broadcast %scan3A_55 : i32 to vector<16xi32>
        %and3A_366 = arith.andi %get3A_360, %and3A_365 : vector<16xi32>
        %bitcast_convert_type3A_367 = tpu.bitcast %and3A_366 : vector<16xi32> -> vector<16xf32>
        %get3A_368 = arith.index_cast %add3A_296 : i32 to index
        %get3A_369 = arith.constant 32 : index
        %get3A_370 = tpu.vector_load %arg11[%get3A_368, %get3A_369] {strides = array<i32>} : memref<24x128xf32, #tpu.memory_space<vmem>>, vector<1x16xf32>,
        %get3A_371 = vector.shape_cast %get3A_370 : vector<1x16xf32> to vector<16xf32>
        %get3A_372 = arith.index_cast %add3A_296 : i32 to index
        %get3A_373 = arith.constant 32 : index
        %get3A_374 = tpu.vector_load %arg15[%get3A_372, %get3A_373] {strides = array<i32>} : memref<24x128xf32, #tpu.memory_space<vmem>>, vector<1x16xf32>,
        %get3A_375 = vector.shape_cast %get3A_374 : vector<1x16xf32> to vector<16xf32>
        %mul3A_376 = arith.mulf %bitcast_convert_type3A_353, %get3A_375 : vector<16xf32>
        %add3A_377 = arith.addf %mul3A_376, %bitcast_convert_type3A_364 : vector<16xf32>
        %mul3A_378 = arith.mulf %get3A_371, %add3A_377 : vector<16xf32>
        %swap3A_379 = arith.index_cast %add3A_296 : i32 to index
        %swap3A_380 = arith.constant 32 : index
        %swap3A_381 = tpu.vector_load %arg11[%swap3A_379, %swap3A_380] {strides = array<i32>} : memref<24x128xf32, #tpu.memory_space<vmem>>, vector<1x16xf32>,
        %swap3A_382 = vector.shape_cast %swap3A_381 : vector<1x16xf32> to vector<16xf32>
        %swap3A_383 = vector.shape_cast %mul3A_378 : vector<16xf32> to vector<1x16xf32>
        tpu.vector_store %arg11[%swap3A_379, %swap3A_380], %swap3A_383 {strides = array<i32>} : memref<24x128xf32, #tpu.memory_space<vmem>>, vector<1x16xf32>,
        %get3A_384 = arith.index_cast %add3A_296 : i32 to index
        %get3A_385 = arith.constant 48 : index
        %get3A_386 = tpu.vector_load %arg11[%get3A_384, %get3A_385] {strides = array<i32>} : memref<24x128xf32, #tpu.memory_space<vmem>>, vector<1x16xf32>,
        %get3A_387 = vector.shape_cast %get3A_386 : vector<1x16xf32> to vector<16xf32>
        %get3A_388 = arith.index_cast %add3A_296 : i32 to index
        %get3A_389 = arith.constant 48 : index
        %get3A_390 = tpu.vector_load %arg15[%get3A_388, %get3A_389] {strides = array<i32>} : memref<24x128xf32, #tpu.memory_space<vmem>>, vector<1x16xf32>,
        %get3A_391 = vector.shape_cast %get3A_390 : vector<1x16xf32> to vector<16xf32>
        %mul3A_392 = arith.mulf %bitcast_convert_type3A_356, %get3A_391 : vector<16xf32>
        %add3A_393 = arith.addf %mul3A_392, %bitcast_convert_type3A_367 : vector<16xf32>
        %mul3A_394 = arith.mulf %get3A_387, %add3A_393 : vector<16xf32>
        %swap3A_395 = arith.index_cast %add3A_296 : i32 to index
        %swap3A_396 = arith.constant 48 : index
        %swap3A_397 = tpu.vector_load %arg11[%swap3A_395, %swap3A_396] {strides = array<i32>} : memref<24x128xf32, #tpu.memory_space<vmem>>, vector<1x16xf32>,
        %swap3A_398 = vector.shape_cast %swap3A_397 : vector<1x16xf32> to vector<16xf32>
        %swap3A_399 = vector.shape_cast %mul3A_394 : vector<16xf32> to vector<1x16xf32>
        tpu.vector_store %arg11[%swap3A_395, %swap3A_396], %swap3A_399 {strides = array<i32>} : memref<24x128xf32, #tpu.memory_space<vmem>>, vector<1x16xf32>,
        %get3A_400 = arith.index_cast %add3A_296 : i32 to index
        %get3A_401 = arith.constant 32 : index
        %get3A_402 = tpu.vector_load %arg13[%get3A_400, %get3A_401] {strides = array<i32>} : memref<24x128xi32, #tpu.memory_space<vmem>>, vector<1x16xi32>,
        %get3A_403 = vector.shape_cast %get3A_402 : vector<1x16xi32> to vector<16xi32>
        %shift_left3A_404 = arith.constant 16 : i32
        %shift_left3A_405 = vector.broadcast %shift_left3A_404 : i32 to vector<16xi32>
        %shift_left3A_406 = arith.shli %get3A_403, %shift_left3A_405 : vector<16xi32>
        %bitcast_convert_type3A_407 = tpu.bitcast %shift_left3A_406 : vector<16xi32> -> vector<16xf32>
        %and3A_408 = vector.broadcast %scan3A_55 : i32 to vector<16xi32>
        %and3A_409 = arith.andi %get3A_403, %and3A_408 : vector<16xi32>
        %bitcast_convert_type3A_410 = tpu.bitcast %and3A_409 : vector<16xi32> -> vector<16xf32>
        %get3A_411 = arith.index_cast %add3A_296 : i32 to index
        %get3A_412 = arith.constant 96 : index
        %get3A_413 = tpu.vector_load %arg13[%get3A_411, %get3A_412] {strides = array<i32>} : memref<24x128xi32, #tpu.memory_space<vmem>>, vector<1x16xi32>,
        %get3A_414 = vector.shape_cast %get3A_413 : vector<1x16xi32> to vector<16xi32>
        %shift_left3A_415 = arith.constant 16 : i32
        %shift_left3A_416 = vector.broadcast %shift_left3A_415 : i32 to vector<16xi32>
        %shift_left3A_417 = arith.shli %get3A_414, %shift_left3A_416 : vector<16xi32>
        %bitcast_convert_type3A_418 = tpu.bitcast %shift_left3A_417 : vector<16xi32> -> vector<16xf32>
        %and3A_419 = vector.broadcast %scan3A_55 : i32 to vector<16xi32>
        %and3A_420 = arith.andi %get3A_414, %and3A_419 : vector<16xi32>
        %bitcast_convert_type3A_421 = tpu.bitcast %and3A_420 : vector<16xi32> -> vector<16xf32>
        %get3A_422 = arith.index_cast %add3A_296 : i32 to index
        %get3A_423 = arith.constant 64 : index
        %get3A_424 = tpu.vector_load %arg11[%get3A_422, %get3A_423] {strides = array<i32>} : memref<24x128xf32, #tpu.memory_space<vmem>>, vector<1x16xf32>,
        %get3A_425 = vector.shape_cast %get3A_424 : vector<1x16xf32> to vector<16xf32>
        %get3A_426 = arith.index_cast %add3A_296 : i32 to index
        %get3A_427 = arith.constant 64 : index
        %get3A_428 = tpu.vector_load %arg15[%get3A_426, %get3A_427] {strides = array<i32>} : memref<24x128xf32, #tpu.memory_space<vmem>>, vector<1x16xf32>,
        %get3A_429 = vector.shape_cast %get3A_428 : vector<1x16xf32> to vector<16xf32>
        %mul3A_430 = arith.mulf %bitcast_convert_type3A_407, %get3A_429 : vector<16xf32>
        %add3A_431 = arith.addf %mul3A_430, %bitcast_convert_type3A_418 : vector<16xf32>
        %mul3A_432 = arith.mulf %get3A_425, %add3A_431 : vector<16xf32>
        %swap3A_433 = arith.index_cast %add3A_296 : i32 to index
        %swap3A_434 = arith.constant 64 : index
        %swap3A_435 = tpu.vector_load %arg11[%swap3A_433, %swap3A_434] {strides = array<i32>} : memref<24x128xf32, #tpu.memory_space<vmem>>, vector<1x16xf32>,
        %swap3A_436 = vector.shape_cast %swap3A_435 : vector<1x16xf32> to vector<16xf32>
        %swap3A_437 = vector.shape_cast %mul3A_432 : vector<16xf32> to vector<1x16xf32>
        tpu.vector_store %arg11[%swap3A_433, %swap3A_434], %swap3A_437 {strides = array<i32>} : memref<24x128xf32, #tpu.memory_space<vmem>>, vector<1x16xf32>,
        %get3A_438 = arith.index_cast %add3A_296 : i32 to index
        %get3A_439 = arith.constant 80 : index
        %get3A_440 = tpu.vector_load %arg11[%get3A_438, %get3A_439] {strides = array<i32>} : memref<24x128xf32, #tpu.memory_space<vmem>>, vector<1x16xf32>,
        %get3A_441 = vector.shape_cast %get3A_440 : vector<1x16xf32> to vector<16xf32>
        %get3A_442 = arith.index_cast %add3A_296 : i32 to index
        %get3A_443 = arith.constant 80 : index
        %get3A_444 = tpu.vector_load %arg15[%get3A_442, %get3A_443] {strides = array<i32>} : memref<24x128xf32, #tpu.memory_space<vmem>>, vector<1x16xf32>,
        %get3A_445 = vector.shape_cast %get3A_444 : vector<1x16xf32> to vector<16xf32>
        %mul3A_446 = arith.mulf %bitcast_convert_type3A_410, %get3A_445 : vector<16xf32>
        %add3A_447 = arith.addf %mul3A_446, %bitcast_convert_type3A_421 : vector<16xf32>
        %mul3A_448 = arith.mulf %get3A_441, %add3A_447 : vector<16xf32>
        %swap3A_449 = arith.index_cast %add3A_296 : i32 to index
        %swap3A_450 = arith.constant 80 : index
        %swap3A_451 = tpu.vector_load %arg11[%swap3A_449, %swap3A_450] {strides = array<i32>} : memref<24x128xf32, #tpu.memory_space<vmem>>, vector<1x16xf32>,
        %swap3A_452 = vector.shape_cast %swap3A_451 : vector<1x16xf32> to vector<16xf32>
        %swap3A_453 = vector.shape_cast %mul3A_448 : vector<16xf32> to vector<1x16xf32>
        tpu.vector_store %arg11[%swap3A_449, %swap3A_450], %swap3A_453 {strides = array<i32>} : memref<24x128xf32, #tpu.memory_space<vmem>>, vector<1x16xf32>,
        %get3A_454 = arith.index_cast %add3A_296 : i32 to index
        %get3A_455 = arith.constant 48 : index
        %get3A_456 = tpu.vector_load %arg13[%get3A_454, %get3A_455] {strides = array<i32>} : memref<24x128xi32, #tpu.memory_space<vmem>>, vector<1x16xi32>,
        %get3A_457 = vector.shape_cast %get3A_456 : vector<1x16xi32> to vector<16xi32>
        %shift_left3A_458 = arith.constant 16 : i32
        %shift_left3A_459 = vector.broadcast %shift_left3A_458 : i32 to vector<16xi32>
        %shift_left3A_460 = arith.shli %get3A_457, %shift_left3A_459 : vector<16xi32>
        %bitcast_convert_type3A_461 = tpu.bitcast %shift_left3A_460 : vector<16xi32> -> vector<16xf32>
        %and3A_462 = vector.broadcast %scan3A_55 : i32 to vector<16xi32>
        %and3A_463 = arith.andi %get3A_457, %and3A_462 : vector<16xi32>
        %bitcast_convert_type3A_464 = tpu.bitcast %and3A_463 : vector<16xi32> -> vector<16xf32>
        %get3A_465 = arith.index_cast %add3A_296 : i32 to index
        %get3A_466 = arith.constant 112 : index
        %get3A_467 = tpu.vector_load %arg13[%get3A_465, %get3A_466] {strides = array<i32>} : memref<24x128xi32, #tpu.memory_space<vmem>>, vector<1x16xi32>,
        %get3A_468 = vector.shape_cast %get3A_467 : vector<1x16xi32> to vector<16xi32>
        %shift_left3A_469 = arith.constant 16 : i32
        %shift_left3A_470 = vector.broadcast %shift_left3A_469 : i32 to vector<16xi32>
        %shift_left3A_471 = arith.shli %get3A_468, %shift_left3A_470 : vector<16xi32>
        %bitcast_convert_type3A_472 = tpu.bitcast %shift_left3A_471 : vector<16xi32> -> vector<16xf32>
        %and3A_473 = vector.broadcast %scan3A_55 : i32 to vector<16xi32>
        %and3A_474 = arith.andi %get3A_468, %and3A_473 : vector<16xi32>
        %bitcast_convert_type3A_475 = tpu.bitcast %and3A_474 : vector<16xi32> -> vector<16xf32>
        %get3A_476 = arith.index_cast %add3A_296 : i32 to index
        %get3A_477 = arith.constant 96 : index
        %get3A_478 = tpu.vector_load %arg11[%get3A_476, %get3A_477] {strides = array<i32>} : memref<24x128xf32, #tpu.memory_space<vmem>>, vector<1x16xf32>,
        %get3A_479 = vector.shape_cast %get3A_478 : vector<1x16xf32> to vector<16xf32>
        %get3A_480 = arith.index_cast %add3A_296 : i32 to index
        %get3A_481 = arith.constant 96 : index
        %get3A_482 = tpu.vector_load %arg15[%get3A_480, %get3A_481] {strides = array<i32>} : memref<24x128xf32, #tpu.memory_space<vmem>>, vector<1x16xf32>,
        %get3A_483 = vector.shape_cast %get3A_482 : vector<1x16xf32> to vector<16xf32>
        %mul3A_484 = arith.mulf %bitcast_convert_type3A_461, %get3A_483 : vector<16xf32>
        %add3A_485 = arith.addf %mul3A_484, %bitcast_convert_type3A_472 : vector<16xf32>
        %mul3A_486 = arith.mulf %get3A_479, %add3A_485 : vector<16xf32>
        %swap3A_487 = arith.index_cast %add3A_296 : i32 to index
        %swap3A_488 = arith.constant 96 : index
        %swap3A_489 = tpu.vector_load %arg11[%swap3A_487, %swap3A_488] {strides = array<i32>} : memref<24x128xf32, #tpu.memory_space<vmem>>, vector<1x16xf32>,
        %swap3A_490 = vector.shape_cast %swap3A_489 : vector<1x16xf32> to vector<16xf32>
        %swap3A_491 = vector.shape_cast %mul3A_486 : vector<16xf32> to vector<1x16xf32>
        tpu.vector_store %arg11[%swap3A_487, %swap3A_488], %swap3A_491 {strides = array<i32>} : memref<24x128xf32, #tpu.memory_space<vmem>>, vector<1x16xf32>,
        %get3A_492 = arith.index_cast %add3A_296 : i32 to index
        %get3A_493 = arith.constant 112 : index
        %get3A_494 = tpu.vector_load %arg11[%get3A_492, %get3A_493] {strides = array<i32>} : memref<24x128xf32, #tpu.memory_space<vmem>>, vector<1x16xf32>,
        %get3A_495 = vector.shape_cast %get3A_494 : vector<1x16xf32> to vector<16xf32>
        %get3A_496 = arith.index_cast %add3A_296 : i32 to index
        %get3A_497 = arith.constant 112 : index
        %get3A_498 = tpu.vector_load %arg15[%get3A_496, %get3A_497] {strides = array<i32>} : memref<24x128xf32, #tpu.memory_space<vmem>>, vector<1x16xf32>,
        %get3A_499 = vector.shape_cast %get3A_498 : vector<1x16xf32> to vector<16xf32>
        %mul3A_500 = arith.mulf %bitcast_convert_type3A_464, %get3A_499 : vector<16xf32>
        %add3A_501 = arith.addf %mul3A_500, %bitcast_convert_type3A_475 : vector<16xf32>
        %mul3A_502 = arith.mulf %get3A_495, %add3A_501 : vector<16xf32>
        %swap3A_503 = arith.index_cast %add3A_296 : i32 to index
        %swap3A_504 = arith.constant 112 : index
        %swap3A_505 = tpu.vector_load %arg11[%swap3A_503, %swap3A_504] {strides = array<i32>} : memref<24x128xf32, #tpu.memory_space<vmem>>, vector<1x16xf32>,
        %swap3A_506 = vector.shape_cast %swap3A_505 : vector<1x16xf32> to vector<16xf32>
        %swap3A_507 = vector.shape_cast %mul3A_502 : vector<16xf32> to vector<1x16xf32>
        tpu.vector_store %arg11[%swap3A_503, %swap3A_504], %swap3A_507 {strides = array<i32>} : memref<24x128xf32, #tpu.memory_space<vmem>>, vector<1x16xf32>,
        %mul3A_508 = arith.constant 2 : i32
        %mul3A_509 = arith.muli %mul3A_508, %scan3A_292 : i32
        %add3A_510 = arith.constant 1 : i32
        %add3A_511 = arith.addi %mul3A_509, %add3A_510 : i32
        %get3A_512 = arith.index_cast %add3A_511 : i32 to index
        %get3A_513 = arith.constant 0 : index
        %get3A_514 = tpu.vector_load %arg13[%get3A_512, %get3A_513] {strides = array<i32>} : memref<24x128xi32, #tpu.memory_space<vmem>>, vector<1x16xi32>,
        %get3A_515 = vector.shape_cast %get3A_514 : vector<1x16xi32> to vector<16xi32>
        %shift_left3A_516 = arith.constant 16 : i32
        %shift_left3A_517 = vector.broadcast %shift_left3A_516 : i32 to vector<16xi32>
        %shift_left3A_518 = arith.shli %get3A_515, %shift_left3A_517 : vector<16xi32>
        %bitcast_convert_type3A_519 = tpu.bitcast %shift_left3A_518 : vector<16xi32> -> vector<16xf32>
        %and3A_520 = vector.broadcast %scan3A_55 : i32 to vector<16xi32>
        %and3A_521 = arith.andi %get3A_515, %and3A_520 : vector<16xi32>
        %bitcast_convert_type3A_522 = tpu.bitcast %and3A_521 : vector<16xi32> -> vector<16xf32>
        %get3A_523 = arith.index_cast %add3A_511 : i32 to index
        %get3A_524 = arith.constant 64 : index
        %get3A_525 = tpu.vector_load %arg13[%get3A_523, %get3A_524] {strides = array<i32>} : memref<24x128xi32, #tpu.memory_space<vmem>>, vector<1x16xi32>,
        %get3A_526 = vector.shape_cast %get3A_525 : vector<1x16xi32> to vector<16xi32>
        %shift_left3A_527 = arith.constant 16 : i32
        %shift_left3A_528 = vector.broadcast %shift_left3A_527 : i32 to vector<16xi32>
        %shift_left3A_529 = arith.shli %get3A_526, %shift_left3A_528 : vector<16xi32>
        %bitcast_convert_type3A_530 = tpu.bitcast %shift_left3A_529 : vector<16xi32> -> vector<16xf32>
        %and3A_531 = vector.broadcast %scan3A_55 : i32 to vector<16xi32>
        %and3A_532 = arith.andi %get3A_526, %and3A_531 : vector<16xi32>
        %bitcast_convert_type3A_533 = tpu.bitcast %and3A_532 : vector<16xi32> -> vector<16xf32>
        %get3A_534 = arith.index_cast %add3A_511 : i32 to index
        %get3A_535 = arith.constant 0 : index
        %get3A_536 = tpu.vector_load %arg11[%get3A_534, %get3A_535] {strides = array<i32>} : memref<24x128xf32, #tpu.memory_space<vmem>>, vector<1x16xf32>,
        %get3A_537 = vector.shape_cast %get3A_536 : vector<1x16xf32> to vector<16xf32>
        %get3A_538 = arith.index_cast %add3A_511 : i32 to index
        %get3A_539 = arith.constant 0 : index
        %get3A_540 = tpu.vector_load %arg15[%get3A_538, %get3A_539] {strides = array<i32>} : memref<24x128xf32, #tpu.memory_space<vmem>>, vector<1x16xf32>,
        %get3A_541 = vector.shape_cast %get3A_540 : vector<1x16xf32> to vector<16xf32>
        %mul3A_542 = arith.mulf %bitcast_convert_type3A_519, %get3A_541 : vector<16xf32>
        %add3A_543 = arith.addf %mul3A_542, %bitcast_convert_type3A_530 : vector<16xf32>
        %mul3A_544 = arith.mulf %get3A_537, %add3A_543 : vector<16xf32>
        %swap3A_545 = arith.index_cast %add3A_511 : i32 to index
        %swap3A_546 = arith.constant 0 : index
        %swap3A_547 = tpu.vector_load %arg11[%swap3A_545, %swap3A_546] {strides = array<i32>} : memref<24x128xf32, #tpu.memory_space<vmem>>, vector<1x16xf32>,
        %swap3A_548 = vector.shape_cast %swap3A_547 : vector<1x16xf32> to vector<16xf32>
        %swap3A_549 = vector.shape_cast %mul3A_544 : vector<16xf32> to vector<1x16xf32>
        tpu.vector_store %arg11[%swap3A_545, %swap3A_546], %swap3A_549 {strides = array<i32>} : memref<24x128xf32, #tpu.memory_space<vmem>>, vector<1x16xf32>,
        %get3A_550 = arith.index_cast %add3A_511 : i32 to index
        %get3A_551 = arith.constant 16 : index
        %get3A_552 = tpu.vector_load %arg11[%get3A_550, %get3A_551] {strides = array<i32>} : memref<24x128xf32, #tpu.memory_space<vmem>>, vector<1x16xf32>,
        %get3A_553 = vector.shape_cast %get3A_552 : vector<1x16xf32> to vector<16xf32>
        %get3A_554 = arith.index_cast %add3A_511 : i32 to index
        %get3A_555 = arith.constant 16 : index
        %get3A_556 = tpu.vector_load %arg15[%get3A_554, %get3A_555] {strides = array<i32>} : memref<24x128xf32, #tpu.memory_space<vmem>>, vector<1x16xf32>,
        %get3A_557 = vector.shape_cast %get3A_556 : vector<1x16xf32> to vector<16xf32>
        %mul3A_558 = arith.mulf %bitcast_convert_type3A_522, %get3A_557 : vector<16xf32>
        %add3A_559 = arith.addf %mul3A_558, %bitcast_convert_type3A_533 : vector<16xf32>
        %mul3A_560 = arith.mulf %get3A_553, %add3A_559 : vector<16xf32>
        %swap3A_561 = arith.index_cast %add3A_511 : i32 to index
        %swap3A_562 = arith.constant 16 : index
        %swap3A_563 = tpu.vector_load %arg11[%swap3A_561, %swap3A_562] {strides = array<i32>} : memref<24x128xf32, #tpu.memory_space<vmem>>, vector<1x16xf32>,
        %swap3A_564 = vector.shape_cast %swap3A_563 : vector<1x16xf32> to vector<16xf32>
        %swap3A_565 = vector.shape_cast %mul3A_560 : vector<16xf32> to vector<1x16xf32>
        tpu.vector_store %arg11[%swap3A_561, %swap3A_562], %swap3A_565 {strides = array<i32>} : memref<24x128xf32, #tpu.memory_space<vmem>>, vector<1x16xf32>,
        %get3A_566 = arith.index_cast %add3A_511 : i32 to index
        %get3A_567 = arith.constant 16 : index
        %get3A_568 = tpu.vector_load %arg13[%get3A_566, %get3A_567] {strides = array<i32>} : memref<24x128xi32, #tpu.memory_space<vmem>>, vector<1x16xi32>,
        %get3A_569 = vector.shape_cast %get3A_568 : vector<1x16xi32> to vector<16xi32>
        %shift_left3A_570 = arith.constant 16 : i32
        %shift_left3A_571 = vector.broadcast %shift_left3A_570 : i32 to vector<16xi32>
        %shift_left3A_572 = arith.shli %get3A_569, %shift_left3A_571 : vector<16xi32>
        %bitcast_convert_type3A_573 = tpu.bitcast %shift_left3A_572 : vector<16xi32> -> vector<16xf32>
        %and3A_574 = vector.broadcast %scan3A_55 : i32 to vector<16xi32>
        %and3A_575 = arith.andi %get3A_569, %and3A_574 : vector<16xi32>
        %bitcast_convert_type3A_576 = tpu.bitcast %and3A_575 : vector<16xi32> -> vector<16xf32>
        %get3A_577 = arith.index_cast %add3A_511 : i32 to index
        %get3A_578 = arith.constant 80 : index
        %get3A_579 = tpu.vector_load %arg13[%get3A_577, %get3A_578] {strides = array<i32>} : memref<24x128xi32, #tpu.memory_space<vmem>>, vector<1x16xi32>,
        %get3A_580 = vector.shape_cast %get3A_579 : vector<1x16xi32> to vector<16xi32>
        %shift_left3A_581 = arith.constant 16 : i32
        %shift_left3A_582 = vector.broadcast %shift_left3A_581 : i32 to vector<16xi32>
        %shift_left3A_583 = arith.shli %get3A_580, %shift_left3A_582 : vector<16xi32>
        %bitcast_convert_type3A_584 = tpu.bitcast %shift_left3A_583 : vector<16xi32> -> vector<16xf32>
        %and3A_585 = vector.broadcast %scan3A_55 : i32 to vector<16xi32>
        %and3A_586 = arith.andi %get3A_580, %and3A_585 : vector<16xi32>
        %bitcast_convert_type3A_587 = tpu.bitcast %and3A_586 : vector<16xi32> -> vector<16xf32>
        %get3A_588 = arith.index_cast %add3A_511 : i32 to index
        %get3A_589 = arith.constant 32 : index
        %get3A_590 = tpu.vector_load %arg11[%get3A_588, %get3A_589] {strides = array<i32>} : memref<24x128xf32, #tpu.memory_space<vmem>>, vector<1x16xf32>,
        %get3A_591 = vector.shape_cast %get3A_590 : vector<1x16xf32> to vector<16xf32>
        %get3A_592 = arith.index_cast %add3A_511 : i32 to index
        %get3A_593 = arith.constant 32 : index
        %get3A_594 = tpu.vector_load %arg15[%get3A_592, %get3A_593] {strides = array<i32>} : memref<24x128xf32, #tpu.memory_space<vmem>>, vector<1x16xf32>,
        %get3A_595 = vector.shape_cast %get3A_594 : vector<1x16xf32> to vector<16xf32>
        %mul3A_596 = arith.mulf %bitcast_convert_type3A_573, %get3A_595 : vector<16xf32>
        %add3A_597 = arith.addf %mul3A_596, %bitcast_convert_type3A_584 : vector<16xf32>
        %mul3A_598 = arith.mulf %get3A_591, %add3A_597 : vector<16xf32>
        %swap3A_599 = arith.index_cast %add3A_511 : i32 to index
        %swap3A_600 = arith.constant 32 : index
        %swap3A_601 = tpu.vector_load %arg11[%swap3A_599, %swap3A_600] {strides = array<i32>} : memref<24x128xf32, #tpu.memory_space<vmem>>, vector<1x16xf32>,
        %swap3A_602 = vector.shape_cast %swap3A_601 : vector<1x16xf32> to vector<16xf32>
        %swap3A_603 = vector.shape_cast %mul3A_598 : vector<16xf32> to vector<1x16xf32>
        tpu.vector_store %arg11[%swap3A_599, %swap3A_600], %swap3A_603 {strides = array<i32>} : memref<24x128xf32, #tpu.memory_space<vmem>>, vector<1x16xf32>,
        %get3A_604 = arith.index_cast %add3A_511 : i32 to index
        %get3A_605 = arith.constant 48 : index
        %get3A_606 = tpu.vector_load %arg11[%get3A_604, %get3A_605] {strides = array<i32>} : memref<24x128xf32, #tpu.memory_space<vmem>>, vector<1x16xf32>,
        %get3A_607 = vector.shape_cast %get3A_606 : vector<1x16xf32> to vector<16xf32>
        %get3A_608 = arith.index_cast %add3A_511 : i32 to index
        %get3A_609 = arith.constant 48 : index
        %get3A_610 = tpu.vector_load %arg15[%get3A_608, %get3A_609] {strides = array<i32>} : memref<24x128xf32, #tpu.memory_space<vmem>>, vector<1x16xf32>,
        %get3A_611 = vector.shape_cast %get3A_610 : vector<1x16xf32> to vector<16xf32>
        %mul3A_612 = arith.mulf %bitcast_convert_type3A_576, %get3A_611 : vector<16xf32>
        %add3A_613 = arith.addf %mul3A_612, %bitcast_convert_type3A_587 : vector<16xf32>
        %mul3A_614 = arith.mulf %get3A_607, %add3A_613 : vector<16xf32>
        %swap3A_615 = arith.index_cast %add3A_511 : i32 to index
        %swap3A_616 = arith.constant 48 : index
        %swap3A_617 = tpu.vector_load %arg11[%swap3A_615, %swap3A_616] {strides = array<i32>} : memref<24x128xf32, #tpu.memory_space<vmem>>, vector<1x16xf32>,
        %swap3A_618 = vector.shape_cast %swap3A_617 : vector<1x16xf32> to vector<16xf32>
        %swap3A_619 = vector.shape_cast %mul3A_614 : vector<16xf32> to vector<1x16xf32>
        tpu.vector_store %arg11[%swap3A_615, %swap3A_616], %swap3A_619 {strides = array<i32>} : memref<24x128xf32, #tpu.memory_space<vmem>>, vector<1x16xf32>,
        %get3A_620 = arith.index_cast %add3A_511 : i32 to index
        %get3A_621 = arith.constant 32 : index
        %get3A_622 = tpu.vector_load %arg13[%get3A_620, %get3A_621] {strides = array<i32>} : memref<24x128xi32, #tpu.memory_space<vmem>>, vector<1x16xi32>,
        %get3A_623 = vector.shape_cast %get3A_622 : vector<1x16xi32> to vector<16xi32>
        %shift_left3A_624 = arith.constant 16 : i32
        %shift_left3A_625 = vector.broadcast %shift_left3A_624 : i32 to vector<16xi32>
        %shift_left3A_626 = arith.shli %get3A_623, %shift_left3A_625 : vector<16xi32>
        %bitcast_convert_type3A_627 = tpu.bitcast %shift_left3A_626 : vector<16xi32> -> vector<16xf32>
        %and3A_628 = vector.broadcast %scan3A_55 : i32 to vector<16xi32>
        %and3A_629 = arith.andi %get3A_623, %and3A_628 : vector<16xi32>
        %bitcast_convert_type3A_630 = tpu.bitcast %and3A_629 : vector<16xi32> -> vector<16xf32>
        %get3A_631 = arith.index_cast %add3A_511 : i32 to index
        %get3A_632 = arith.constant 96 : index
        %get3A_633 = tpu.vector_load %arg13[%get3A_631, %get3A_632] {strides = array<i32>} : memref<24x128xi32, #tpu.memory_space<vmem>>, vector<1x16xi32>,
        %get3A_634 = vector.shape_cast %get3A_633 : vector<1x16xi32> to vector<16xi32>
        %shift_left3A_635 = arith.constant 16 : i32
        %shift_left3A_636 = vector.broadcast %shift_left3A_635 : i32 to vector<16xi32>
        %shift_left3A_637 = arith.shli %get3A_634, %shift_left3A_636 : vector<16xi32>
        %bitcast_convert_type3A_638 = tpu.bitcast %shift_left3A_637 : vector<16xi32> -> vector<16xf32>
        %and3A_639 = vector.broadcast %scan3A_55 : i32 to vector<16xi32>
        %and3A_640 = arith.andi %get3A_634, %and3A_639 : vector<16xi32>
        %bitcast_convert_type3A_641 = tpu.bitcast %and3A_640 : vector<16xi32> -> vector<16xf32>
        %get3A_642 = arith.index_cast %add3A_511 : i32 to index
        %get3A_643 = arith.constant 64 : index
        %get3A_644 = tpu.vector_load %arg11[%get3A_642, %get3A_643] {strides = array<i32>} : memref<24x128xf32, #tpu.memory_space<vmem>>, vector<1x16xf32>,
        %get3A_645 = vector.shape_cast %get3A_644 : vector<1x16xf32> to vector<16xf32>
        %get3A_646 = arith.index_cast %add3A_511 : i32 to index
        %get3A_647 = arith.constant 64 : index
        %get3A_648 = tpu.vector_load %arg15[%get3A_646, %get3A_647] {strides = array<i32>} : memref<24x128xf32, #tpu.memory_space<vmem>>, vector<1x16xf32>,
        %get3A_649 = vector.shape_cast %get3A_648 : vector<1x16xf32> to vector<16xf32>
        %mul3A_650 = arith.mulf %bitcast_convert_type3A_627, %get3A_649 : vector<16xf32>
        %add3A_651 = arith.addf %mul3A_650, %bitcast_convert_type3A_638 : vector<16xf32>
        %mul3A_652 = arith.mulf %get3A_645, %add3A_651 : vector<16xf32>
        %swap3A_653 = arith.index_cast %add3A_511 : i32 to index
        %swap3A_654 = arith.constant 64 : index
        %swap3A_655 = tpu.vector_load %arg11[%swap3A_653, %swap3A_654] {strides = array<i32>} : memref<24x128xf32, #tpu.memory_space<vmem>>, vector<1x16xf32>,
        %swap3A_656 = vector.shape_cast %swap3A_655 : vector<1x16xf32> to vector<16xf32>
        %swap3A_657 = vector.shape_cast %mul3A_652 : vector<16xf32> to vector<1x16xf32>
        tpu.vector_store %arg11[%swap3A_653, %swap3A_654], %swap3A_657 {strides = array<i32>} : memref<24x128xf32, #tpu.memory_space<vmem>>, vector<1x16xf32>,
        %get3A_658 = arith.index_cast %add3A_511 : i32 to index
        %get3A_659 = arith.constant 80 : index
        %get3A_660 = tpu.vector_load %arg11[%get3A_658, %get3A_659] {strides = array<i32>} : memref<24x128xf32, #tpu.memory_space<vmem>>, vector<1x16xf32>,
        %get3A_661 = vector.shape_cast %get3A_660 : vector<1x16xf32> to vector<16xf32>
        %get3A_662 = arith.index_cast %add3A_511 : i32 to index
        %get3A_663 = arith.constant 80 : index
        %get3A_664 = tpu.vector_load %arg15[%get3A_662, %get3A_663] {strides = array<i32>} : memref<24x128xf32, #tpu.memory_space<vmem>>, vector<1x16xf32>,
        %get3A_665 = vector.shape_cast %get3A_664 : vector<1x16xf32> to vector<16xf32>
        %mul3A_666 = arith.mulf %bitcast_convert_type3A_630, %get3A_665 : vector<16xf32>
        %add3A_667 = arith.addf %mul3A_666, %bitcast_convert_type3A_641 : vector<16xf32>
        %mul3A_668 = arith.mulf %get3A_661, %add3A_667 : vector<16xf32>
        %swap3A_669 = arith.index_cast %add3A_511 : i32 to index
        %swap3A_670 = arith.constant 80 : index
        %swap3A_671 = tpu.vector_load %arg11[%swap3A_669, %swap3A_670] {strides = array<i32>} : memref<24x128xf32, #tpu.memory_space<vmem>>, vector<1x16xf32>,
        %swap3A_672 = vector.shape_cast %swap3A_671 : vector<1x16xf32> to vector<16xf32>
        %swap3A_673 = vector.shape_cast %mul3A_668 : vector<16xf32> to vector<1x16xf32>
        tpu.vector_store %arg11[%swap3A_669, %swap3A_670], %swap3A_673 {strides = array<i32>} : memref<24x128xf32, #tpu.memory_space<vmem>>, vector<1x16xf32>,
        %get3A_674 = arith.index_cast %add3A_511 : i32 to index
        %get3A_675 = arith.constant 48 : index
        %get3A_676 = tpu.vector_load %arg13[%get3A_674, %get3A_675] {strides = array<i32>} : memref<24x128xi32, #tpu.memory_space<vmem>>, vector<1x16xi32>,
        %get3A_677 = vector.shape_cast %get3A_676 : vector<1x16xi32> to vector<16xi32>
        %shift_left3A_678 = arith.constant 16 : i32
        %shift_left3A_679 = vector.broadcast %shift_left3A_678 : i32 to vector<16xi32>
        %shift_left3A_680 = arith.shli %get3A_677, %shift_left3A_679 : vector<16xi32>
        %bitcast_convert_type3A_681 = tpu.bitcast %shift_left3A_680 : vector<16xi32> -> vector<16xf32>
        %and3A_682 = vector.broadcast %scan3A_55 : i32 to vector<16xi32>
        %and3A_683 = arith.andi %get3A_677, %and3A_682 : vector<16xi32>
        %bitcast_convert_type3A_684 = tpu.bitcast %and3A_683 : vector<16xi32> -> vector<16xf32>
        %get3A_685 = arith.index_cast %add3A_511 : i32 to index
        %get3A_686 = arith.constant 112 : index
        %get3A_687 = tpu.vector_load %arg13[%get3A_685, %get3A_686] {strides = array<i32>} : memref<24x128xi32, #tpu.memory_space<vmem>>, vector<1x16xi32>,
        %get3A_688 = vector.shape_cast %get3A_687 : vector<1x16xi32> to vector<16xi32>
        %shift_left3A_689 = arith.constant 16 : i32
        %shift_left3A_690 = vector.broadcast %shift_left3A_689 : i32 to vector<16xi32>
        %shift_left3A_691 = arith.shli %get3A_688, %shift_left3A_690 : vector<16xi32>
        %bitcast_convert_type3A_692 = tpu.bitcast %shift_left3A_691 : vector<16xi32> -> vector<16xf32>
        %and3A_693 = vector.broadcast %scan3A_55 : i32 to vector<16xi32>
        %and3A_694 = arith.andi %get3A_688, %and3A_693 : vector<16xi32>
        %bitcast_convert_type3A_695 = tpu.bitcast %and3A_694 : vector<16xi32> -> vector<16xf32>
        %get3A_696 = arith.index_cast %add3A_511 : i32 to index
        %get3A_697 = arith.constant 96 : index
        %get3A_698 = tpu.vector_load %arg11[%get3A_696, %get3A_697] {strides = array<i32>} : memref<24x128xf32, #tpu.memory_space<vmem>>, vector<1x16xf32>,
        %get3A_699 = vector.shape_cast %get3A_698 : vector<1x16xf32> to vector<16xf32>
        %get3A_700 = arith.index_cast %add3A_511 : i32 to index
        %get3A_701 = arith.constant 96 : index
        %get3A_702 = tpu.vector_load %arg15[%get3A_700, %get3A_701] {strides = array<i32>} : memref<24x128xf32, #tpu.memory_space<vmem>>, vector<1x16xf32>,
        %get3A_703 = vector.shape_cast %get3A_702 : vector<1x16xf32> to vector<16xf32>
        %mul3A_704 = arith.mulf %bitcast_convert_type3A_681, %get3A_703 : vector<16xf32>
        %add3A_705 = arith.addf %mul3A_704, %bitcast_convert_type3A_692 : vector<16xf32>
        %mul3A_706 = arith.mulf %get3A_699, %add3A_705 : vector<16xf32>
        %swap3A_707 = arith.index_cast %add3A_511 : i32 to index
        %swap3A_708 = arith.constant 96 : index
        %swap3A_709 = tpu.vector_load %arg11[%swap3A_707, %swap3A_708] {strides = array<i32>} : memref<24x128xf32, #tpu.memory_space<vmem>>, vector<1x16xf32>,
        %swap3A_710 = vector.shape_cast %swap3A_709 : vector<1x16xf32> to vector<16xf32>
        %swap3A_711 = vector.shape_cast %mul3A_706 : vector<16xf32> to vector<1x16xf32>
        tpu.vector_store %arg11[%swap3A_707, %swap3A_708], %swap3A_711 {strides = array<i32>} : memref<24x128xf32, #tpu.memory_space<vmem>>, vector<1x16xf32>,
        %get3A_712 = arith.index_cast %add3A_511 : i32 to index
        %get3A_713 = arith.constant 112 : index
        %get3A_714 = tpu.vector_load %arg11[%get3A_712, %get3A_713] {strides = array<i32>} : memref<24x128xf32, #tpu.memory_space<vmem>>, vector<1x16xf32>,
        %get3A_715 = vector.shape_cast %get3A_714 : vector<1x16xf32> to vector<16xf32>
        %get3A_716 = arith.index_cast %add3A_511 : i32 to index
        %get3A_717 = arith.constant 112 : index
        %get3A_718 = tpu.vector_load %arg15[%get3A_716, %get3A_717] {strides = array<i32>} : memref<24x128xf32, #tpu.memory_space<vmem>>, vector<1x16xf32>,
        %get3A_719 = vector.shape_cast %get3A_718 : vector<1x16xf32> to vector<16xf32>
        %mul3A_720 = arith.mulf %bitcast_convert_type3A_684, %get3A_719 : vector<16xf32>
        %add3A_721 = arith.addf %mul3A_720, %bitcast_convert_type3A_695 : vector<16xf32>
        %mul3A_722 = arith.mulf %get3A_715, %add3A_721 : vector<16xf32>
        %swap3A_723 = arith.index_cast %add3A_511 : i32 to index
        %swap3A_724 = arith.constant 112 : index
        %swap3A_725 = tpu.vector_load %arg11[%swap3A_723, %swap3A_724] {strides = array<i32>} : memref<24x128xf32, #tpu.memory_space<vmem>>, vector<1x16xf32>,
        %swap3A_726 = vector.shape_cast %swap3A_725 : vector<1x16xf32> to vector<16xf32>
        %swap3A_727 = vector.shape_cast %mul3A_722 : vector<16xf32> to vector<1x16xf32>
        tpu.vector_store %arg11[%swap3A_723, %swap3A_724], %swap3A_727 {strides = array<i32>} : memref<24x128xf32, #tpu.memory_space<vmem>>, vector<1x16xf32>,
      }
      %scan3A_273 = arith.constant 12 : i32
      %dma_start3A_274 = arith.constant 3 : i32
      %dma_start3A_275 = arith.constant 0 : i32
      %dma_start3A_276 = tpu.memref_slice %arg9[%dma_start3A_274, %dma_start3A_275] : memref<4x24xi32, #tpu.memory_space<vmem>> -> memref<1x24xi32, #tpu.memory_space<vmem>>
      %dma_start3A_277 = tpu.memref_squeeze %dma_start3A_276 : memref<1x24xi32, #tpu.memory_space<vmem>> -> memref<24xi32, #tpu.memory_space<vmem>>
      %dma_start3A_278 = arith.constant 0 : i32
      %dma_start3A_279 = arith.constant 0 : i32
      %dma_start3A_280 = tpu.memref_slice %arg16[%dma_start3A_278, %dma_start3A_279] : memref<10240x128xf32, #tpu.memory_space<vmem_shared>> -> memref<10240x128xf32, #tpu.memory_space<vmem_shared>>
      tpu.enqueue_indirect_dma source(%arg11 : memref<24x128xf32, #tpu.memory_space<vmem>>) target(%dma_start3A_280 : memref<10240x128xf32, #tpu.memory_space<vmem_shared>>) offsets(%dma_start3A_277 : memref<24xi32, #tpu.memory_space<vmem>>) semaphore(%arg22 : memref<!tpu.dma_semaphore, #tpu.memory_space<semaphore_mem>>) {add = true}
      %add3A_281 = arith.constant 2 : i32
      %add3A_282 = arith.addi %add3A_128, %add3A_281 : i32
      %min3A = arith.constant 416 : i32
      %min3A_283 = arith.minsi %add3A_282, %min3A : i32
      %dma_start3A_284 = arith.constant 0 : i32
      %dma_start3A_285 = arith.constant 0 : i32
      %dma_start3A_286 = tpu.memref_slice %arg5[%add3A, %min3A_283, %dma_start3A_284, %dma_start3A_285] : memref<32x417x4x24xi32, #tpu.memory_space<hbm>> -> memref<1x1x4x24xi32, #tpu.memory_space<hbm>>
      %dma_start3A_287 = tpu.memref_squeeze %dma_start3A_286 : memref<1x1x4x24xi32, #tpu.memory_space<hbm>> -> memref<4x24xi32, #tpu.memory_space<hbm>>
      %dma_start3A_288 = arith.constant 0 : i32
      %dma_start3A_289 = arith.constant 0 : i32
      %dma_start3A_290 = tpu.memref_slice %arg5[%add3A, %min3A_283, %dma_start3A_288, %dma_start3A_289] : memref<32x417x4x24xi32, #tpu.memory_space<hbm>> -> memref<1x1x4x24xi32, #tpu.memory_space<hbm>>
      %dma_start3A_291 = tpu.memref_squeeze %dma_start3A_290 : memref<1x1x4x24xi32, #tpu.memory_space<hbm>> -> memref<4x24xi32, #tpu.memory_space<hbm>>
      tpu.enqueue_dma source(%dma_start3A_291 : memref<4x24xi32, #tpu.memory_space<hbm>>) target(%arg9 : memref<4x24xi32, #tpu.memory_space<vmem>>) target_semaphore(%arg18 : memref<!tpu.dma_semaphore, #tpu.memory_space<semaphore_mem>>)
    }
    %scan3A_60 = arith.constant 208 : i32
    %dma_wait3A_61 = arith.constant 0 : i32
    %dma_wait3A_62 = arith.constant 0 : i32
    %dma_wait3A_63 = tpu.memref_slice %arg8[%dma_wait3A_61, %dma_wait3A_62] : memref<4x24xi32, #tpu.memory_space<vmem>> -> memref<1x24xi32, #tpu.memory_space<vmem>>
    %dma_wait3A_64 = tpu.memref_squeeze %dma_wait3A_63 : memref<1x24xi32, #tpu.memory_space<vmem>> -> memref<24xi32, #tpu.memory_space<vmem>>
    %dma_wait3A_65 = arith.constant 0 : i32
    %dma_wait3A_66 = arith.constant 0 : i32
    %dma_wait3A_67 = tpu.memref_slice %arg2[%dma_wait3A_65, %dma_wait3A_66] : memref<10240x128xf32, #tpu.memory_space<hbm>> -> memref<10240x128xf32, #tpu.memory_space<hbm>>
    tpu.wait_indirect_dma semaphore(%arg19 : memref<!tpu.dma_semaphore, #tpu.memory_space<semaphore_mem>>) src(%dma_wait3A_67 : memref<10240x128xf32, #tpu.memory_space<hbm>>) dst(%arg10 : memref<24x128xf32, #tpu.memory_space<vmem>>)
    %dma_wait3A_68 = arith.constant 1 : i32
    %dma_wait3A_69 = arith.constant 0 : i32
    %dma_wait3A_70 = tpu.memref_slice %arg8[%dma_wait3A_68, %dma_wait3A_69] : memref<4x24xi32, #tpu.memory_space<vmem>> -> memref<1x24xi32, #tpu.memory_space<vmem>>
    %dma_wait3A_71 = tpu.memref_squeeze %dma_wait3A_70 : memref<1x24xi32, #tpu.memory_space<vmem>> -> memref<24xi32, #tpu.memory_space<vmem>>
    %dma_wait3A_72 = arith.constant 0 : i32
    %dma_wait3A_73 = arith.constant 0 : i32
    %dma_wait3A_74 = tpu.memref_slice %arg3[%dma_wait3A_72, %dma_wait3A_73] : memref<1000x128xi32, #tpu.memory_space<hbm>> -> memref<1000x128xi32, #tpu.memory_space<hbm>>
    tpu.wait_indirect_dma semaphore(%arg19 : memref<!tpu.dma_semaphore, #tpu.memory_space<semaphore_mem>>) src(%dma_wait3A_74 : memref<1000x128xi32, #tpu.memory_space<hbm>>) dst(%arg12 : memref<24x128xi32, #tpu.memory_space<vmem>>)
    %dma_wait3A_75 = arith.constant 2 : i32
    %dma_wait3A_76 = arith.constant 0 : i32
    %dma_wait3A_77 = tpu.memref_slice %arg8[%dma_wait3A_75, %dma_wait3A_76] : memref<4x24xi32, #tpu.memory_space<vmem>> -> memref<1x24xi32, #tpu.memory_space<vmem>>
    %dma_wait3A_78 = tpu.memref_squeeze %dma_wait3A_77 : memref<1x24xi32, #tpu.memory_space<vmem>> -> memref<24xi32, #tpu.memory_space<vmem>>
    %dma_wait3A_79 = arith.constant 0 : i32
    %dma_wait3A_80 = arith.constant 0 : i32
    %dma_wait3A_81 = tpu.memref_slice %arg4[%dma_wait3A_79, %dma_wait3A_80] : memref<10000x128xf32, #tpu.memory_space<hbm>> -> memref<10000x128xf32, #tpu.memory_space<hbm>>
    tpu.wait_indirect_dma semaphore(%arg19 : memref<!tpu.dma_semaphore, #tpu.memory_space<semaphore_mem>>) src(%dma_wait3A_81 : memref<10000x128xf32, #tpu.memory_space<hbm>>) dst(%arg14 : memref<24x128xf32, #tpu.memory_space<vmem>>)
    %scan3A_82 = arith.constant 0 : i32
    %scan3A_83 = arith.constant -65536 : i32
    %scan3A_84 = arith.constant 0 : i32
    %scan3A_85 = arith.constant 12 : i32
    %scan3A_86 = arith.addi %scan3A_84, %scan3A_85 : i32
    %scan3A_87 = arith.constant 1 : i32
    scf.for %scan3A_124 = %scan3A_84 to %scan3A_86 step %scan3A_87  : i32 {
      %mul3A_125 = arith.constant 2 : i32
      %mul3A_126 = arith.muli %mul3A_125, %scan3A_124 : i32
      %add3A_127 = arith.constant 0 : i32
      %add3A_128 = arith.addi %mul3A_126, %add3A_127 : i32
      %get3A = arith.index_cast %add3A_128 : i32 to index
      %get3A_129 = arith.constant 0 : index
      %get3A_130 = tpu.vector_load %arg12[%get3A, %get3A_129] {strides = array<i32>} : memref<24x128xi32, #tpu.memory_space<vmem>>, vector<1x16xi32>,
      %get3A_131 = vector.shape_cast %get3A_130 : vector<1x16xi32> to vector<16xi32>
      %shift_left3A = arith.constant 16 : i32
      %shift_left3A_132 = vector.broadcast %shift_left3A : i32 to vector<16xi32>
      %shift_left3A_133 = arith.shli %get3A_131, %shift_left3A_132 : vector<16xi32>
      %bitcast_convert_type3A = tpu.bitcast %shift_left3A_133 : vector<16xi32> -> vector<16xf32>
      %and3A = vector.broadcast %scan3A_83 : i32 to vector<16xi32>
      %and3A_134 = arith.andi %get3A_131, %and3A : vector<16xi32>
      %bitcast_convert_type3A_135 = tpu.bitcast %and3A_134 : vector<16xi32> -> vector<16xf32>
      %get3A_136 = arith.index_cast %add3A_128 : i32 to index
      %get3A_137 = arith.constant 64 : index
      %get3A_138 = tpu.vector_load %arg12[%get3A_136, %get3A_137] {strides = array<i32>} : memref<24x128xi32, #tpu.memory_space<vmem>>, vector<1x16xi32>,
      %get3A_139 = vector.shape_cast %get3A_138 : vector<1x16xi32> to vector<16xi32>
      %shift_left3A_140 = arith.constant 16 : i32
      %shift_left3A_141 = vector.broadcast %shift_left3A_140 : i32 to vector<16xi32>
      %shift_left3A_142 = arith.shli %get3A_139, %shift_left3A_141 : vector<16xi32>
      %bitcast_convert_type3A_143 = tpu.bitcast %shift_left3A_142 : vector<16xi32> -> vector<16xf32>
      %and3A_144 = vector.broadcast %scan3A_83 : i32 to vector<16xi32>
      %and3A_145 = arith.andi %get3A_139, %and3A_144 : vector<16xi32>
      %bitcast_convert_type3A_146 = tpu.bitcast %and3A_145 : vector<16xi32> -> vector<16xf32>
      %get3A_147 = arith.index_cast %add3A_128 : i32 to index
      %get3A_148 = arith.constant 0 : index
      %get3A_149 = tpu.vector_load %arg10[%get3A_147, %get3A_148] {strides = array<i32>} : memref<24x128xf32, #tpu.memory_space<vmem>>, vector<1x16xf32>,
      %get3A_150 = vector.shape_cast %get3A_149 : vector<1x16xf32> to vector<16xf32>
      %get3A_151 = arith.index_cast %add3A_128 : i32 to index
      %get3A_152 = arith.constant 0 : index
      %get3A_153 = tpu.vector_load %arg14[%get3A_151, %get3A_152] {strides = array<i32>} : memref<24x128xf32, #tpu.memory_space<vmem>>, vector<1x16xf32>,
      %get3A_154 = vector.shape_cast %get3A_153 : vector<1x16xf32> to vector<16xf32>
      %mul3A_155 = arith.mulf %bitcast_convert_type3A, %get3A_154 : vector<16xf32>
      %add3A_156 = arith.addf %mul3A_155, %bitcast_convert_type3A_143 : vector<16xf32>
      %mul3A_157 = arith.mulf %get3A_150, %add3A_156 : vector<16xf32>
      %swap3A = arith.index_cast %add3A_128 : i32 to index
      %swap3A_158 = arith.constant 0 : index
      %swap3A_159 = tpu.vector_load %arg10[%swap3A, %swap3A_158] {strides = array<i32>} : memref<24x128xf32, #tpu.memory_space<vmem>>, vector<1x16xf32>,
      %swap3A_160 = vector.shape_cast %swap3A_159 : vector<1x16xf32> to vector<16xf32>
      %swap3A_161 = vector.shape_cast %mul3A_157 : vector<16xf32> to vector<1x16xf32>
      tpu.vector_store %arg10[%swap3A, %swap3A_158], %swap3A_161 {strides = array<i32>} : memref<24x128xf32, #tpu.memory_space<vmem>>, vector<1x16xf32>,
      %get3A_162 = arith.index_cast %add3A_128 : i32 to index
      %get3A_163 = arith.constant 16 : index
      %get3A_164 = tpu.vector_load %arg10[%get3A_162, %get3A_163] {strides = array<i32>} : memref<24x128xf32, #tpu.memory_space<vmem>>, vector<1x16xf32>,
      %get3A_165 = vector.shape_cast %get3A_164 : vector<1x16xf32> to vector<16xf32>
      %get3A_166 = arith.index_cast %add3A_128 : i32 to index
      %get3A_167 = arith.constant 16 : index
      %get3A_168 = tpu.vector_load %arg14[%get3A_166, %get3A_167] {strides = array<i32>} : memref<24x128xf32, #tpu.memory_space<vmem>>, vector<1x16xf32>,
      %get3A_169 = vector.shape_cast %get3A_168 : vector<1x16xf32> to vector<16xf32>
      %mul3A_170 = arith.mulf %bitcast_convert_type3A_135, %get3A_169 : vector<16xf32>
      %add3A_171 = arith.addf %mul3A_170, %bitcast_convert_type3A_146 : vector<16xf32>
      %mul3A_172 = arith.mulf %get3A_165, %add3A_171 : vector<16xf32>
      %swap3A_173 = arith.index_cast %add3A_128 : i32 to index
      %swap3A_174 = arith.constant 16 : index
      %swap3A_175 = tpu.vector_load %arg10[%swap3A_173, %swap3A_174] {strides = array<i32>} : memref<24x128xf32, #tpu.memory_space<vmem>>, vector<1x16xf32>,
      %swap3A_176 = vector.shape_cast %swap3A_175 : vector<1x16xf32> to vector<16xf32>
      %swap3A_177 = vector.shape_cast %mul3A_172 : vector<16xf32> to vector<1x16xf32>
      tpu.vector_store %arg10[%swap3A_173, %swap3A_174], %swap3A_177 {strides = array<i32>} : memref<24x128xf32, #tpu.memory_space<vmem>>, vector<1x16xf32>,
      %get3A_178 = arith.index_cast %add3A_128 : i32 to index
      %get3A_179 = arith.constant 16 : index
      %get3A_180 = tpu.vector_load %arg12[%get3A_178, %get3A_179] {strides = array<i32>} : memref<24x128xi32, #tpu.memory_space<vmem>>, vector<1x16xi32>,
      %get3A_181 = vector.shape_cast %get3A_180 : vector<1x16xi32> to vector<16xi32>
      %shift_left3A_182 = arith.constant 16 : i32
      %shift_left3A_183 = vector.broadcast %shift_left3A_182 : i32 to vector<16xi32>
      %shift_left3A_184 = arith.shli %get3A_181, %shift_left3A_183 : vector<16xi32>
      %bitcast_convert_type3A_185 = tpu.bitcast %shift_left3A_184 : vector<16xi32> -> vector<16xf32>
      %and3A_186 = vector.broadcast %scan3A_83 : i32 to vector<16xi32>
      %and3A_187 = arith.andi %get3A_181, %and3A_186 : vector<16xi32>
      %bitcast_convert_type3A_188 = tpu.bitcast %and3A_187 : vector<16xi32> -> vector<16xf32>
      %get3A_189 = arith.index_cast %add3A_128 : i32 to index
      %get3A_190 = arith.constant 80 : index
      %get3A_191 = tpu.vector_load %arg12[%get3A_189, %get3A_190] {strides = array<i32>} : memref<24x128xi32, #tpu.memory_space<vmem>>, vector<1x16xi32>,
      %get3A_192 = vector.shape_cast %get3A_191 : vector<1x16xi32> to vector<16xi32>
      %shift_left3A_193 = arith.constant 16 : i32
      %shift_left3A_194 = vector.broadcast %shift_left3A_193 : i32 to vector<16xi32>
      %shift_left3A_195 = arith.shli %get3A_192, %shift_left3A_194 : vector<16xi32>
      %bitcast_convert_type3A_196 = tpu.bitcast %shift_left3A_195 : vector<16xi32> -> vector<16xf32>
      %and3A_197 = vector.broadcast %scan3A_83 : i32 to vector<16xi32>
      %and3A_198 = arith.andi %get3A_192, %and3A_197 : vector<16xi32>
      %bitcast_convert_type3A_199 = tpu.bitcast %and3A_198 : vector<16xi32> -> vector<16xf32>
      %get3A_200 = arith.index_cast %add3A_128 : i32 to index
      %get3A_201 = arith.constant 32 : index
      %get3A_202 = tpu.vector_load %arg10[%get3A_200, %get3A_201] {strides = array<i32>} : memref<24x128xf32, #tpu.memory_space<vmem>>, vector<1x16xf32>,
      %get3A_203 = vector.shape_cast %get3A_202 : vector<1x16xf32> to vector<16xf32>
      %get3A_204 = arith.index_cast %add3A_128 : i32 to index
      %get3A_205 = arith.constant 32 : index
      %get3A_206 = tpu.vector_load %arg14[%get3A_204, %get3A_205] {strides = array<i32>} : memref<24x128xf32, #tpu.memory_space<vmem>>, vector<1x16xf32>,
      %get3A_207 = vector.shape_cast %get3A_206 : vector<1x16xf32> to vector<16xf32>
      %mul3A_208 = arith.mulf %bitcast_convert_type3A_185, %get3A_207 : vector<16xf32>
      %add3A_209 = arith.addf %mul3A_208, %bitcast_convert_type3A_196 : vector<16xf32>
      %mul3A_210 = arith.mulf %get3A_203, %add3A_209 : vector<16xf32>
      %swap3A_211 = arith.index_cast %add3A_128 : i32 to index
      %swap3A_212 = arith.constant 32 : index
      %swap3A_213 = tpu.vector_load %arg10[%swap3A_211, %swap3A_212] {strides = array<i32>} : memref<24x128xf32, #tpu.memory_space<vmem>>, vector<1x16xf32>,
      %swap3A_214 = vector.shape_cast %swap3A_213 : vector<1x16xf32> to vector<16xf32>
      %swap3A_215 = vector.shape_cast %mul3A_210 : vector<16xf32> to vector<1x16xf32>
      tpu.vector_store %arg10[%swap3A_211, %swap3A_212], %swap3A_215 {strides = array<i32>} : memref<24x128xf32, #tpu.memory_space<vmem>>, vector<1x16xf32>,
      %get3A_216 = arith.index_cast %add3A_128 : i32 to index
      %get3A_217 = arith.constant 48 : index
      %get3A_218 = tpu.vector_load %arg10[%get3A_216, %get3A_217] {strides = array<i32>} : memref<24x128xf32, #tpu.memory_space<vmem>>, vector<1x16xf32>,
      %get3A_219 = vector.shape_cast %get3A_218 : vector<1x16xf32> to vector<16xf32>
      %get3A_220 = arith.index_cast %add3A_128 : i32 to index
      %get3A_221 = arith.constant 48 : index
      %get3A_222 = tpu.vector_load %arg14[%get3A_220, %get3A_221] {strides = array<i32>} : memref<24x128xf32, #tpu.memory_space<vmem>>, vector<1x16xf32>,
      %get3A_223 = vector.shape_cast %get3A_222 : vector<1x16xf32> to vector<16xf32>
      %mul3A_224 = arith.mulf %bitcast_convert_type3A_188, %get3A_223 : vector<16xf32>
      %add3A_225 = arith.addf %mul3A_224, %bitcast_convert_type3A_199 : vector<16xf32>
      %mul3A_226 = arith.mulf %get3A_219, %add3A_225 : vector<16xf32>
      %swap3A_227 = arith.index_cast %add3A_128 : i32 to index
      %swap3A_228 = arith.constant 48 : index
      %swap3A_229 = tpu.vector_load %arg10[%swap3A_227, %swap3A_228] {strides = array<i32>} : memref<24x128xf32, #tpu.memory_space<vmem>>, vector<1x16xf32>,
      %swap3A_230 = vector.shape_cast %swap3A_229 : vector<1x16xf32> to vector<16xf32>
      %swap3A_231 = vector.shape_cast %mul3A_226 : vector<16xf32> to vector<1x16xf32>
      tpu.vector_store %arg10[%swap3A_227, %swap3A_228], %swap3A_231 {strides = array<i32>} : memref<24x128xf32, #tpu.memory_space<vmem>>, vector<1x16xf32>,
      %get3A_232 = arith.index_cast %add3A_128 : i32 to index
      %get3A_233 = arith.constant 32 : index
      %get3A_234 = tpu.vector_load %arg12[%get3A_232, %get3A_233] {strides = array<i32>} : memref<24x128xi32, #tpu.memory_space<vmem>>, vector<1x16xi32>,
      %get3A_235 = vector.shape_cast %get3A_234 : vector<1x16xi32> to vector<16xi32>
      %shift_left3A_236 = arith.constant 16 : i32
      %shift_left3A_237 = vector.broadcast %shift_left3A_236 : i32 to vector<16xi32>
      %shift_left3A_238 = arith.shli %get3A_235, %shift_left3A_237 : vector<16xi32>
      %bitcast_convert_type3A_239 = tpu.bitcast %shift_left3A_238 : vector<16xi32> -> vector<16xf32>
      %and3A_240 = vector.broadcast %scan3A_83 : i32 to vector<16xi32>
      %and3A_241 = arith.andi %get3A_235, %and3A_240 : vector<16xi32>
      %bitcast_convert_type3A_242 = tpu.bitcast %and3A_241 : vector<16xi32> -> vector<16xf32>
      %get3A_243 = arith.index_cast %add3A_128 : i32 to index
      %get3A_244 = arith.constant 96 : index
      %get3A_245 = tpu.vector_load %arg12[%get3A_243, %get3A_244] {strides = array<i32>} : memref<24x128xi32, #tpu.memory_space<vmem>>, vector<1x16xi32>,
      %get3A_246 = vector.shape_cast %get3A_245 : vector<1x16xi32> to vector<16xi32>
      %shift_left3A_247 = arith.constant 16 : i32
      %shift_left3A_248 = vector.broadcast %shift_left3A_247 : i32 to vector<16xi32>
      %shift_left3A_249 = arith.shli %get3A_246, %shift_left3A_248 : vector<16xi32>
      %bitcast_convert_type3A_250 = tpu.bitcast %shift_left3A_249 : vector<16xi32> -> vector<16xf32>
      %and3A_251 = vector.broadcast %scan3A_83 : i32 to vector<16xi32>
      %and3A_252 = arith.andi %get3A_246, %and3A_251 : vector<16xi32>
      %bitcast_convert_type3A_253 = tpu.bitcast %and3A_252 : vector<16xi32> -> vector<16xf32>
      %get3A_254 = arith.index_cast %add3A_128 : i32 to index
      %get3A_255 = arith.constant 64 : index
      %get3A_256 = tpu.vector_load %arg10[%get3A_254, %get3A_255] {strides = array<i32>} : memref<24x128xf32, #tpu.memory_space<vmem>>, vector<1x16xf32>,
      %get3A_257 = vector.shape_cast %get3A_256 : vector<1x16xf32> to vector<16xf32>
      %get3A_258 = arith.index_cast %add3A_128 : i32 to index
      %get3A_259 = arith.constant 64 : index
      %get3A_260 = tpu.vector_load %arg14[%get3A_258, %get3A_259] {strides = array<i32>} : memref<24x128xf32, #tpu.memory_space<vmem>>, vector<1x16xf32>,
      %get3A_261 = vector.shape_cast %get3A_260 : vector<1x16xf32> to vector<16xf32>
      %mul3A_262 = arith.mulf %bitcast_convert_type3A_239, %get3A_261 : vector<16xf32>
      %add3A_263 = arith.addf %mul3A_262, %bitcast_convert_type3A_250 : vector<16xf32>
      %mul3A_264 = arith.mulf %get3A_257, %add3A_263 : vector<16xf32>
      %swap3A_265 = arith.index_cast %add3A_128 : i32 to index
      %swap3A_266 = arith.constant 64 : index
      %swap3A_267 = tpu.vector_load %arg10[%swap3A_265, %swap3A_266] {strides = array<i32>} : memref<24x128xf32, #tpu.memory_space<vmem>>, vector<1x16xf32>,
      %swap3A_268 = vector.shape_cast %swap3A_267 : vector<1x16xf32> to vector<16xf32>
      %swap3A_269 = vector.shape_cast %mul3A_264 : vector<16xf32> to vector<1x16xf32>
      tpu.vector_store %arg10[%swap3A_265, %swap3A_266], %swap3A_269 {strides = array<i32>} : memref<24x128xf32, #tpu.memory_space<vmem>>, vector<1x16xf32>,
      %get3A_270 = arith.index_cast %add3A_128 : i32 to index
      %get3A_271 = arith.constant 80 : index
      %get3A_272 = tpu.vector_load %arg10[%get3A_270, %get3A_271] {strides = array<i32>} : memref<24x128xf32, #tpu.memory_space<vmem>>, vector<1x16xf32>,
      %get3A_273 = vector.shape_cast %get3A_272 : vector<1x16xf32> to vector<16xf32>
      %get3A_274 = arith.index_cast %add3A_128 : i32 to index
      %get3A_275 = arith.constant 80 : index
      %get3A_276 = tpu.vector_load %arg14[%get3A_274, %get3A_275] {strides = array<i32>} : memref<24x128xf32, #tpu.memory_space<vmem>>, vector<1x16xf32>,
      %get3A_277 = vector.shape_cast %get3A_276 : vector<1x16xf32> to vector<16xf32>
      %mul3A_278 = arith.mulf %bitcast_convert_type3A_242, %get3A_277 : vector<16xf32>
      %add3A_279 = arith.addf %mul3A_278, %bitcast_convert_type3A_253 : vector<16xf32>
      %mul3A_280 = arith.mulf %get3A_273, %add3A_279 : vector<16xf32>
      %swap3A_281 = arith.index_cast %add3A_128 : i32 to index
      %swap3A_282 = arith.constant 80 : index
      %swap3A_283 = tpu.vector_load %arg10[%swap3A_281, %swap3A_282] {strides = array<i32>} : memref<24x128xf32, #tpu.memory_space<vmem>>, vector<1x16xf32>,
      %swap3A_284 = vector.shape_cast %swap3A_283 : vector<1x16xf32> to vector<16xf32>
      %swap3A_285 = vector.shape_cast %mul3A_280 : vector<16xf32> to vector<1x16xf32>
      tpu.vector_store %arg10[%swap3A_281, %swap3A_282], %swap3A_285 {strides = array<i32>} : memref<24x128xf32, #tpu.memory_space<vmem>>, vector<1x16xf32>,
      %get3A_286 = arith.index_cast %add3A_128 : i32 to index
      %get3A_287 = arith.constant 48 : index
      %get3A_288 = tpu.vector_load %arg12[%get3A_286, %get3A_287] {strides = array<i32>} : memref<24x128xi32, #tpu.memory_space<vmem>>, vector<1x16xi32>,
      %get3A_289 = vector.shape_cast %get3A_288 : vector<1x16xi32> to vector<16xi32>
      %shift_left3A_290 = arith.constant 16 : i32
      %shift_left3A_291 = vector.broadcast %shift_left3A_290 : i32 to vector<16xi32>
      %shift_left3A_292 = arith.shli %get3A_289, %shift_left3A_291 : vector<16xi32>
      %bitcast_convert_type3A_293 = tpu.bitcast %shift_left3A_292 : vector<16xi32> -> vector<16xf32>
      %and3A_294 = vector.broadcast %scan3A_83 : i32 to vector<16xi32>
      %and3A_295 = arith.andi %get3A_289, %and3A_294 : vector<16xi32>
      %bitcast_convert_type3A_296 = tpu.bitcast %and3A_295 : vector<16xi32> -> vector<16xf32>
      %get3A_297 = arith.index_cast %add3A_128 : i32 to index
      %get3A_298 = arith.constant 112 : index
      %get3A_299 = tpu.vector_load %arg12[%get3A_297, %get3A_298] {strides = array<i32>} : memref<24x128xi32, #tpu.memory_space<vmem>>, vector<1x16xi32>,
      %get3A_300 = vector.shape_cast %get3A_299 : vector<1x16xi32> to vector<16xi32>
      %shift_left3A_301 = arith.constant 16 : i32
      %shift_left3A_302 = vector.broadcast %shift_left3A_301 : i32 to vector<16xi32>
      %shift_left3A_303 = arith.shli %get3A_300, %shift_left3A_302 : vector<16xi32>
      %bitcast_convert_type3A_304 = tpu.bitcast %shift_left3A_303 : vector<16xi32> -> vector<16xf32>
      %and3A_305 = vector.broadcast %scan3A_83 : i32 to vector<16xi32>
      %and3A_306 = arith.andi %get3A_300, %and3A_305 : vector<16xi32>
      %bitcast_convert_type3A_307 = tpu.bitcast %and3A_306 : vector<16xi32> -> vector<16xf32>
      %get3A_308 = arith.index_cast %add3A_128 : i32 to index
      %get3A_309 = arith.constant 96 : index
      %get3A_310 = tpu.vector_load %arg10[%get3A_308, %get3A_309] {strides = array<i32>} : memref<24x128xf32, #tpu.memory_space<vmem>>, vector<1x16xf32>,
      %get3A_311 = vector.shape_cast %get3A_310 : vector<1x16xf32> to vector<16xf32>
      %get3A_312 = arith.index_cast %add3A_128 : i32 to index
      %get3A_313 = arith.constant 96 : index
      %get3A_314 = tpu.vector_load %arg14[%get3A_312, %get3A_313] {strides = array<i32>} : memref<24x128xf32, #tpu.memory_space<vmem>>, vector<1x16xf32>,
      %get3A_315 = vector.shape_cast %get3A_314 : vector<1x16xf32> to vector<16xf32>
      %mul3A_316 = arith.mulf %bitcast_convert_type3A_293, %get3A_315 : vector<16xf32>
      %add3A_317 = arith.addf %mul3A_316, %bitcast_convert_type3A_304 : vector<16xf32>
      %mul3A_318 = arith.mulf %get3A_311, %add3A_317 : vector<16xf32>
      %swap3A_319 = arith.index_cast %add3A_128 : i32 to index
      %swap3A_320 = arith.constant 96 : index
      %swap3A_321 = tpu.vector_load %arg10[%swap3A_319, %swap3A_320] {strides = array<i32>} : memref<24x128xf32, #tpu.memory_space<vmem>>, vector<1x16xf32>,
      %swap3A_322 = vector.shape_cast %swap3A_321 : vector<1x16xf32> to vector<16xf32>
      %swap3A_323 = vector.shape_cast %mul3A_318 : vector<16xf32> to vector<1x16xf32>
      tpu.vector_store %arg10[%swap3A_319, %swap3A_320], %swap3A_323 {strides = array<i32>} : memref<24x128xf32, #tpu.memory_space<vmem>>, vector<1x16xf32>,
      %get3A_324 = arith.index_cast %add3A_128 : i32 to index
      %get3A_325 = arith.constant 112 : index
      %get3A_326 = tpu.vector_load %arg10[%get3A_324, %get3A_325] {strides = array<i32>} : memref<24x128xf32, #tpu.memory_space<vmem>>, vector<1x16xf32>,
      %get3A_327 = vector.shape_cast %get3A_326 : vector<1x16xf32> to vector<16xf32>
      %get3A_328 = arith.index_cast %add3A_128 : i32 to index
      %get3A_329 = arith.constant 112 : index
      %get3A_330 = tpu.vector_load %arg14[%get3A_328, %get3A_329] {strides = array<i32>} : memref<24x128xf32, #tpu.memory_space<vmem>>, vector<1x16xf32>,
      %get3A_331 = vector.shape_cast %get3A_330 : vector<1x16xf32> to vector<16xf32>
      %mul3A_332 = arith.mulf %bitcast_convert_type3A_296, %get3A_331 : vector<16xf32>
      %add3A_333 = arith.addf %mul3A_332, %bitcast_convert_type3A_307 : vector<16xf32>
      %mul3A_334 = arith.mulf %get3A_327, %add3A_333 : vector<16xf32>
      %swap3A_335 = arith.index_cast %add3A_128 : i32 to index
      %swap3A_336 = arith.constant 112 : index
      %swap3A_337 = tpu.vector_load %arg10[%swap3A_335, %swap3A_336] {strides = array<i32>} : memref<24x128xf32, #tpu.memory_space<vmem>>, vector<1x16xf32>,
      %swap3A_338 = vector.shape_cast %swap3A_337 : vector<1x16xf32> to vector<16xf32>
      %swap3A_339 = vector.shape_cast %mul3A_334 : vector<16xf32> to vector<1x16xf32>
      tpu.vector_store %arg10[%swap3A_335, %swap3A_336], %swap3A_339 {strides = array<i32>} : memref<24x128xf32, #tpu.memory_space<vmem>>, vector<1x16xf32>,
      %mul3A_340 = arith.constant 2 : i32
      %mul3A_341 = arith.muli %mul3A_340, %scan3A_124 : i32
      %add3A_342 = arith.constant 1 : i32
      %add3A_343 = arith.addi %mul3A_341, %add3A_342 : i32
      %get3A_344 = arith.index_cast %add3A_343 : i32 to index
      %get3A_345 = arith.constant 0 : index
      %get3A_346 = tpu.vector_load %arg12[%get3A_344, %get3A_345] {strides = array<i32>} : memref<24x128xi32, #tpu.memory_space<vmem>>, vector<1x16xi32>,
      %get3A_347 = vector.shape_cast %get3A_346 : vector<1x16xi32> to vector<16xi32>
      %shift_left3A_348 = arith.constant 16 : i32
      %shift_left3A_349 = vector.broadcast %shift_left3A_348 : i32 to vector<16xi32>
      %shift_left3A_350 = arith.shli %get3A_347, %shift_left3A_349 : vector<16xi32>
      %bitcast_convert_type3A_351 = tpu.bitcast %shift_left3A_350 : vector<16xi32> -> vector<16xf32>
      %and3A_352 = vector.broadcast %scan3A_83 : i32 to vector<16xi32>
      %and3A_353 = arith.andi %get3A_347, %and3A_352 : vector<16xi32>
      %bitcast_convert_type3A_354 = tpu.bitcast %and3A_353 : vector<16xi32> -> vector<16xf32>
      %get3A_355 = arith.index_cast %add3A_343 : i32 to index
      %get3A_356 = arith.constant 64 : index
      %get3A_357 = tpu.vector_load %arg12[%get3A_355, %get3A_356] {strides = array<i32>} : memref<24x128xi32, #tpu.memory_space<vmem>>, vector<1x16xi32>,
      %get3A_358 = vector.shape_cast %get3A_357 : vector<1x16xi32> to vector<16xi32>
      %shift_left3A_359 = arith.constant 16 : i32
      %shift_left3A_360 = vector.broadcast %shift_left3A_359 : i32 to vector<16xi32>
      %shift_left3A_361 = arith.shli %get3A_358, %shift_left3A_360 : vector<16xi32>
      %bitcast_convert_type3A_362 = tpu.bitcast %shift_left3A_361 : vector<16xi32> -> vector<16xf32>
      %and3A_363 = vector.broadcast %scan3A_83 : i32 to vector<16xi32>
      %and3A_364 = arith.andi %get3A_358, %and3A_363 : vector<16xi32>
      %bitcast_convert_type3A_365 = tpu.bitcast %and3A_364 : vector<16xi32> -> vector<16xf32>
      %get3A_366 = arith.index_cast %add3A_343 : i32 to index
      %get3A_367 = arith.constant 0 : index
      %get3A_368 = tpu.vector_load %arg10[%get3A_366, %get3A_367] {strides = array<i32>} : memref<24x128xf32, #tpu.memory_space<vmem>>, vector<1x16xf32>,
      %get3A_369 = vector.shape_cast %get3A_368 : vector<1x16xf32> to vector<16xf32>
      %get3A_370 = arith.index_cast %add3A_343 : i32 to index
      %get3A_371 = arith.constant 0 : index
      %get3A_372 = tpu.vector_load %arg14[%get3A_370, %get3A_371] {strides = array<i32>} : memref<24x128xf32, #tpu.memory_space<vmem>>, vector<1x16xf32>,
      %get3A_373 = vector.shape_cast %get3A_372 : vector<1x16xf32> to vector<16xf32>
      %mul3A_374 = arith.mulf %bitcast_convert_type3A_351, %get3A_373 : vector<16xf32>
      %add3A_375 = arith.addf %mul3A_374, %bitcast_convert_type3A_362 : vector<16xf32>
      %mul3A_376 = arith.mulf %get3A_369, %add3A_375 : vector<16xf32>
      %swap3A_377 = arith.index_cast %add3A_343 : i32 to index
      %swap3A_378 = arith.constant 0 : index
      %swap3A_379 = tpu.vector_load %arg10[%swap3A_377, %swap3A_378] {strides = array<i32>} : memref<24x128xf32, #tpu.memory_space<vmem>>, vector<1x16xf32>,
      %swap3A_380 = vector.shape_cast %swap3A_379 : vector<1x16xf32> to vector<16xf32>
      %swap3A_381 = vector.shape_cast %mul3A_376 : vector<16xf32> to vector<1x16xf32>
      tpu.vector_store %arg10[%swap3A_377, %swap3A_378], %swap3A_381 {strides = array<i32>} : memref<24x128xf32, #tpu.memory_space<vmem>>, vector<1x16xf32>,
      %get3A_382 = arith.index_cast %add3A_343 : i32 to index
      %get3A_383 = arith.constant 16 : index
      %get3A_384 = tpu.vector_load %arg10[%get3A_382, %get3A_383] {strides = array<i32>} : memref<24x128xf32, #tpu.memory_space<vmem>>, vector<1x16xf32>,
      %get3A_385 = vector.shape_cast %get3A_384 : vector<1x16xf32> to vector<16xf32>
      %get3A_386 = arith.index_cast %add3A_343 : i32 to index
      %get3A_387 = arith.constant 16 : index
      %get3A_388 = tpu.vector_load %arg14[%get3A_386, %get3A_387] {strides = array<i32>} : memref<24x128xf32, #tpu.memory_space<vmem>>, vector<1x16xf32>,
      %get3A_389 = vector.shape_cast %get3A_388 : vector<1x16xf32> to vector<16xf32>
      %mul3A_390 = arith.mulf %bitcast_convert_type3A_354, %get3A_389 : vector<16xf32>
      %add3A_391 = arith.addf %mul3A_390, %bitcast_convert_type3A_365 : vector<16xf32>
      %mul3A_392 = arith.mulf %get3A_385, %add3A_391 : vector<16xf32>
      %swap3A_393 = arith.index_cast %add3A_343 : i32 to index
      %swap3A_394 = arith.constant 16 : index
      %swap3A_395 = tpu.vector_load %arg10[%swap3A_393, %swap3A_394] {strides = array<i32>} : memref<24x128xf32, #tpu.memory_space<vmem>>, vector<1x16xf32>,
      %swap3A_396 = vector.shape_cast %swap3A_395 : vector<1x16xf32> to vector<16xf32>
      %swap3A_397 = vector.shape_cast %mul3A_392 : vector<16xf32> to vector<1x16xf32>
      tpu.vector_store %arg10[%swap3A_393, %swap3A_394], %swap3A_397 {strides = array<i32>} : memref<24x128xf32, #tpu.memory_space<vmem>>, vector<1x16xf32>,
      %get3A_398 = arith.index_cast %add3A_343 : i32 to index
      %get3A_399 = arith.constant 16 : index
      %get3A_400 = tpu.vector_load %arg12[%get3A_398, %get3A_399] {strides = array<i32>} : memref<24x128xi32, #tpu.memory_space<vmem>>, vector<1x16xi32>,
      %get3A_401 = vector.shape_cast %get3A_400 : vector<1x16xi32> to vector<16xi32>
      %shift_left3A_402 = arith.constant 16 : i32
      %shift_left3A_403 = vector.broadcast %shift_left3A_402 : i32 to vector<16xi32>
      %shift_left3A_404 = arith.shli %get3A_401, %shift_left3A_403 : vector<16xi32>
      %bitcast_convert_type3A_405 = tpu.bitcast %shift_left3A_404 : vector<16xi32> -> vector<16xf32>
      %and3A_406 = vector.broadcast %scan3A_83 : i32 to vector<16xi32>
      %and3A_407 = arith.andi %get3A_401, %and3A_406 : vector<16xi32>
      %bitcast_convert_type3A_408 = tpu.bitcast %and3A_407 : vector<16xi32> -> vector<16xf32>
      %get3A_409 = arith.index_cast %add3A_343 : i32 to index
      %get3A_410 = arith.constant 80 : index
      %get3A_411 = tpu.vector_load %arg12[%get3A_409, %get3A_410] {strides = array<i32>} : memref<24x128xi32, #tpu.memory_space<vmem>>, vector<1x16xi32>,
      %get3A_412 = vector.shape_cast %get3A_411 : vector<1x16xi32> to vector<16xi32>
      %shift_left3A_413 = arith.constant 16 : i32
      %shift_left3A_414 = vector.broadcast %shift_left3A_413 : i32 to vector<16xi32>
      %shift_left3A_415 = arith.shli %get3A_412, %shift_left3A_414 : vector<16xi32>
      %bitcast_convert_type3A_416 = tpu.bitcast %shift_left3A_415 : vector<16xi32> -> vector<16xf32>
      %and3A_417 = vector.broadcast %scan3A_83 : i32 to vector<16xi32>
      %and3A_418 = arith.andi %get3A_412, %and3A_417 : vector<16xi32>
      %bitcast_convert_type3A_419 = tpu.bitcast %and3A_418 : vector<16xi32> -> vector<16xf32>
      %get3A_420 = arith.index_cast %add3A_343 : i32 to index
      %get3A_421 = arith.constant 32 : index
      %get3A_422 = tpu.vector_load %arg10[%get3A_420, %get3A_421] {strides = array<i32>} : memref<24x128xf32, #tpu.memory_space<vmem>>, vector<1x16xf32>,
      %get3A_423 = vector.shape_cast %get3A_422 : vector<1x16xf32> to vector<16xf32>
      %get3A_424 = arith.index_cast %add3A_343 : i32 to index
      %get3A_425 = arith.constant 32 : index
      %get3A_426 = tpu.vector_load %arg14[%get3A_424, %get3A_425] {strides = array<i32>} : memref<24x128xf32, #tpu.memory_space<vmem>>, vector<1x16xf32>,
      %get3A_427 = vector.shape_cast %get3A_426 : vector<1x16xf32> to vector<16xf32>
      %mul3A_428 = arith.mulf %bitcast_convert_type3A_405, %get3A_427 : vector<16xf32>
      %add3A_429 = arith.addf %mul3A_428, %bitcast_convert_type3A_416 : vector<16xf32>
      %mul3A_430 = arith.mulf %get3A_423, %add3A_429 : vector<16xf32>
      %swap3A_431 = arith.index_cast %add3A_343 : i32 to index
      %swap3A_432 = arith.constant 32 : index
      %swap3A_433 = tpu.vector_load %arg10[%swap3A_431, %swap3A_432] {strides = array<i32>} : memref<24x128xf32, #tpu.memory_space<vmem>>, vector<1x16xf32>,
      %swap3A_434 = vector.shape_cast %swap3A_433 : vector<1x16xf32> to vector<16xf32>
      %swap3A_435 = vector.shape_cast %mul3A_430 : vector<16xf32> to vector<1x16xf32>
      tpu.vector_store %arg10[%swap3A_431, %swap3A_432], %swap3A_435 {strides = array<i32>} : memref<24x128xf32, #tpu.memory_space<vmem>>, vector<1x16xf32>,
      %get3A_436 = arith.index_cast %add3A_343 : i32 to index
      %get3A_437 = arith.constant 48 : index
      %get3A_438 = tpu.vector_load %arg10[%get3A_436, %get3A_437] {strides = array<i32>} : memref<24x128xf32, #tpu.memory_space<vmem>>, vector<1x16xf32>,
      %get3A_439 = vector.shape_cast %get3A_438 : vector<1x16xf32> to vector<16xf32>
      %get3A_440 = arith.index_cast %add3A_343 : i32 to index
      %get3A_441 = arith.constant 48 : index
      %get3A_442 = tpu.vector_load %arg14[%get3A_440, %get3A_441] {strides = array<i32>} : memref<24x128xf32, #tpu.memory_space<vmem>>, vector<1x16xf32>,
      %get3A_443 = vector.shape_cast %get3A_442 : vector<1x16xf32> to vector<16xf32>
      %mul3A_444 = arith.mulf %bitcast_convert_type3A_408, %get3A_443 : vector<16xf32>
      %add3A_445 = arith.addf %mul3A_444, %bitcast_convert_type3A_419 : vector<16xf32>
      %mul3A_446 = arith.mulf %get3A_439, %add3A_445 : vector<16xf32>
      %swap3A_447 = arith.index_cast %add3A_343 : i32 to index
      %swap3A_448 = arith.constant 48 : index
      %swap3A_449 = tpu.vector_load %arg10[%swap3A_447, %swap3A_448] {strides = array<i32>} : memref<24x128xf32, #tpu.memory_space<vmem>>, vector<1x16xf32>,
      %swap3A_450 = vector.shape_cast %swap3A_449 : vector<1x16xf32> to vector<16xf32>
      %swap3A_451 = vector.shape_cast %mul3A_446 : vector<16xf32> to vector<1x16xf32>
      tpu.vector_store %arg10[%swap3A_447, %swap3A_448], %swap3A_451 {strides = array<i32>} : memref<24x128xf32, #tpu.memory_space<vmem>>, vector<1x16xf32>,
      %get3A_452 = arith.index_cast %add3A_343 : i32 to index
      %get3A_453 = arith.constant 32 : index
      %get3A_454 = tpu.vector_load %arg12[%get3A_452, %get3A_453] {strides = array<i32>} : memref<24x128xi32, #tpu.memory_space<vmem>>, vector<1x16xi32>,
      %get3A_455 = vector.shape_cast %get3A_454 : vector<1x16xi32> to vector<16xi32>
      %shift_left3A_456 = arith.constant 16 : i32
      %shift_left3A_457 = vector.broadcast %shift_left3A_456 : i32 to vector<16xi32>
      %shift_left3A_458 = arith.shli %get3A_455, %shift_left3A_457 : vector<16xi32>
      %bitcast_convert_type3A_459 = tpu.bitcast %shift_left3A_458 : vector<16xi32> -> vector<16xf32>
      %and3A_460 = vector.broadcast %scan3A_83 : i32 to vector<16xi32>
      %and3A_461 = arith.andi %get3A_455, %and3A_460 : vector<16xi32>
      %bitcast_convert_type3A_462 = tpu.bitcast %and3A_461 : vector<16xi32> -> vector<16xf32>
      %get3A_463 = arith.index_cast %add3A_343 : i32 to index
      %get3A_464 = arith.constant 96 : index
      %get3A_465 = tpu.vector_load %arg12[%get3A_463, %get3A_464] {strides = array<i32>} : memref<24x128xi32, #tpu.memory_space<vmem>>, vector<1x16xi32>,
      %get3A_466 = vector.shape_cast %get3A_465 : vector<1x16xi32> to vector<16xi32>
      %shift_left3A_467 = arith.constant 16 : i32
      %shift_left3A_468 = vector.broadcast %shift_left3A_467 : i32 to vector<16xi32>
      %shift_left3A_469 = arith.shli %get3A_466, %shift_left3A_468 : vector<16xi32>
      %bitcast_convert_type3A_470 = tpu.bitcast %shift_left3A_469 : vector<16xi32> -> vector<16xf32>
      %and3A_471 = vector.broadcast %scan3A_83 : i32 to vector<16xi32>
      %and3A_472 = arith.andi %get3A_466, %and3A_471 : vector<16xi32>
      %bitcast_convert_type3A_473 = tpu.bitcast %and3A_472 : vector<16xi32> -> vector<16xf32>
      %get3A_474 = arith.index_cast %add3A_343 : i32 to index
      %get3A_475 = arith.constant 64 : index
      %get3A_476 = tpu.vector_load %arg10[%get3A_474, %get3A_475] {strides = array<i32>} : memref<24x128xf32, #tpu.memory_space<vmem>>, vector<1x16xf32>,
      %get3A_477 = vector.shape_cast %get3A_476 : vector<1x16xf32> to vector<16xf32>
      %get3A_478 = arith.index_cast %add3A_343 : i32 to index
      %get3A_479 = arith.constant 64 : index
      %get3A_480 = tpu.vector_load %arg14[%get3A_478, %get3A_479] {strides = array<i32>} : memref<24x128xf32, #tpu.memory_space<vmem>>, vector<1x16xf32>,
      %get3A_481 = vector.shape_cast %get3A_480 : vector<1x16xf32> to vector<16xf32>
      %mul3A_482 = arith.mulf %bitcast_convert_type3A_459, %get3A_481 : vector<16xf32>
      %add3A_483 = arith.addf %mul3A_482, %bitcast_convert_type3A_470 : vector<16xf32>
      %mul3A_484 = arith.mulf %get3A_477, %add3A_483 : vector<16xf32>
      %swap3A_485 = arith.index_cast %add3A_343 : i32 to index
      %swap3A_486 = arith.constant 64 : index
      %swap3A_487 = tpu.vector_load %arg10[%swap3A_485, %swap3A_486] {strides = array<i32>} : memref<24x128xf32, #tpu.memory_space<vmem>>, vector<1x16xf32>,
      %swap3A_488 = vector.shape_cast %swap3A_487 : vector<1x16xf32> to vector<16xf32>
      %swap3A_489 = vector.shape_cast %mul3A_484 : vector<16xf32> to vector<1x16xf32>
      tpu.vector_store %arg10[%swap3A_485, %swap3A_486], %swap3A_489 {strides = array<i32>} : memref<24x128xf32, #tpu.memory_space<vmem>>, vector<1x16xf32>,
      %get3A_490 = arith.index_cast %add3A_343 : i32 to index
      %get3A_491 = arith.constant 80 : index
      %get3A_492 = tpu.vector_load %arg10[%get3A_490, %get3A_491] {strides = array<i32>} : memref<24x128xf32, #tpu.memory_space<vmem>>, vector<1x16xf32>,
      %get3A_493 = vector.shape_cast %get3A_492 : vector<1x16xf32> to vector<16xf32>
      %get3A_494 = arith.index_cast %add3A_343 : i32 to index
      %get3A_495 = arith.constant 80 : index
      %get3A_496 = tpu.vector_load %arg14[%get3A_494, %get3A_495] {strides = array<i32>} : memref<24x128xf32, #tpu.memory_space<vmem>>, vector<1x16xf32>,
      %get3A_497 = vector.shape_cast %get3A_496 : vector<1x16xf32> to vector<16xf32>
      %mul3A_498 = arith.mulf %bitcast_convert_type3A_462, %get3A_497 : vector<16xf32>
      %add3A_499 = arith.addf %mul3A_498, %bitcast_convert_type3A_473 : vector<16xf32>
      %mul3A_500 = arith.mulf %get3A_493, %add3A_499 : vector<16xf32>
      %swap3A_501 = arith.index_cast %add3A_343 : i32 to index
      %swap3A_502 = arith.constant 80 : index
      %swap3A_503 = tpu.vector_load %arg10[%swap3A_501, %swap3A_502] {strides = array<i32>} : memref<24x128xf32, #tpu.memory_space<vmem>>, vector<1x16xf32>,
      %swap3A_504 = vector.shape_cast %swap3A_503 : vector<1x16xf32> to vector<16xf32>
      %swap3A_505 = vector.shape_cast %mul3A_500 : vector<16xf32> to vector<1x16xf32>
      tpu.vector_store %arg10[%swap3A_501, %swap3A_502], %swap3A_505 {strides = array<i32>} : memref<24x128xf32, #tpu.memory_space<vmem>>, vector<1x16xf32>,
      %get3A_506 = arith.index_cast %add3A_343 : i32 to index
      %get3A_507 = arith.constant 48 : index
      %get3A_508 = tpu.vector_load %arg12[%get3A_506, %get3A_507] {strides = array<i32>} : memref<24x128xi32, #tpu.memory_space<vmem>>, vector<1x16xi32>,
      %get3A_509 = vector.shape_cast %get3A_508 : vector<1x16xi32> to vector<16xi32>
      %shift_left3A_510 = arith.constant 16 : i32
      %shift_left3A_511 = vector.broadcast %shift_left3A_510 : i32 to vector<16xi32>
      %shift_left3A_512 = arith.shli %get3A_509, %shift_left3A_511 : vector<16xi32>
      %bitcast_convert_type3A_513 = tpu.bitcast %shift_left3A_512 : vector<16xi32> -> vector<16xf32>
      %and3A_514 = vector.broadcast %scan3A_83 : i32 to vector<16xi32>
      %and3A_515 = arith.andi %get3A_509, %and3A_514 : vector<16xi32>
      %bitcast_convert_type3A_516 = tpu.bitcast %and3A_515 : vector<16xi32> -> vector<16xf32>
      %get3A_517 = arith.index_cast %add3A_343 : i32 to index
      %get3A_518 = arith.constant 112 : index
      %get3A_519 = tpu.vector_load %arg12[%get3A_517, %get3A_518] {strides = array<i32>} : memref<24x128xi32, #tpu.memory_space<vmem>>, vector<1x16xi32>,
      %get3A_520 = vector.shape_cast %get3A_519 : vector<1x16xi32> to vector<16xi32>
      %shift_left3A_521 = arith.constant 16 : i32
      %shift_left3A_522 = vector.broadcast %shift_left3A_521 : i32 to vector<16xi32>
      %shift_left3A_523 = arith.shli %get3A_520, %shift_left3A_522 : vector<16xi32>
      %bitcast_convert_type3A_524 = tpu.bitcast %shift_left3A_523 : vector<16xi32> -> vector<16xf32>
      %and3A_525 = vector.broadcast %scan3A_83 : i32 to vector<16xi32>
      %and3A_526 = arith.andi %get3A_520, %and3A_525 : vector<16xi32>
      %bitcast_convert_type3A_527 = tpu.bitcast %and3A_526 : vector<16xi32> -> vector<16xf32>
      %get3A_528 = arith.index_cast %add3A_343 : i32 to index
      %get3A_529 = arith.constant 96 : index
      %get3A_530 = tpu.vector_load %arg10[%get3A_528, %get3A_529] {strides = array<i32>} : memref<24x128xf32, #tpu.memory_space<vmem>>, vector<1x16xf32>,
      %get3A_531 = vector.shape_cast %get3A_530 : vector<1x16xf32> to vector<16xf32>
      %get3A_532 = arith.index_cast %add3A_343 : i32 to index
      %get3A_533 = arith.constant 96 : index
      %get3A_534 = tpu.vector_load %arg14[%get3A_532, %get3A_533] {strides = array<i32>} : memref<24x128xf32, #tpu.memory_space<vmem>>, vector<1x16xf32>,
      %get3A_535 = vector.shape_cast %get3A_534 : vector<1x16xf32> to vector<16xf32>
      %mul3A_536 = arith.mulf %bitcast_convert_type3A_513, %get3A_535 : vector<16xf32>
      %add3A_537 = arith.addf %mul3A_536, %bitcast_convert_type3A_524 : vector<16xf32>
      %mul3A_538 = arith.mulf %get3A_531, %add3A_537 : vector<16xf32>
      %swap3A_539 = arith.index_cast %add3A_343 : i32 to index
      %swap3A_540 = arith.constant 96 : index
      %swap3A_541 = tpu.vector_load %arg10[%swap3A_539, %swap3A_540] {strides = array<i32>} : memref<24x128xf32, #tpu.memory_space<vmem>>, vector<1x16xf32>,
      %swap3A_542 = vector.shape_cast %swap3A_541 : vector<1x16xf32> to vector<16xf32>
      %swap3A_543 = vector.shape_cast %mul3A_538 : vector<16xf32> to vector<1x16xf32>
      tpu.vector_store %arg10[%swap3A_539, %swap3A_540], %swap3A_543 {strides = array<i32>} : memref<24x128xf32, #tpu.memory_space<vmem>>, vector<1x16xf32>,
      %get3A_544 = arith.index_cast %add3A_343 : i32 to index
      %get3A_545 = arith.constant 112 : index
      %get3A_546 = tpu.vector_load %arg10[%get3A_544, %get3A_545] {strides = array<i32>} : memref<24x128xf32, #tpu.memory_space<vmem>>, vector<1x16xf32>,
      %get3A_547 = vector.shape_cast %get3A_546 : vector<1x16xf32> to vector<16xf32>
      %get3A_548 = arith.index_cast %add3A_343 : i32 to index
      %get3A_549 = arith.constant 112 : index
      %get3A_550 = tpu.vector_load %arg14[%get3A_548, %get3A_549] {strides = array<i32>} : memref<24x128xf32, #tpu.memory_space<vmem>>, vector<1x16xf32>,
      %get3A_551 = vector.shape_cast %get3A_550 : vector<1x16xf32> to vector<16xf32>
      %mul3A_552 = arith.mulf %bitcast_convert_type3A_516, %get3A_551 : vector<16xf32>
      %add3A_553 = arith.addf %mul3A_552, %bitcast_convert_type3A_527 : vector<16xf32>
      %mul3A_554 = arith.mulf %get3A_547, %add3A_553 : vector<16xf32>
      %swap3A_555 = arith.index_cast %add3A_343 : i32 to index
      %swap3A_556 = arith.constant 112 : index
      %swap3A_557 = tpu.vector_load %arg10[%swap3A_555, %swap3A_556] {strides = array<i32>} : memref<24x128xf32, #tpu.memory_space<vmem>>, vector<1x16xf32>,
      %swap3A_558 = vector.shape_cast %swap3A_557 : vector<1x16xf32> to vector<16xf32>
      %swap3A_559 = vector.shape_cast %mul3A_554 : vector<16xf32> to vector<1x16xf32>
      tpu.vector_store %arg10[%swap3A_555, %swap3A_556], %swap3A_559 {strides = array<i32>} : memref<24x128xf32, #tpu.memory_space<vmem>>, vector<1x16xf32>,
    }
    %scan3A_88 = arith.constant 12 : i32
    %dma_start3A_89 = arith.constant 3 : i32
    %dma_start3A_90 = arith.constant 0 : i32
    %dma_start3A_91 = tpu.memref_slice %arg8[%dma_start3A_89, %dma_start3A_90] : memref<4x24xi32, #tpu.memory_space<vmem>> -> memref<1x24xi32, #tpu.memory_space<vmem>>
    %dma_start3A_92 = tpu.memref_squeeze %dma_start3A_91 : memref<1x24xi32, #tpu.memory_space<vmem>> -> memref<24xi32, #tpu.memory_space<vmem>>
    %dma_start3A_93 = arith.constant 0 : i32
    %dma_start3A_94 = arith.constant 0 : i32
    %dma_start3A_95 = tpu.memref_slice %arg16[%dma_start3A_93, %dma_start3A_94] : memref<10240x128xf32, #tpu.memory_space<vmem_shared>> -> memref<10240x128xf32, #tpu.memory_space<vmem_shared>>
    tpu.enqueue_indirect_dma source(%arg10 : memref<24x128xf32, #tpu.memory_space<vmem>>) target(%dma_start3A_95 : memref<10240x128xf32, #tpu.memory_space<vmem_shared>>) offsets(%dma_start3A_92 : memref<24xi32, #tpu.memory_space<vmem>>) semaphore(%arg21 : memref<!tpu.dma_semaphore, #tpu.memory_space<semaphore_mem>>) {add = true}
    %dma_wait3A_96 = arith.constant 3 : i32
    %dma_wait3A_97 = arith.constant 0 : i32
    %dma_wait3A_98 = tpu.memref_slice %arg8[%dma_wait3A_96, %dma_wait3A_97] : memref<4x24xi32, #tpu.memory_space<vmem>> -> memref<1x24xi32, #tpu.memory_space<vmem>>
    %dma_wait3A_99 = tpu.memref_squeeze %dma_wait3A_98 : memref<1x24xi32, #tpu.memory_space<vmem>> -> memref<24xi32, #tpu.memory_space<vmem>>
    %dma_wait3A_100 = arith.constant 0 : i32
    %dma_wait3A_101 = arith.constant 0 : i32
    %dma_wait3A_102 = tpu.memref_slice %arg16[%dma_wait3A_100, %dma_wait3A_101] : memref<10240x128xf32, #tpu.memory_space<vmem_shared>> -> memref<10240x128xf32, #tpu.memory_space<vmem_shared>>
    tpu.wait_indirect_dma semaphore(%arg21 : memref<!tpu.dma_semaphore, #tpu.memory_space<semaphore_mem>>) src(%arg10 : memref<24x128xf32, #tpu.memory_space<vmem>>) dst(%dma_wait3A_102 : memref<10240x128xf32, #tpu.memory_space<vmem_shared>>)
    %dma_wait3A_103 = arith.constant 3 : i32
    %dma_wait3A_104 = arith.constant 0 : i32
    %dma_wait3A_105 = tpu.memref_slice %arg9[%dma_wait3A_103, %dma_wait3A_104] : memref<4x24xi32, #tpu.memory_space<vmem>> -> memref<1x24xi32, #tpu.memory_space<vmem>>
    %dma_wait3A_106 = tpu.memref_squeeze %dma_wait3A_105 : memref<1x24xi32, #tpu.memory_space<vmem>> -> memref<24xi32, #tpu.memory_space<vmem>>
    %dma_wait3A_107 = arith.constant 0 : i32
    %dma_wait3A_108 = arith.constant 0 : i32
    %dma_wait3A_109 = tpu.memref_slice %arg16[%dma_wait3A_107, %dma_wait3A_108] : memref<10240x128xf32, #tpu.memory_space<vmem_shared>> -> memref<10240x128xf32, #tpu.memory_space<vmem_shared>>
    tpu.wait_indirect_dma semaphore(%arg22 : memref<!tpu.dma_semaphore, #tpu.memory_space<semaphore_mem>>) src(%arg11 : memref<24x128xf32, #tpu.memory_space<vmem>>) dst(%dma_wait3A_109 : memref<10240x128xf32, #tpu.memory_space<vmem_shared>>)
    %dma_wait3A_110 = arith.constant 416 : i32
    %dma_wait3A_111 = arith.constant 0 : i32
    %dma_wait3A_112 = arith.constant 0 : i32
    %dma_wait3A_113 = tpu.memref_slice %arg5[%add3A, %dma_wait3A_110, %dma_wait3A_111, %dma_wait3A_112] : memref<32x417x4x24xi32, #tpu.memory_space<hbm>> -> memref<1x1x4x24xi32, #tpu.memory_space<hbm>>
    %dma_wait3A_114 = tpu.memref_squeeze %dma_wait3A_113 : memref<1x1x4x24xi32, #tpu.memory_space<hbm>> -> memref<4x24xi32, #tpu.memory_space<hbm>>
    %dma_wait3A_115 = arith.constant 0 : i32
    %dma_wait3A_116 = arith.constant 0 : i32
    %dma_wait3A_117 = tpu.memref_slice %arg5[%add3A, %dma_wait3A_110, %dma_wait3A_115, %dma_wait3A_116] : memref<32x417x4x24xi32, #tpu.memory_space<hbm>> -> memref<1x1x4x24xi32, #tpu.memory_space<hbm>>
    %dma_wait3A_118 = tpu.memref_squeeze %dma_wait3A_117 : memref<1x1x4x24xi32, #tpu.memory_space<hbm>> -> memref<4x24xi32, #tpu.memory_space<hbm>>
    tpu.wait_dma2 semaphore(%arg18 : memref<!tpu.dma_semaphore, #tpu.memory_space<semaphore_mem>>) src(%dma_wait3A_118 : memref<4x24xi32, #tpu.memory_space<hbm>>) dst(%arg9 : memref<4x24xi32, #tpu.memory_space<vmem>>)
    %barrier3A_119 = arith.constant 0 : index
    tpu.barrier barrier_id(%barrier3A_119)
    %mul3A_120 = arith.constant 640 : i32
    %mul3A_121 = arith.muli %arg1, %mul3A_120 : i32
    %mul3A_122 = arith.constant 640 : i32
    %mul3A_123 = arith.muli %arg1, %mul3A_122 : i32
    "tpu.region"() ({
      %run_scoped3A = tpu.sem_alloc : memref<!tpu.dma_semaphore, #tpu.memory_space<semaphore_mem>>
      %dma_start3A_124 = arith.constant 0 : i32
      %dma_start3A_125 = tpu.memref_slice %arg7[%arg0, %mul3A_123, %dma_start3A_124] : memref<2x10240x128xf32, #tpu.memory_space<hbm>> -> memref<1x640x128xf32, #tpu.memory_space<hbm>>
      %dma_start3A_126 = tpu.memref_squeeze %dma_start3A_125 : memref<1x640x128xf32, #tpu.memory_space<hbm>> -> memref<640x128xf32, #tpu.memory_space<hbm>>
      %dma_start3A_127 = arith.constant 0 : i32
      %dma_start3A_128 = tpu.memref_slice %arg16[%mul3A_121, %dma_start3A_127] : memref<10240x128xf32, #tpu.memory_space<vmem_shared>> -> memref<640x128xf32, #tpu.memory_space<vmem_shared>>
      tpu.enqueue_dma source(%dma_start3A_128 : memref<640x128xf32, #tpu.memory_space<vmem_shared>>) target(%dma_start3A_126 : memref<640x128xf32, #tpu.memory_space<hbm>>) target_semaphore(%run_scoped3A : memref<!tpu.dma_semaphore, #tpu.memory_space<semaphore_mem>>)
      %dma_wait3A_129 = arith.constant 0 : i32
      %dma_wait3A_130 = tpu.memref_slice %arg7[%arg0, %mul3A_123, %dma_wait3A_129] : memref<2x10240x128xf32, #tpu.memory_space<hbm>> -> memref<1x640x128xf32, #tpu.memory_space<hbm>>
      %dma_wait3A_131 = tpu.memref_squeeze %dma_wait3A_130 : memref<1x640x128xf32, #tpu.memory_space<hbm>> -> memref<640x128xf32, #tpu.memory_space<hbm>>
      %dma_wait3A_132 = arith.constant 0 : i32
      %dma_wait3A_133 = tpu.memref_slice %arg16[%mul3A_121, %dma_wait3A_132] : memref<10240x128xf32, #tpu.memory_space<vmem_shared>> -> memref<640x128xf32, #tpu.memory_space<vmem_shared>>
      tpu.wait_dma2 semaphore(%run_scoped3A : memref<!tpu.dma_semaphore, #tpu.memory_space<semaphore_mem>>) src(%dma_wait3A_133 : memref<640x128xf32, #tpu.memory_space<vmem_shared>>) dst(%dma_wait3A_131 : memref<640x128xf32, #tpu.memory_space<hbm>>)
      tpu.yield
    }) : () -> ()
    return
  }
}

module attributes {stable_mosaic.version = 14 : i64} {
  func.func @_prep_body(%arg0: memref<2x10240x128xf32, #tpu.memory_space<vmem>>, %arg1: memref<10240x128xf32, #tpu.memory_space<vmem>>, %arg2: memref<10240x128xf32, #tpu.memory_space<vmem>>, %arg3: memref<1x128xf32, #tpu.memory_space<vmem>>, %arg4: memref<128x128xf32, #tpu.memory_space<vmem>>, %arg5: memref<10240x128xf32, #tpu.memory_space<vmem>>, %arg6: memref<10240x128xf32, #tpu.memory_space<vmem>>, %arg7: memref<10240x1xf32, #tpu.memory_space<vmem>>) attributes {dimension_semantics = [], scalar_prefetch = 0 : i64, scratch_operands = 0 : i64, tpu.core_type = #tpu.core_type<tc>} {
    %get3A = arith.constant 0 : index
    %get3A_0 = arith.constant 0 : index
    %get3A_1 = arith.constant 0 : index
    %get3A_2 = vector.load %arg0[%get3A, %get3A_0, %get3A_1] : memref<2x10240x128xf32, #tpu.memory_space<vmem>>, vector<1x10240x1xf32>
    %get3A_3 = vector.shape_cast %get3A_2 : vector<1x10240x1xf32> to vector<10240x1xf32>
    %get3A_4 = arith.constant 1 : index
    %get3A_5 = arith.constant 0 : index
    %get3A_6 = arith.constant 0 : index
    %get3A_7 = vector.load %arg0[%get3A_4, %get3A_5, %get3A_6] : memref<2x10240x128xf32, #tpu.memory_space<vmem>>, vector<1x10240x1xf32>
    %get3A_8 = vector.shape_cast %get3A_7 : vector<1x10240x1xf32> to vector<10240x1xf32>
    %add3A = arith.addf %get3A_3, %get3A_8 : vector<10240x1xf32>
    %gt3A = arith.constant 0.000000e+00 : f32
    %gt3A_9 = vector.broadcast %gt3A : f32 to vector<10240x1xf32>
    %gt3A_10 = arith.cmpf ogt, %add3A, %gt3A_9 : vector<10240x1xf32>
    %rsqrt3A = math.rsqrt %add3A : vector<10240x1xf32>
    %jit3A = arith.constant 0.000000e+00 : f32
    %broadcast_in_dim3A = vector.broadcast %jit3A : f32 to vector<10240x1xf32>
    %select_n3A = arith.select %gt3A_10, %rsqrt3A, %broadcast_in_dim3A : vector<10240x1xi1>, vector<10240x1xf32>
    %swap3A = arith.constant 0 : index
    %swap3A_11 = arith.constant 0 : index
    %swap3A_12 = vector.load %arg7[%swap3A, %swap3A_11] : memref<10240x1xf32, #tpu.memory_space<vmem>>, vector<10240x1xf32>
    tpu.vector_store %arg7[%swap3A, %swap3A_11], %select_n3A {strides = array<i32>} : memref<10240x1xf32, #tpu.memory_space<vmem>>, vector<10240x1xf32>,
    %get3A_13 = arith.constant 0 : index
    %get3A_14 = arith.constant 0 : index
    %get3A_15 = vector.load %arg1[%get3A_13, %get3A_14] : memref<10240x128xf32, #tpu.memory_space<vmem>>, vector<10240x128xf32>
    %mul3A = vector.broadcast %select_n3A : vector<10240x1xf32> to vector<10240x128xf32>
    %mul3A_16 = arith.mulf %get3A_15, %mul3A : vector<10240x128xf32>
    %swap3A_17 = arith.constant 0 : index
    %swap3A_18 = arith.constant 0 : index
    %swap3A_19 = vector.load %arg5[%swap3A_17, %swap3A_18] : memref<10240x128xf32, #tpu.memory_space<vmem>>, vector<10240x128xf32>
    tpu.vector_store %arg5[%swap3A_17, %swap3A_18], %mul3A_16 {strides = array<i32>} : memref<10240x128xf32, #tpu.memory_space<vmem>>, vector<10240x128xf32>,
    %get3A_20 = arith.constant 0 : index
    %get3A_21 = arith.constant 0 : index
    %get3A_22 = vector.load %arg1[%get3A_20, %get3A_21] : memref<10240x128xf32, #tpu.memory_space<vmem>>, vector<10240x128xf32>
    %get3A_23 = arith.constant 0 : index
    %get3A_24 = arith.constant 0 : index
    %get3A_25 = vector.load %arg2[%get3A_23, %get3A_24] : memref<10240x128xf32, #tpu.memory_space<vmem>>, vector<10240x128xf32>
    %mul3A_26 = arith.mulf %get3A_22, %get3A_25 : vector<10240x128xf32>
    %get3A_27 = arith.constant 0 : index
    %get3A_28 = arith.constant 0 : index
    %get3A_29 = vector.load %arg3[%get3A_27, %get3A_28] : memref<1x128xf32, #tpu.memory_space<vmem>>, vector<1x128xf32>
    %mul3A_30 = vector.broadcast %get3A_29 : vector<1x128xf32> to vector<10240x128xf32>
    %mul3A_31 = arith.mulf %mul3A_26, %mul3A_30 : vector<10240x128xf32>
    %get3A_32 = arith.constant 0 : index
    %get3A_33 = arith.constant 0 : index
    %get3A_34 = vector.load %arg4[%get3A_32, %get3A_33] : memref<128x128xf32, #tpu.memory_space<vmem>>, vector<128x128xf32>
    %dot_general3A = arith.constant dense<0.000000e+00> : vector<10240x128xf32>
    %dot_general3A_35 = tpu.matmul %mul3A_31, %get3A_34, %dot_general3A {dimension_numbers = #tpu.dot_dimension_numbers<[1], [0], [0], [1], [0, 0, 1, 1], [], []>, transpose_lhs_hint = false} : vector<10240x128xf32>, vector<128x128xf32>, vector<10240x128xf32> -> vector<10240x128xf32>
    %mul3A_36 = arith.constant 5.000000e-01 : f32
    %mul3A_37 = vector.broadcast %mul3A_36 : f32 to vector<10240x128xf32>
    %mul3A_38 = arith.mulf %mul3A_37, %dot_general3A_35 : vector<10240x128xf32>
    %integer_pow3A = arith.mulf %dot_general3A_35, %dot_general3A_35 : vector<10240x128xf32>
    %integer_pow3A_39 = arith.mulf %dot_general3A_35, %integer_pow3A : vector<10240x128xf32>
    %mul3A_40 = arith.constant 4.471500e-02 : f32
    %mul3A_41 = vector.broadcast %mul3A_40 : f32 to vector<10240x128xf32>
    %mul3A_42 = arith.mulf %mul3A_41, %integer_pow3A_39 : vector<10240x128xf32>
    %add3A_43 = arith.addf %dot_general3A_35, %mul3A_42 : vector<10240x128xf32>
    %mul3A_44 = arith.constant 0.797884583 : f32
    %mul3A_45 = vector.broadcast %mul3A_44 : f32 to vector<10240x128xf32>
    %mul3A_46 = arith.mulf %mul3A_45, %add3A_43 : vector<10240x128xf32>
    %tanh3A = math.tanh %mul3A_46 : vector<10240x128xf32>
    %add3A_47 = arith.constant 1.000000e+00 : f32
    %add3A_48 = vector.broadcast %add3A_47 : f32 to vector<10240x128xf32>
    %add3A_49 = arith.addf %add3A_48, %tanh3A : vector<10240x128xf32>
    %mul3A_50 = arith.mulf %mul3A_38, %add3A_49 : vector<10240x128xf32>
    %swap3A_51 = arith.constant 0 : index
    %swap3A_52 = arith.constant 0 : index
    %swap3A_53 = vector.load %arg6[%swap3A_51, %swap3A_52] : memref<10240x128xf32, #tpu.memory_space<vmem>>, vector<10240x128xf32>
    tpu.vector_store %arg6[%swap3A_51, %swap3A_52], %mul3A_50 {strides = array<i32>} : memref<10240x128xf32, #tpu.memory_space<vmem>>, vector<10240x128xf32>,
    return
  }
}

module attributes {stable_mosaic.version = 14 : i64} {
  func.func @_final_body(%arg0: memref<2x10240x128xf32, #tpu.memory_space<vmem>>, %arg1: memref<10240x1xf32, #tpu.memory_space<vmem>>, %arg2: memref<10240x128xf32, #tpu.memory_space<vmem>>, %arg3: memref<128x128xf32, #tpu.memory_space<vmem>>, %arg4: memref<1x128xf32, #tpu.memory_space<vmem>>, %arg5: memref<1x128xf32, #tpu.memory_space<vmem>>, %arg6: memref<1x128xf32, #tpu.memory_space<vmem>>, %arg7: memref<1000x128xf32, #tpu.memory_space<vmem>>, %arg8: memref<128x128xf32, #tpu.memory_space<vmem>>, %arg9: memref<10000x128xf32, #tpu.memory_space<vmem>>, %arg10: memref<1000x128xf32, #tpu.memory_space<vmem>>) attributes {dimension_semantics = [], scalar_prefetch = 0 : i64, scratch_operands = 0 : i64, tpu.core_type = #tpu.core_type<tc>} {
    %get3A = arith.constant 0 : index
    %get3A_0 = arith.constant 0 : index
    %get3A_1 = arith.constant 0 : index
    %get3A_2 = vector.load %arg0[%get3A, %get3A_0, %get3A_1] : memref<2x10240x128xf32, #tpu.memory_space<vmem>>, vector<1x10240x128xf32>
    %get3A_3 = vector.shape_cast %get3A_2 : vector<1x10240x128xf32> to vector<10240x128xf32>
    %get3A_4 = arith.constant 1 : index
    %get3A_5 = arith.constant 0 : index
    %get3A_6 = arith.constant 0 : index
    %get3A_7 = vector.load %arg0[%get3A_4, %get3A_5, %get3A_6] : memref<2x10240x128xf32, #tpu.memory_space<vmem>>, vector<1x10240x128xf32>
    %get3A_8 = vector.shape_cast %get3A_7 : vector<1x10240x128xf32> to vector<10240x128xf32>
    %add3A = arith.addf %get3A_3, %get3A_8 : vector<10240x128xf32>
    %get3A_9 = arith.constant 0 : index
    %get3A_10 = arith.constant 0 : index
    %get3A_11 = vector.load %arg3[%get3A_9, %get3A_10] : memref<128x128xf32, #tpu.memory_space<vmem>>, vector<128x128xf32>
    %dot_general3A = arith.constant dense<0.000000e+00> : vector<10240x128xf32>
    %dot_general3A_12 = tpu.matmul %add3A, %get3A_11, %dot_general3A {dimension_numbers = #tpu.dot_dimension_numbers<[1], [0], [0], [1], [0, 0, 1, 1], [], []>, transpose_lhs_hint = false} : vector<10240x128xf32>, vector<128x128xf32>, vector<10240x128xf32> -> vector<10240x128xf32>
    %get3A_13 = arith.constant 0 : index
    %get3A_14 = arith.constant 0 : index
    %get3A_15 = vector.load %arg1[%get3A_13, %get3A_14] : memref<10240x1xf32, #tpu.memory_space<vmem>>, vector<10240x1xf32>
    %mul3A = vector.broadcast %get3A_15 : vector<10240x1xf32> to vector<10240x128xf32>
    %mul3A_16 = arith.mulf %dot_general3A_12, %mul3A : vector<10240x128xf32>
    %mul3A_17 = arith.constant 5.000000e-01 : f32
    %mul3A_18 = vector.broadcast %mul3A_17 : f32 to vector<10240x128xf32>
    %mul3A_19 = arith.mulf %mul3A_18, %mul3A_16 : vector<10240x128xf32>
    %integer_pow3A = arith.mulf %mul3A_16, %mul3A_16 : vector<10240x128xf32>
    %integer_pow3A_20 = arith.mulf %mul3A_16, %integer_pow3A : vector<10240x128xf32>
    %mul3A_21 = arith.constant 4.471500e-02 : f32
    %mul3A_22 = vector.broadcast %mul3A_21 : f32 to vector<10240x128xf32>
    %mul3A_23 = arith.mulf %mul3A_22, %integer_pow3A_20 : vector<10240x128xf32>
    %add3A_24 = arith.addf %mul3A_16, %mul3A_23 : vector<10240x128xf32>
    %mul3A_25 = arith.constant 0.797884583 : f32
    %mul3A_26 = vector.broadcast %mul3A_25 : f32 to vector<10240x128xf32>
    %mul3A_27 = arith.mulf %mul3A_26, %add3A_24 : vector<10240x128xf32>
    %tanh3A = math.tanh %mul3A_27 : vector<10240x128xf32>
    %add3A_28 = arith.constant 1.000000e+00 : f32
    %add3A_29 = vector.broadcast %add3A_28 : f32 to vector<10240x128xf32>
    %add3A_30 = arith.addf %add3A_29, %tanh3A : vector<10240x128xf32>
    %mul3A_31 = arith.mulf %mul3A_19, %add3A_30 : vector<10240x128xf32>
    %get3A_32 = arith.constant 0 : index
    %get3A_33 = arith.constant 0 : index
    %get3A_34 = vector.load %arg4[%get3A_32, %get3A_33] : memref<1x128xf32, #tpu.memory_space<vmem>>, vector<1x128xf32>
    %mul3A_35 = vector.broadcast %get3A_34 : vector<1x128xf32> to vector<10240x128xf32>
    %mul3A_36 = arith.mulf %mul3A_31, %mul3A_35 : vector<10240x128xf32>
    %reduce_sum3A = arith.constant dense<0.000000e+00> : vector<10240xf32>
    %reduce_sum3A_37 = vector.multi_reduction <add>, %mul3A_36, %reduce_sum3A [1] : vector<10240x128xf32> to vector<10240xf32>
    %broadcast_in_dim3A = vector.shape_cast %reduce_sum3A_37 : vector<10240xf32> to vector<10240x1xf32>
    %mul3A_38 = vector.broadcast %broadcast_in_dim3A : vector<10240x1xf32> to vector<10240x128xf32>
    %mul3A_39 = arith.mulf %mul3A_38, %mul3A_31 : vector<10240x128xf32>
    %get3A_40 = arith.constant 0 : index
    %get3A_41 = arith.constant 0 : index
    %get3A_42 = vector.load %arg5[%get3A_40, %get3A_41] : memref<1x128xf32, #tpu.memory_space<vmem>>, vector<1x128xf32>
    %sqrt3A = arith.constant 1.000010e+00 : f32
    %sqrt3A_43 = math.sqrt %sqrt3A : f32
    %div3A = arith.constant 1.000000e+00 : f32
    %div3A_44 = arith.divf %div3A, %sqrt3A_43 : f32
    %mul3A_45 = vector.broadcast %div3A_44 : f32 to vector<1x128xf32>
    %mul3A_46 = arith.mulf %get3A_42, %mul3A_45 : vector<1x128xf32>
    %get3A_47 = arith.constant 0 : index
    %get3A_48 = arith.constant 0 : index
    %get3A_49 = vector.load %arg2[%get3A_47, %get3A_48] : memref<10240x128xf32, #tpu.memory_space<vmem>>, vector<10240x128xf32>
    %mul3A_50 = arith.constant 7.500000e-01 : f32
    %mul3A_51 = vector.broadcast %mul3A_50 : f32 to vector<10240x128xf32>
    %mul3A_52 = arith.mulf %mul3A_51, %get3A_49 : vector<10240x128xf32>
    %mul3A_53 = arith.constant 2.500000e-01 : f32
    %mul3A_54 = vector.broadcast %mul3A_53 : f32 to vector<10240x128xf32>
    %mul3A_55 = arith.mulf %mul3A_54, %mul3A_39 : vector<10240x128xf32>
    %add3A_56 = arith.addf %mul3A_52, %mul3A_55 : vector<10240x128xf32>
    %mul3A_57 = vector.broadcast %mul3A_46 : vector<1x128xf32> to vector<10240x128xf32>
    %mul3A_58 = arith.mulf %add3A_56, %mul3A_57 : vector<10240x128xf32>
    %get3A_59 = arith.constant 0 : index
    %get3A_60 = arith.constant 0 : index
    %get3A_61 = vector.load %arg6[%get3A_59, %get3A_60] : memref<1x128xf32, #tpu.memory_space<vmem>>, vector<1x128xf32>
    %add3A_62 = vector.broadcast %get3A_61 : vector<1x128xf32> to vector<10240x128xf32>
    %add3A_63 = arith.addf %mul3A_58, %add3A_62 : vector<10240x128xf32>
    %slice3A = vector.extract_strided_slice %add3A_63 {offsets = [0, 0], sizes = [10000, 128], strides = [1, 1]} : vector<10240x128xf32> to vector<10000x128xf32>
    %swap3A = arith.constant 0 : index
    %swap3A_64 = arith.constant 0 : index
    %swap3A_65 = vector.load %arg9[%swap3A, %swap3A_64] : memref<10000x128xf32, #tpu.memory_space<vmem>>, vector<10000x128xf32>
    tpu.vector_store %arg9[%swap3A, %swap3A_64], %slice3A {strides = array<i32>} : memref<10000x128xf32, #tpu.memory_space<vmem>>, vector<10000x128xf32>,
    %get3A_66 = arith.constant 0 : index
    %get3A_67 = arith.constant 0 : index
    %get3A_68 = vector.load %arg7[%get3A_66, %get3A_67] : memref<1000x128xf32, #tpu.memory_space<vmem>>, vector<1000x128xf32>
    %get3A_69 = arith.constant 0 : index
    %get3A_70 = arith.constant 0 : index
    %get3A_71 = vector.load %arg8[%get3A_69, %get3A_70] : memref<128x128xf32, #tpu.memory_space<vmem>>, vector<128x128xf32>
    %dot_general3A_72 = arith.constant dense<0.000000e+00> : vector<1000x128xf32>
    %dot_general3A_73 = tpu.matmul %get3A_68, %get3A_71, %dot_general3A_72 {dimension_numbers = #tpu.dot_dimension_numbers<[1], [0], [0], [1], [0, 0, 1, 1], [], []>, transpose_lhs_hint = false} : vector<1000x128xf32>, vector<128x128xf32>, vector<1000x128xf32> -> vector<1000x128xf32>
    %swap3A_74 = arith.constant 0 : index
    %swap3A_75 = arith.constant 0 : index
    %swap3A_76 = vector.load %arg10[%swap3A_74, %swap3A_75] : memref<1000x128xf32, #tpu.memory_space<vmem>>, vector<1000x128xf32>
    tpu.vector_store %arg10[%swap3A_74, %swap3A_75], %dot_general3A_73 {strides = array<i32>} : memref<1000x128xf32, #tpu.memory_space<vmem>>, vector<1000x128xf32>,
    return
  }
}

</mosaic_0001>

<sc_bundles>
// kernel: kernel.6.cloned.1.call-start
scs
__scs_entry_jumppad:
0x0: {  	(pc) =	sbr.rel $0x88, $3  }
0x1: {  	(tag) =	ssettag $0x0;
	lr =	simm.s32 $0x1  }
0x2: {  	[smem:$0x3F93] =	sst lr;
	_ =	strace $0xD0000000  }
0x3: {  	_ = 	snop  }
0x4: {  	_ = 	snop  }
0x5: {  	_ = 	snop  }
0x6: {  	_ = 	snop  }
0x7: {  	_ = 	snop  }
__scs_overlays_trampoline_lowered:
0x8: {  	[smem:$0x3FA2] =	sst s0  }
0x9: {  	[smem:$0x3FA3] =	sst s1  }
0xa: {  	[smem:$0x3FA4] =	sst s2  }
0xb: {  	[smem:$0x3FA5] =	sst s3  }
0xc: {  	[smem:$0x3FA6] =	sst s4  }
0xd: {  	[smem:$0x3FA7] =	sst s5  }
0xe: {  	[smem:$0x3FA8] =	sst s6  }
0xf: {  	[smem:$0x3FA9] =	sst s7  }
0x10: {  	[smem:$0x3FAA] =	sst s8  }
0x11: {  	[smem:$0x3FAB] =	sst s9;
	s0 =	simm.s32 @!p0 $0x0  }
0x12: {  	s1 =	sld [smem:$0x3F91];
	s0 =	simm.s32 @p0 $0x1  }
0x13: {  	[smem:$0x3FAC] =	sst s0;
	s0 =	simm.s32 @!p1 $0x0  }
0x14: {  	s2 =	sld [smem:$0x3F90];
	s0 =	simm.s32 @p1 $0x1  }
0x15: {  	[smem:$0x3FAD] =	sst s0;
	s0 =	simm.s32 @!p2 $0x0  }
0x16: {  	s3 =	sld [smem:$0x3FDB];
	s0 =	simm.s32 @p2 $0x1  }
0x17: {  	s4 =	simm.s32 $0x1BF5;
	[smem:$0x3FAF] =	sst s0  }
0x18: {  	s0 =	sld [smem:$0x3F92];
	_ =	swait.ge [sflag:s4], $0x0  }
0x19: {  	s7 =	sld [smem:$0x3F93]  }
0x1a: {  	s8 =	sadd.s32 $0xFFFFE003, lr  }
0x1b: {  	s9 =	sadd.s32 $0xFFFFFEF7, lr;
	s5 =	simm.s32 $0xFFFFFFFF;
	p2 =	slt.u32 s8, $0xFFFFF086  }
0x1c: {  	p1 =	slt.u32 s9, $0xF7A;
	s5 =	simm.s32 @!p2 $0x0  }
0x1d: {  	s5 =	simm.s32 @p1 $0x1;
	p0 =	seq.s32 s7, s2  }
0x1e: {  	s7 =	smul.u32 @!p0 $0xF7A, s2;
	p2 =	seq.s32 @!p0 s5, $0x0  }
0x1f: {  	s9 =	smul.u32 $0xF7A, s1;
	s8 =	simm.s32 @!p0 $0x1BF5;
	p2 =	por !p2, p0  }
0x20: {  	[sflag:s8] =	ssyncset.s32 @!p0 $0xFFFFF086;
	s6 =	sadd.s32 @!p0 s3, s7;
	s7 =	simm.s32 @!p0 $0x108  }
0x21: {  	s3 =	sadd.s32 s3, s9;
	s6 =	sadd.s32 @!p0 $0x88, s6;
	s7 =	simm.s32 @p2 $0x1082  }
0x22: {  	[simem:s7], [sflag:s8] =	dma.local @!p0 [hbm:s6], $0xF7A  }
0x23: {  	s9 =	sor.u32 $0xD0000000, s2;
	s6 =	simm.s32 $0x108;
	_ =	swait.ge @!p0 [sflag:s8], $0x0  }
0x24: {  	s3 =	sadd.s32 $0x88, s3;
	s6 =	simm.s32 @!p1 $0x1082;
	[sflag:s4] =	ssyncset.s32 $0xFFFFF086  }
0x25: {  	[simem:s6], [sflag:s4] =	dma.local [hbm:s3], $0xF7A  }
0x26: {  	[smem:$0x3F93] =	sst s1;
	(tag) =	ssettag s2;
	_ =	strace s9  }
0x27: {  	s1 =	sld [smem:$0x3FA3]  }
0x28: {  	s2 =	sld [smem:$0x3FA4]  }
0x29: {  	s4 =	sld [smem:$0x3FA6]  }
0x2a: {  	p0 =	seq.s32 s5, $0x0;
	s5 =	sld [smem:$0x3FA7]  }
0x2b: {  	s6 =	sld [smem:$0x3FA8]  }
0x2c: {  	s7 =	sld [smem:$0x3FA9]  }
0x2d: {  	s3 =	simm.s32 $0x108;
	s8 =	sld [smem:$0x3FAA]  }
0x2e: {  	s3 =	simm.s32 @!p0 $0x1082;
	s9 =	sld [smem:$0x3FAB]  }
0x2f: {  	lr =	sadd.s32 s0, s3;
	s0 =	sld [smem:$0x3FA2]  }
0x30: {  	s3 =	sld [smem:$0x3FA5]  }
0x31: {  	[smem:$0x3FAE] =	sst s10  }
0x32: {  	s10 =	sld [smem:$0x3FAC];
	_ =	sdelay $0x3  }
0x33: {  	p0 =	seq.s32 s10, $0x1;
	s10 =	sld [smem:$0x3FAE];
	_ =	sdelay $0x3  }
0x34: {  	[smem:$0x3FAE] =	sst s10  }
0x35: {  	s10 =	sld [smem:$0x3FAD];
	_ =	sdelay $0x3  }
0x36: {  	p1 =	seq.s32 s10, $0x1;
	s10 =	sld [smem:$0x3FAE];
	_ =	sdelay $0x3  }
0x37: {  	[smem:$0x3FAE] =	sst s10  }
0x38: {  	s10 =	sld [smem:$0x3FAF]  }
0x39: {  	_ = 	snop;
	(pc) =	sbr.ind lr, $3  }
0x3a: {  	_ = 	snop  }
0x3b: {  	_ = 	snop  }
0x3c: {  	p2 =	seq.s32 s10, $0x1;
	s10 =	sld [smem:$0x3FAE]  }
0x3d: {  	_ =	shalt  }
0x3e: {  	_ =	shalt  }
0x3f: {  	_ =	shalt  }
0x40: {  	_ =	shalt  }
0x41: {  	_ =	shalt  }
0x42: {  	_ =	shalt  }
0x43: {  	_ =	shalt  }
0x44: {  	_ =	shalt  }
0x45: {  	_ =	shalt  }
0x46: {  	_ =	shalt  }
0x47: {  	_ =	shalt  }
0x48: {  	_ =	shalt  }
0x49: {  	_ =	shalt  }
0x4a: {  	_ =	shalt  }
0x4b: {  	_ =	shalt  }
0x4c: {  	_ =	shalt  }
0x4d: {  	_ =	shalt  }
0x4e: {  	_ =	shalt  }
0x4f: {  	_ =	shalt  }
0x50: {  	_ =	shalt  }
0x51: {  	_ =	shalt  }
0x52: {  	_ =	shalt  }
0x53: {  	_ =	shalt  }
0x54: {  	_ =	shalt  }
0x55: {  	_ =	shalt  }
0x56: {  	_ =	shalt  }
0x57: {  	_ =	shalt  }
0x58: {  	_ =	shalt  }
0x59: {  	_ =	shalt  }
0x5a: {  	_ =	shalt  }
0x5b: {  	_ =	shalt  }
0x5c: {  	_ =	shalt  }
0x5d: {  	_ =	shalt  }
0x5e: {  	_ =	shalt  }
0x5f: {  	_ =	shalt  }
0x60: {  	_ =	shalt  }
0x61: {  	_ =	shalt  }
0x62: {  	_ =	shalt  }
0x63: {  	_ =	shalt  }
0x64: {  	_ =	shalt  }
0x65: {  	_ =	shalt  }
0x66: {  	_ =	shalt  }
0x67: {  	_ =	shalt  }
0x68: {  	_ =	shalt  }
0x69: {  	_ =	shalt  }
0x6a: {  	_ =	shalt  }
0x6b: {  	_ =	shalt  }
0x6c: {  	_ =	shalt  }
0x6d: {  	_ =	shalt  }
0x6e: {  	_ =	shalt  }
0x6f: {  	_ =	shalt  }
0x70: {  	_ =	shalt  }
0x71: {  	_ =	shalt  }
0x72: {  	_ =	shalt  }
0x73: {  	_ =	shalt  }
0x74: {  	_ =	shalt  }
0x75: {  	_ =	shalt  }
0x76: {  	_ =	shalt  }
0x77: {  	_ =	shalt  }
0x78: {  	_ =	shalt  }
0x79: {  	_ =	shalt  }
0x7a: {  	_ =	shalt  }
0x7b: {  	_ =	shalt  }
0x7c: {  	_ =	shalt  }
0x7d: {  	_ =	shalt  }
0x7e: {  	_ =	shalt  }
0x7f: {  	_ =	shalt  }
0x80: {  	_ =	shalt  }
0x81: {  	_ =	shalt  }
0x82: {  	_ =	shalt  }
0x83: {  	_ =	shalt  }
0x84: {  	_ =	shalt  }
0x85: {  	_ =	shalt  }
0x86: {  	_ =	shalt  }
0x87: {  	_ =	shalt  }
.Lfunc_end0:
.L_simem_size_0:
called_computation_lowered:
.L_overlay_start_0:
0x88: {  	s2 =	sld [smem:$0x3FD9]  }
0x89: {  	s3 =	sld [smem:$0x3FFE];
	_ =	sdelay $0x1  }
0x8a: {  	s1 =	srdreg.scid  }
0x8b: {  	s0 =	sand.u32 $0x1, s1  }
0x8c: {  	s14 =	sshll.u32 s0, $0xA;
	s2 =	sadd.s32 s3, s2  }
0x8d: {  	s2 =	sadd.s32 s2, s14  }
0x8e: {  	[smem:$0x3FBA] =	sst s2  }
0x8f: {  	_ = 	snop  }
0x90: {  	s2 =	sld [smem:$0x3FD0];
	_ =	sdelay $0x2  }
0x91: {  	s15 =	simm.s32 $0xA;
	s4 =	simm.s32 $0x10  }
0x92: {  	[smem:s4], [sflag:s15] =	dma.local [hbm:s2], $0x1  }
0x93: {  	_ =	swait.eq [sflag:s15], $0x1  }
0x94: {  	[sflag:s15] =	ssyncset.done $0x0  }
0x95: {  	[sflag:s15] =	ssyncadd.s32 $0xFFFFFFFF  }
0x96: {  	s16 =	sld [smem:$0x10];
	(tm) =	ssettm $0x1  }
0x97: {  	s17 =	sld [smem:$0x3FFB];
	_ =	sdelay $0x3  }
0x98: {  	_ =	strace s17  }
0x99: {  	s3 =	sld [smem:$0x3FFC];
	_ =	sdelay $0x3  }
0x9a: {  	_ =	strace s3  }
0x9b: {  	s3 =	sld [smem:$0x3FFD];
	_ =	sdelay $0x3  }
0x9c: {  	_ =	strace s3  }
0x9d: {  	_ =	strace $0x8FFFFFFF  }
0x9e: {  	s18 =	sld [smem:$0x3FDB];
	_ =	sdelay $0x1  }
0x9f: {  	s19 =	simm.s32 $_scs_section_size  }
0xa0: {  	s5 =	simm.s32 $_size__tile_overlayer_lowered;
	s6 =	simm.s32 $_tile_overlayer_lowered  }
0xa1: {  	s22 =	simm.s32 $0x1BFF;
	s21 =	sshll.u32 s6, $0x1;
	s3 =	sadd.s32 s19, s18  }
0xa2: {  	s7 =	simm.s32 $0x0;
	s20 =	sshll.u32 s5, $0x1;
	s5 =	sadd.s32 s21, s3  }
0xa3: {  	[timem:s7], [sflag:s22] =	dma.local [hbm:s5], s20  }
0xa4: {  	_ =	swait.ge [sflag:s22], s20  }
0xa5: {  	s4 =	ssub.s32 $0x0, s20;
	[sflag:s22] =	ssyncset.done $0x0  }
0xa6: {  	[sflag:s22] =	ssyncadd.s32 s4;
	_ =	sdelay $0x1  }
0xa7: {  	s23 =	simm.s32 $0x1B8B  }
0xa8: {  	_ =	swait.ge [sflag:s23], $0x1  }
0xa9: {  	[sflag:s23] =	ssyncset.done $0x0  }
0xaa: {  	s25 =	simm.s32 $0x1B8E;
	s24 =	sld [smem:$0x3FFE];
	[sflag:s23] =	ssyncadd.s32 $0xFFFFFFFF  }
0xab: {  	s26 =	simm.s32 $execute0_lowered;
	[smem:$0x3FD2] =	sst s25  }
0xac: {  	s5 =	sshll.u32 s26, $0x1;
	_ =	strace $0x80000046;
	[dreg:$0x1] =	wrdreg $0xFFFFFFFF  }
0xad: {  	s28 =	simm.s32 $_size_execute0_lowered;
	s3 =	sadd.s32 s3, s5;
	[dreg:$0x0] =	wrdreg $0x0  }
0xae: {  	s5 =	sshll.u32 s28, $0x1;
	[dreg:$0x2] =	wrdreg s3  }
0xaf: {  	[dreg:$0x3] =	wrdreg s5  }
0xb0: {  	[dreg:$0x4] =	wrdreg $0xC0  }
0xb1: {  	_ =	task [dreg:s7], $0x5FFFF  }
0xb2: {  	[dreg:$0x1] =	wrdreg $0xFFFFFFFF  }
0xb3: {  	[dreg:$0x0] =	wrdreg $0x60  }
0xb4: {  	[dreg:$0x2] =	wrdreg s16  }
0xb5: {  	[dreg:$0x3] =	wrdreg s24  }
0xb6: {  	[dreg:$0x4] =	wrdreg $0x25000  }
0xb7: {  	[dreg:$0x5] =	wrdreg $0x9  }
0xb8: {  	_ =	task.clear_ibuf [dreg:s7], $0x6FFFF;
	_ =	strace $0x90000046  }
0xb9: {  	s29 =	simm.s32 $0x9;
	_ =	strace $0x80000048  }
0xba: {  	_ =	swait.ge [sflag:s29], $0x1  }
0xbb: {  	[sflag:s29] =	ssyncadd.s32 $0xFFFFFFFF  }
0xbc: {  	_ =	strace $0x90000048  }
0xbd: {  	_ =	sfence  }
0xbe: {  	s30 =	sld [smem:$0x0];
	_ =	sdelay $0x2  }
0xbf: {  	s31 =	sshll.u32 s1, $0xD;
	s1 =	sshrl.u32 s1, $0x2  }
0xc0: {  	s3 =	sand.u32 $0x4000, s31;
	s1 =	sadd.s32 s1, s30  }
0xc1: {  	s0 =	sor.u32 s3, s0;
	s1 =	sshll.u32 s1, $0x11  }
0xc2: {  	s0 =	sor.u32 s1, s0  }
0xc3: {  	s0 =	sadd.s32 $0x8F2B, s0  }
0xc4: {  	[sflag:s0] =	ssyncadd.remote.s32 $0x1  }
0xc5: {  	_ =	sfence.sel $0xFFFF  }
0xc6: {  	[dreg:$0x0] =	wrdreg $0xFFFFFFFF;
	(pc) =	sbr.abs _section_cstart, $3  }
0xc7: {  	[dreg:$0x1] =	wrdreg $0xFFFFFFFF  }
0xc8: {  	_ =	task.clear_ibuf [dreg:s7], $0x2FFFF;
	_ =	strace $0x9FFFFFFF  }
0xc9: {  	(tm) =	ssettm $0x7FFFFFFF  }
tec
execute0_lowered:
.L_overlay_start_1:
0x0: {  	(tag) =	ssettag $0x1  }
0x1: {  	s1 =	rddreg [dreg:$0x0]  }
0x2: {  	s8 =	rddreg [dreg:$0x1]  }
0x3: {  	s2 =	rddreg [dreg:$0x2]  }
0x4: {  	s3 =	srdreg.scid;
	s0 =	rddreg [dreg:$0x3]  }
0x5: {  	s4 =	simm.s32 $0x0;
	s15 =	simm.s32 $0x80;
	s16 =	simm.s32 $0x1  }
0x6: {  	s17 =	simm.s32 $0x48;
	s18 =	simm.s32 $0x100;
	s9 =	sand.u32 $0x1, s3  }
0x7: {  	s19 =	simm.s32 $0x2;
	s3 =	stileid.u32;
	s6 =	smul.u32 $0x140000, s9  }
0x8: {  	s20 =	simm.s32 $0x0;
	[smem:$0x7FF] =	sst s4;
	s7 =	smul.u32 $0x14000, s3  }
0x9: {  	s5 =	sshll.u32 s3, $0x1;
	_ =	strace $0x80000047;
	s30 =	smul.u32 $0x50000, s3  }
0xa: {  	s13 =	sshll.u32 s3, $0x6;
	s10 =	sor.u32 s9, s5;
	s5 =	sadd.s32 $0x3600, s8  }
0xb: {  	s9 =	ssub.s32 $0x2, s9;
	s13 =	sor.u32 $0x1C03, s13;
	s11 =	sadd.s32 s7, s6  }
0xc: {  	s6 =	smul.u32 $0x4800, s10;
	s7 =	sadd.s32 $0xE00, s8;
	s12 =	sshrl.u32 s9, $0x1  }
0xd: {  	s29 =	sshrl.u32 s11, $0x3;
	s11 =	sshrl.u32 s30, $0x2;
	s12 =	ssub.s32 s9, s12  }
0xe: {  	s10 =	sadd.s32 s29, s8;
	s31 =	sshrl.u32 s6, $0x3;
	s14 =	sadd.s32 s11, s2  }
0xf: {  	s11 =	smax.u32 s12, $0x1;
	s12 =	simm.s32 $0x3;
	s8 =	sadd.s32 s1, s31  }
0x10: {  	s10 =	sadd.s32 $0x3C00, s10;
	s14 =	sshrl.u32 s14, $0x3;
	s9 =	sadd.s32 $0x10, s8  }
.LBB2_1:
0x11: {  	[tilespmem:s18], [sflag:$0x3] =	stream.linear.gather [hbm4b:s5+s4], $0x2400, $0x38;
	[tilespmem:$0x16500] =	vst v63  }
0x12: {  	_ =	swait.ge [sflag:s12], $0x2400  }
0x13: {  	[sflag:s12] =	ssyncset.done $0x0  }
0x14: {  	[sflag:s12] =	ssyncadd.s32 $0xFFFFDC00  }
0x15: {  	[spmem:s14], [sflag:s13] =	dma.local [hbm:s7], $0x2800  }
0x16: {  	_ =	swait.ge [sflag:s12], $0x2800  }
0x17: {  	[sflag:s12] =	ssyncset.done $0x0  }
0x18: {  	[sflag:s12] =	ssyncadd.s32 $0xFFFFD800  }
0x19: {  	[bflag:$0x0] =	sbarrier.arrive $0xFFFF  }
0x1a: {  	[tilespmem:s4], [sflag:$0x1] =	stream.linear.gather [hbm4b:s8+s4], $0x80, $0x38;
	[tilespmem:$0x16500] =	vst v63  }
0x1b: {  	_ = 	snop  }
0x1c: {  	[tilespmem:s15], [sflag:$0x2] =	stream.linear.gather [hbm4b:s9+s4], $0x80, $0x38;
	[tilespmem:$0x16500] =	vst v63  }
0x1d: {  	_ =	swait.ge [sflag:s16], $0x80  }
0x1e: {  	s21 =	sand.u32 $0xFC00, s18;
	[sflag:s16] =	ssyncset.done $0x0  }
0x1f: {  	s22 =	sand.u32 $0x300, s18;
	s21 =	sadd.s32 s6, s21;
	[sflag:s16] =	ssyncadd.s32 $0xFFFFFF80  }
0x20: {  	[spmem:s2] =	stream.indirect.scatter.add.f32 [tilespmem:s18], [sflag:$0x3], $0x80, s4, s17, $0xb8;
	[tilespmem:$0x16500] =	vst v63  }
0x21: {  	s30 =	smin.u32 s4, $0x86;
	s21 =	sor.u32 s22, s21;
	_ =	swait.ge [sflag:s12], $0x2400  }
0x22: {  	s31 =	sshll.u32 s30, $0x7;
	s21 =	sshrl.u32 s21, $0x3;
	[sflag:s12] =	ssyncset.done $0x0  }
0x23: {  	s22 =	sadd.s32 $0x180, s31;
	s21 =	sadd.s32 s1, s21;
	[sflag:s12] =	ssyncadd.s32 $0xFFFFDC00  }
0x24: {  	[tilespmem:s4], [sflag:$0x1] =	stream.linear.gather [hbm4b:s21+s4], $0x80, $0x38;
	[tilespmem:$0x16500] =	vst v63  }
0x25: {  	s23 =	sand.u32 $0xFC00, s22;
	_ =	swait.ge [sflag:s19], $0x80  }
0x26: {  	s22 =	sand.u32 $0x380, s22;
	s23 =	sadd.s32 s6, s23;
	[sflag:s19] =	ssyncset.done $0x0  }
0x27: {  	s23 =	sor.u32 s22, s23;
	[sflag:s19] =	ssyncadd.s32 $0xFFFFFF80  }
0x28: {  	[spmem:s2] =	stream.indirect.scatter.add.f32 [tilespmem:s18], [sflag:$0x3], $0x80, s15, s17, $0xb8;
	[tilespmem:$0x16500] =	vst v63  }
0x29: {  	s22 =	simm.s32 $0x0;
	s21 =	simm.s32 $0x200;
	_ =	swait.ge [sflag:s12], $0x2400  }
.LBB2_2:
0x2a: {  	[sflag:s12] =	ssyncset.done $0x0  }
0x2b: {  	s23 =	sshrl.u32 s23, $0x3;
	s22 =	sadd.s32 $0x2, s22;
	s24 =	smov.u32 s21  }
0x2c: {  	p0 =	sne.s32 s21, $0x4500;
	[sflag:s12] =	ssyncadd.s32 $0xFFFFDC00;
	s23 =	sadd.s32 s1, s23  }
0x2d: {  	[tilespmem:s15], [sflag:$0x2] =	stream.linear.gather [hbm4b:s23+s4], $0x80, $0x38;
	[tilespmem:$0x16500] =	vst v63  }
0x2e: {  	s21 =	sadd.s32 $0x100, s21;
	s23 =	sand.u32 $0xFC00, s24;
	_ =	swait.ge [sflag:s16], $0x80  }
0x2f: {  	s24 =	sand.u32 $0x300, s24;
	s23 =	sadd.s32 s6, s23;
	[sflag:s16] =	ssyncset.done $0x0  }
0x30: {  	s23 =	sor.u32 s24, s23;
	[sflag:s16] =	ssyncadd.s32 $0xFFFFFF80  }
0x31: {  	[spmem:s2] =	stream.indirect.scatter.add.f32 [tilespmem:s18], [sflag:$0x3], $0x80, s4, s17, $0xb8;
	[tilespmem:$0x16500] =	vst v63  }
0x32: {  	s23 =	sshrl.u32 s23, $0x3;
	_ =	swait.ge [sflag:s12], $0x2400  }
0x33: {  	s24 =	smin.u32 s22, $0x86;
	s23 =	sadd.s32 s1, s23;
	[sflag:s12] =	ssyncset.done $0x0  }
0x34: {  	s24 =	sshll.u32 s24, $0x7;
	[sflag:s12] =	ssyncadd.s32 $0xFFFFDC00  }
0x35: {  	[tilespmem:s4], [sflag:$0x1] =	stream.linear.gather [hbm4b:s23+s4], $0x80, $0x38;
	[tilespmem:$0x16500] =	vst v63  }
.Ltmp0:
0x36: {  	s23 =	sadd.s32 $0x180, s24;
	_ =	swait.ge [sflag:s19], $0x80;
	(pc) =	sbr.rel @p0 .LBB2_2-.Ltmp0, $4  }
0x37: {  	s24 =	sand.u32 $0xFC00, s23;
	s23 =	sand.u32 $0x380, s23;
	[sflag:s19] =	ssyncset.done $0x0  }
0x38: {  	s24 =	sadd.s32 s6, s24;
	[sflag:s19] =	ssyncadd.s32 $0xFFFFFF80  }
0x39: {  	[spmem:s2] =	stream.indirect.scatter.add.f32 [tilespmem:s18], [sflag:$0x3], $0x80, s15, s17, $0xb8;
	[tilespmem:$0x16500] =	vst v63  }
0x3a: {  	s23 =	sor.u32 s23, s24;
	_ =	swait.ge [sflag:s12], $0x2400  }
0x3b: {  	[sflag:s12] =	ssyncset.done $0x0;
	s21 =	sshrl.u32 s23, $0x3  }
0x3c: {  	[sflag:s12] =	ssyncadd.s32 $0xFFFFDC00;
	s21 =	sadd.s32 s1, s21  }
0x3d: {  	[tilespmem:s15], [sflag:$0x2] =	stream.linear.gather [hbm4b:s21+s4], $0x80, $0x38;
	[tilespmem:$0x16500] =	vst v63  }
0x3e: {  	_ =	swait.ge [sflag:s16], $0x80  }
0x3f: {  	[sflag:s16] =	ssyncset.done $0x0  }
0x40: {  	[sflag:s16] =	ssyncadd.s32 $0xFFFFFF80  }
0x41: {  	[spmem:s2] =	stream.indirect.scatter.add.f32 [tilespmem:s18], [sflag:$0x3], $0x80, s4, s17, $0xb8;
	[tilespmem:$0x16500] =	vst v63  }
0x42: {  	_ =	swait.ge [sflag:s12], $0x2400  }
0x43: {  	[sflag:s12] =	ssyncset.done $0x0  }
0x44: {  	[sflag:s12] =	ssyncadd.s32 $0xFFFFDC00  }
0x45: {  	_ =	swait.ge [sflag:s19], $0x80  }
0x46: {  	s20 =	sadd.s32 $0x1, s20;
	[sflag:s19] =	ssyncset.done $0x0  }
0x47: {  	p0 =	sne.s32 s20, s11;
	[sflag:s19] =	ssyncadd.s32 $0xFFFFFF80  }
.Ltmp1:
0x48: {  	[bflag:$0x0] =	sbarrier.arrive $0xFFFF;
	(pc) =	sbr.rel @p0 .LBB2_1-.Ltmp1, $4  }
0x49: {  	[hbm:s10], [sflag:s13] =	dma.local [spmem:s14], $0x2800  }
0x4a: {  	_ =	swait.ge [sflag:s12], $0x2800  }
0x4b: {  	[sflag:s12] =	ssyncset.done $0x0  }
0x4c: {  	[sflag:s12] =	ssyncadd.s32 $0xFFFFD800  }
0x4d: {  	_ =	sfence.sel $0x180000  }
0x4e: {  	[bflag:$0x0] =	sbarrier.arrive $0xFFFF  }
0x4f: {  	p0 =	sne.s32 s3, $0x0;
	_ =	strace $0x90000047  }
0x50: {  	s0 =	sadd.s32 @!p0 $0x100000, s0;
	[bflag:$0x2] =	sbarrier.arrive $0xFFFF  }
0x51: {  	[sflag:s0] =	ssyncadd.tile.s32 @!p0 $0x1;
	_ =	shalt  }
.Lfunc_end2:
_tile_overlayer_lowered:
.L_overlay_start_2:
0x52: {  	(tag) =	ssettag $0x2  }
0x53: {  	s0 =	rddreg [dreg:$0x0];
	s2 =	stileid.u32  }
0x54: {  	s1 =	rddreg [dreg:$0x1];
	p0 =	sne.s32 s2, $0x0  }
0x55: {  	s3 =	rddreg [dreg:$0x2];
	[bflag:$0x3] =	sbarrier.arrive $0xFFFF;
	s2 =	simm.s32 @!p0 $0x1C03  }
0x56: {  	[timem:s3], [sflag:s2] =	dma.local @!p0 [hbm:s0], s1  }
0x57: {  	s0 =	simm.s32 @!p0 $0x3  }
0x58: {  	_ =	swait.ge @!p0 [sflag:s0], s1  }
0x59: {  	s1 =	ssub.s32 @!p0 $0x0, s1;
	[sflag:s0] =	ssyncset.done @!p0 $0x0  }
0x5a: {  	[sflag:s0] =	ssyncadd.s32 @!p0 s1  }
0x5b: {  	[bflag:$0x3] =	sbarrier.arrive $0xFFFF  }
0x5c: {  	_ =	shalt  }

// kernel: kernel.9.cloned.1.call-start
scs
__scs_entry_jumppad:
0x0: {  	(pc) =	sbr.rel $0x88, $3  }
0x1: {  	(tag) =	ssettag $0x0;
	lr =	simm.s32 $0x1  }
0x2: {  	[smem:$0x3F93] =	sst lr;
	_ =	strace $0xD0000000  }
0x3: {  	_ = 	snop  }
0x4: {  	_ = 	snop  }
0x5: {  	_ = 	snop  }
0x6: {  	_ = 	snop  }
0x7: {  	_ = 	snop  }
__scs_overlays_trampoline_lowered:
0x8: {  	[smem:$0x3FA2] =	sst s0  }
0x9: {  	[smem:$0x3FA3] =	sst s1  }
0xa: {  	[smem:$0x3FA4] =	sst s2  }
0xb: {  	[smem:$0x3FA5] =	sst s3  }
0xc: {  	[smem:$0x3FA6] =	sst s4  }
0xd: {  	[smem:$0x3FA7] =	sst s5  }
0xe: {  	[smem:$0x3FA8] =	sst s6  }
0xf: {  	[smem:$0x3FA9] =	sst s7  }
0x10: {  	[smem:$0x3FAA] =	sst s8  }
0x11: {  	[smem:$0x3FAB] =	sst s9;
	s0 =	simm.s32 @!p0 $0x0  }
0x12: {  	s1 =	sld [smem:$0x3F91];
	s0 =	simm.s32 @p0 $0x1  }
0x13: {  	[smem:$0x3FAC] =	sst s0;
	s0 =	simm.s32 @!p1 $0x0  }
0x14: {  	s2 =	sld [smem:$0x3F90];
	s0 =	simm.s32 @p1 $0x1  }
0x15: {  	[smem:$0x3FAD] =	sst s0;
	s0 =	simm.s32 @!p2 $0x0  }
0x16: {  	s3 =	sld [smem:$0x3FDB];
	s0 =	simm.s32 @p2 $0x1  }
0x17: {  	s4 =	simm.s32 $0x1BF5;
	[smem:$0x3FAF] =	sst s0  }
0x18: {  	s0 =	sld [smem:$0x3F92];
	_ =	swait.ge [sflag:s4], $0x0  }
0x19: {  	s7 =	sld [smem:$0x3F93]  }
0x1a: {  	s8 =	sadd.s32 $0xFFFFE003, lr  }
0x1b: {  	s9 =	sadd.s32 $0xFFFFFEF7, lr;
	s5 =	simm.s32 $0xFFFFFFFF;
	p2 =	slt.u32 s8, $0xFFFFF086  }
0x1c: {  	p1 =	slt.u32 s9, $0xF7A;
	s5 =	simm.s32 @!p2 $0x0  }
0x1d: {  	s5 =	simm.s32 @p1 $0x1;
	p0 =	seq.s32 s7, s2  }
0x1e: {  	s7 =	smul.u32 @!p0 $0xF7A, s2;
	p2 =	seq.s32 @!p0 s5, $0x0  }
0x1f: {  	s9 =	smul.u32 $0xF7A, s1;
	s8 =	simm.s32 @!p0 $0x1BF5;
	p2 =	por !p2, p0  }
0x20: {  	[sflag:s8] =	ssyncset.s32 @!p0 $0xFFFFF086;
	s6 =	sadd.s32 @!p0 s3, s7;
	s7 =	simm.s32 @!p0 $0x108  }
0x21: {  	s3 =	sadd.s32 s3, s9;
	s6 =	sadd.s32 @!p0 $0x88, s6;
	s7 =	simm.s32 @p2 $0x1082  }
0x22: {  	[simem:s7], [sflag:s8] =	dma.local @!p0 [hbm:s6], $0xF7A  }
0x23: {  	s9 =	sor.u32 $0xD0000000, s2;
	s6 =	simm.s32 $0x108;
	_ =	swait.ge @!p0 [sflag:s8], $0x0  }
0x24: {  	s3 =	sadd.s32 $0x88, s3;
	s6 =	simm.s32 @!p1 $0x1082;
	[sflag:s4] =	ssyncset.s32 $0xFFFFF086  }
0x25: {  	[simem:s6], [sflag:s4] =	dma.local [hbm:s3], $0xF7A  }
0x26: {  	[smem:$0x3F93] =	sst s1;
	(tag) =	ssettag s2;
	_ =	strace s9  }
0x27: {  	s1 =	sld [smem:$0x3FA3]  }
0x28: {  	s2 =	sld [smem:$0x3FA4]  }
0x29: {  	s4 =	sld [smem:$0x3FA6]  }
0x2a: {  	p0 =	seq.s32 s5, $0x0;
	s5 =	sld [smem:$0x3FA7]  }
0x2b: {  	s6 =	sld [smem:$0x3FA8]  }
0x2c: {  	s7 =	sld [smem:$0x3FA9]  }
0x2d: {  	s3 =	simm.s32 $0x108;
	s8 =	sld [smem:$0x3FAA]  }
0x2e: {  	s3 =	simm.s32 @!p0 $0x1082;
	s9 =	sld [smem:$0x3FAB]  }
0x2f: {  	lr =	sadd.s32 s0, s3;
	s0 =	sld [smem:$0x3FA2]  }
0x30: {  	s3 =	sld [smem:$0x3FA5]  }
0x31: {  	[smem:$0x3FAE] =	sst s10  }
0x32: {  	s10 =	sld [smem:$0x3FAC];
	_ =	sdelay $0x3  }
0x33: {  	p0 =	seq.s32 s10, $0x1;
	s10 =	sld [smem:$0x3FAE];
	_ =	sdelay $0x3  }
0x34: {  	[smem:$0x3FAE] =	sst s10  }
0x35: {  	s10 =	sld [smem:$0x3FAD];
	_ =	sdelay $0x3  }
0x36: {  	p1 =	seq.s32 s10, $0x1;
	s10 =	sld [smem:$0x3FAE];
	_ =	sdelay $0x3  }
0x37: {  	[smem:$0x3FAE] =	sst s10  }
0x38: {  	s10 =	sld [smem:$0x3FAF]  }
0x39: {  	_ = 	snop;
	(pc) =	sbr.ind lr, $3  }
0x3a: {  	_ = 	snop  }
0x3b: {  	_ = 	snop  }
0x3c: {  	p2 =	seq.s32 s10, $0x1;
	s10 =	sld [smem:$0x3FAE]  }
0x3d: {  	_ =	shalt  }
0x3e: {  	_ =	shalt  }
0x3f: {  	_ =	shalt  }
0x40: {  	_ =	shalt  }
0x41: {  	_ =	shalt  }
0x42: {  	_ =	shalt  }
0x43: {  	_ =	shalt  }
0x44: {  	_ =	shalt  }
0x45: {  	_ =	shalt  }
0x46: {  	_ =	shalt  }
0x47: {  	_ =	shalt  }
0x48: {  	_ =	shalt  }
0x49: {  	_ =	shalt  }
0x4a: {  	_ =	shalt  }
0x4b: {  	_ =	shalt  }
0x4c: {  	_ =	shalt  }
0x4d: {  	_ =	shalt  }
0x4e: {  	_ =	shalt  }
0x4f: {  	_ =	shalt  }
0x50: {  	_ =	shalt  }
0x51: {  	_ =	shalt  }
0x52: {  	_ =	shalt  }
0x53: {  	_ =	shalt  }
0x54: {  	_ =	shalt  }
0x55: {  	_ =	shalt  }
0x56: {  	_ =	shalt  }
0x57: {  	_ =	shalt  }
0x58: {  	_ =	shalt  }
0x59: {  	_ =	shalt  }
0x5a: {  	_ =	shalt  }
0x5b: {  	_ =	shalt  }
0x5c: {  	_ =	shalt  }
0x5d: {  	_ =	shalt  }
0x5e: {  	_ =	shalt  }
0x5f: {  	_ =	shalt  }
0x60: {  	_ =	shalt  }
0x61: {  	_ =	shalt  }
0x62: {  	_ =	shalt  }
0x63: {  	_ =	shalt  }
0x64: {  	_ =	shalt  }
0x65: {  	_ =	shalt  }
0x66: {  	_ =	shalt  }
0x67: {  	_ =	shalt  }
0x68: {  	_ =	shalt  }
0x69: {  	_ =	shalt  }
0x6a: {  	_ =	shalt  }
0x6b: {  	_ =	shalt  }
0x6c: {  	_ =	shalt  }
0x6d: {  	_ =	shalt  }
0x6e: {  	_ =	shalt  }
0x6f: {  	_ =	shalt  }
0x70: {  	_ =	shalt  }
0x71: {  	_ =	shalt  }
0x72: {  	_ =	shalt  }
0x73: {  	_ =	shalt  }
0x74: {  	_ =	shalt  }
0x75: {  	_ =	shalt  }
0x76: {  	_ =	shalt  }
0x77: {  	_ =	shalt  }
0x78: {  	_ =	shalt  }
0x79: {  	_ =	shalt  }
0x7a: {  	_ =	shalt  }
0x7b: {  	_ =	shalt  }
0x7c: {  	_ =	shalt  }
0x7d: {  	_ =	shalt  }
0x7e: {  	_ =	shalt  }
0x7f: {  	_ =	shalt  }
0x80: {  	_ =	shalt  }
0x81: {  	_ =	shalt  }
0x82: {  	_ =	shalt  }
0x83: {  	_ =	shalt  }
0x84: {  	_ =	shalt  }
0x85: {  	_ =	shalt  }
0x86: {  	_ =	shalt  }
0x87: {  	_ =	shalt  }
.Lfunc_end0:
.L_simem_size_0:
called_computation.1_lowered:
.L_overlay_start_0:
0x88: {  	s2 =	sld [smem:$0x3FD9]  }
0x89: {  	s3 =	sld [smem:$0x3FFE];
	_ =	sdelay $0x1  }
0x8a: {  	s1 =	srdreg.scid  }
0x8b: {  	s0 =	sand.u32 $0x1, s1  }
0x8c: {  	s17 =	sshll.u32 s0, $0xA;
	s2 =	sadd.s32 s3, s2  }
0x8d: {  	s2 =	sadd.s32 s2, s17  }
0x8e: {  	[smem:$0x3FBA] =	sst s2  }
0x8f: {  	_ = 	snop  }
0x90: {  	s2 =	sld [smem:$0x3FBF];
	(tm) =	ssettm $0x1  }
0x91: {  	s18 =	sld [smem:$0x3FFB];
	_ =	sdelay $0x3  }
0x92: {  	_ =	strace s18  }
0x93: {  	s3 =	sld [smem:$0x3FFC];
	_ =	sdelay $0x3  }
0x94: {  	_ =	strace s3  }
0x95: {  	s3 =	sld [smem:$0x3FFD];
	_ =	sdelay $0x3  }
0x96: {  	_ =	strace s3  }
0x97: {  	_ =	strace $0x8FFFFFFF  }
0x98: {  	s19 =	sld [smem:$0x3FDB];
	_ =	sdelay $0x1  }
0x99: {  	s4 =	simm.s32 $_scs_section_size  }
0x9a: {  	s5 =	simm.s32 $_size__tile_overlayer_lowered;
	s6 =	simm.s32 $_tile_overlayer_lowered  }
0x9b: {  	s22 =	simm.s32 $0x1BFF;
	s21 =	sshll.u32 s6, $0x1;
	s3 =	sadd.s32 s4, s19  }
0x9c: {  	s7 =	simm.s32 $0x0;
	s20 =	sshll.u32 s5, $0x1;
	s5 =	sadd.s32 s21, s3  }
0x9d: {  	[timem:s7], [sflag:s22] =	dma.local [hbm:s5], s20  }
0x9e: {  	_ =	swait.ge [sflag:s22], s20  }
0x9f: {  	s4 =	ssub.s32 $0x0, s20;
	[sflag:s22] =	ssyncset.done $0x0  }
0xa0: {  	[sflag:s22] =	ssyncadd.s32 s4;
	_ =	sdelay $0x1  }
0xa1: {  	s23 =	simm.s32 $0x1B8B  }
0xa2: {  	_ =	swait.ge [sflag:s23], $0x1  }
0xa3: {  	[sflag:s23] =	ssyncset.done $0x0  }
0xa4: {  	s25 =	simm.s32 $0x1B8E;
	s24 =	sld [smem:$0x3FFE];
	[sflag:s23] =	ssyncadd.s32 $0xFFFFFFFF  }
0xa5: {  	s26 =	simm.s32 $execute0_lowered;
	[smem:$0x3FD2] =	sst s25  }
0xa6: {  	s5 =	sshll.u32 s26, $0x1;
	_ =	strace $0x80000049;
	[dreg:$0x1] =	wrdreg $0xFFFFFFFF  }
0xa7: {  	s28 =	simm.s32 $_size_execute0_lowered;
	s3 =	sadd.s32 s3, s5;
	[dreg:$0x0] =	wrdreg $0x0  }
0xa8: {  	s5 =	sshll.u32 s28, $0x1;
	[dreg:$0x2] =	wrdreg s3  }
0xa9: {  	[dreg:$0x3] =	wrdreg s5  }
0xaa: {  	[dreg:$0x4] =	wrdreg $0xC0  }
0xab: {  	_ =	task [dreg:s7], $0x5FFFF  }
0xac: {  	[dreg:$0x1] =	wrdreg $0xFFFFFFFF  }
0xad: {  	[dreg:$0x0] =	wrdreg $0x60  }
0xae: {  	[dreg:$0x2] =	wrdreg s24  }
0xaf: {  	[dreg:$0x3] =	wrdreg s2  }
0xb0: {  	[dreg:$0x4] =	wrdreg $0x4C000  }
0xb1: {  	[dreg:$0x5] =	wrdreg $0x9  }
0xb2: {  	_ =	task.clear_ibuf [dreg:s7], $0x6FFFF;
	_ =	strace $0x90000049  }
0xb3: {  	s29 =	simm.s32 $0x9;
	_ =	strace $0x8000004B  }
0xb4: {  	_ =	swait.ge [sflag:s29], $0x1  }
0xb5: {  	[sflag:s29] =	ssyncadd.s32 $0xFFFFFFFF  }
0xb6: {  	_ =	strace $0x9000004B  }
0xb7: {  	_ =	sfence  }
0xb8: {  	s30 =	sld [smem:$0x0];
	_ =	sdelay $0x2  }
0xb9: {  	s31 =	sshll.u32 s1, $0xD;
	s1 =	sshrl.u32 s1, $0x2  }
0xba: {  	s3 =	sand.u32 $0x4000, s31;
	s1 =	sadd.s32 s1, s30  }
0xbb: {  	s0 =	sor.u32 s3, s0;
	s1 =	sshll.u32 s1, $0x11  }
0xbc: {  	s0 =	sor.u32 s1, s0  }
0xbd: {  	s0 =	sadd.s32 $0x8F2B, s0  }
0xbe: {  	[sflag:s0] =	ssyncadd.remote.s32 $0x1  }
0xbf: {  	_ =	sfence.sel $0xFFFF  }
0xc0: {  	[dreg:$0x0] =	wrdreg $0xFFFFFFFF;
	(pc) =	sbr.abs _section_cstart, $3  }
0xc1: {  	[dreg:$0x1] =	wrdreg $0xFFFFFFFF  }
0xc2: {  	_ =	task.clear_ibuf [dreg:s7], $0x2FFFF;
	_ =	strace $0x9FFFFFFF  }
0xc3: {  	(tm) =	ssettm $0x7FFFFFFF  }
tec
execute0_lowered:
.L_overlay_start_1:
0x0: {  	(tag) =	ssettag $0x1  }
0x1: {  	s0 =	rddreg [dreg:$0x0]  }
0x2: {  	s1 =	rddreg [dreg:$0x1]  }
0x3: {  	s2 =	rddreg [dreg:$0x2]  }
0x4: {  	s3 =	simm.s32 $0x0;
	s4 =	srdreg.scid;
	s12 =	stileid.u32  }
0x5: {  	s31 =	simm.s32 $0x7;
	s28 =	simm.s32 $0x3;
	s29 =	simm.s32 $0x2  }
0x6: {  	s30 =	simm.s32 $0x6;
	s14 =	simm.s32 $0x180;
	s15 =	simm.s32 $0x4  }
0x7: {  	[smem:$0x7FF] =	sst s3;
	s4 =	sand.u32 $0x1, s4;
	s5 =	sadd.s32 $0x3600, s0  }
0x8: {  	s6 =	sadd.s32 $0x7BC00, s0;
	s9 =	smul.u32 $0x14000, s12;
	s10 =	sshll.u32 s12, $0x1  }
0x9: {  	s7 =	sadd.s32 $0x7FC00, s0;
	s11 =	sadd.s32 $0xE00, s0;
	s19 =	smul.u32 $0x50000, s12  }
0xa: {  	s22 =	sshll.u32 s12, $0x6;
	_ =	strace $0x8000004A;
	s8 =	smul.u32 $0x140000, s4  }
0xb: {  	[dreg:$0x4] =	wrdreg s11;
	s10 =	sor.u32 s4, s10;
	s4 =	ssub.s32 $0x2, s4  }
0xc: {  	s16 =	sor.u32 $0x1C07, s22;
	s22 =	simm.s32 $0x400;
	s11 =	simm.s32 $0x4000  }
0xd: {  	s17 =	smul.u32 $0x34200, s10;
	s18 =	sshrl.u32 s4, $0x1;
	s21 =	sshrl.u32 s19, $0x2  }
0xe: {  	s19 =	simm.s32 $0x1000;
	s10 =	simm.s32 $0x0;
	[dreg:$0x6] =	wrdreg s16  }
0xf: {  	s8 =	sadd.s32 s9, s8;
	s4 =	ssub.s32 s4, s18;
	s24 =	sadd.s32 s21, s2  }
0x10: {  	s18 =	simm.s32 $0x200;
	s21 =	simm.s32 $0x18;
	s9 =	simm.s32 $0x5  }
0x11: {  	[dreg:$0xb] =	wrdreg s10;
	s8 =	sshrl.u32 s8, $0x3;
	s20 =	sshrl.u32 s17, $0x3  }
0x12: {  	s12 =	sadd.s32 $0x400, s17;
	s13 =	sadd.s32 $0x600, s17;
	s26 =	smax.u32 s4, $0x1  }
0x13: {  	s17 =	sshrl.u32 s24, $0x3;
	s24 =	simm.s32 $0x1C00;
	s4 =	simm.s32 $0x300  }
0x14: {  	s0 =	sadd.s32 s8, s0;
	s23 =	sadd.s32 s7, s20;
	[dreg:$0x9] =	wrdreg s26  }
0x15: {  	s20 =	simm.s32 $0x1;
	s26 =	simm.s32 $0x3400;
	[dreg:$0xa] =	wrdreg s17  }
0x16: {  	s8 =	simm.s32 $0x380;
	[dreg:$0x5] =	wrdreg s23;
	s25 =	sadd.s32 $0x40, s23  }
0x17: {  	s0 =	sadd.s32 $0x2B600, s0;
	s23 =	simm.s32 $0x80;
	[dreg:$0x7] =	wrdreg s25  }
0x18: {  	[dreg:$0x8] =	wrdreg s0;
	s25 =	simm.s32 $0x100;
	s0 =	simm.s32 $0x2800  }
.LBB2_1:
0x19: {  	s10 =	rddreg [dreg:$0x4]  }
0x1a: {  	[spmem:s17], [sflag:s16] =	dma.local [hbm:s10], $0x2800  }
0x1b: {  	_ =	swait.ge [sflag:s31], $0x2800  }
0x1c: {  	[sflag:s31] =	ssyncset.done $0x0  }
0x1d: {  	[sflag:s31] =	ssyncadd.s32 $0xFFFFD800  }
0x1e: {  	[bflag:$0x0] =	sbarrier.arrive $0xFFFF  }
0x1f: {  	s17 =	rddreg [dreg:$0x5]  }
0x20: {  	[tilespmem:s3], [sflag:$0x1] =	stream.linear.gather [hbm4b:s17+s3], $0x200, $0x38;
	[tilespmem:$0x18C00] =	vst v63  }
0x21: {  	s31 =	rddreg [dreg:$0x7]  }
0x22: {  	[tilespmem:s18], [sflag:$0x2] =	stream.linear.gather [hbm4b:s31+s3], $0x200, $0x38;
	[tilespmem:$0x18C00] =	vst v63  }
0x23: {  	_ = 	snop  }
0x24: {  	[tilespmem:s19], [sflag:$0x6] =	stream.linear.gather [hbm4b:s10+s3], $0xC00, $0x38;
	[tilespmem:$0x18C00] =	vst v63  }
0x25: {  	_ =	swait.ge [sflag:s20], $0x200  }
0x26: {  	[sflag:s20] =	ssyncset.done $0x0  }
0x27: {  	[sflag:s20] =	ssyncadd.s32 $0xFFFFFE00  }
0x28: {  	[tilespmem:s22], [sflag:$0x3] =	stream.indirect.gather [hbm4b:s5+s21], $0x80, s3, s21, $0xb8;
	[tilespmem:$0x18C00] =	vst v63  }
0x29: {  	_ = 	snop  }
0x2a: {  	[tilespmem:s24], [sflag:$0x3] =	stream.indirect.gather [hbm4b:s6+s21], $0x80, s23, s21, $0xb8;
	[tilespmem:$0x18C00] =	vst v63  }
0x2b: {  	s16 =	simm.s32 $0x0  }
0x2c: {  	[tilespmem:s26], [sflag:$0x3] =	stream.indirect.gather [hbm4b:s1+s21], $0x80, s25, s21, $0xb8;
	[tilespmem:$0x18C00] =	vst v63  }
.LBB2_2:
0x2d: {  	_ =	swait.ge [sflag:s28], $0xC00  }
0x2e: {  	[sflag:s28] =	ssyncset.done $0x0  }
0x2f: {  	[sflag:s28] =	ssyncadd.s32 $0xFFFFF400  }
0x30: {  	_ =	swait.ge [sflag:s28], $0xC00  }
0x31: {  	[sflag:s28] =	ssyncset.done $0x0  }
0x32: {  	[sflag:s28] =	ssyncadd.s32 $0xFFFFF400  }
0x33: {  	_ =	swait.ge [sflag:s28], $0xC00  }
0x34: {  	[sflag:s28] =	ssyncset.done $0x0  }
0x35: {  	[sflag:s28] =	ssyncadd.s32 $0xFFFFF400  }
0x36: {  	_ =	swait.ge [sflag:s29], $0x200  }
0x37: {  	[sflag:s29] =	ssyncset.done $0x0  }
0x38: {  	[sflag:s29] =	ssyncadd.s32 $0xFFFFFE00  }
0x39: {  	_ =	swait.ge [sflag:s30], $0xC00  }
0x3a: {  	[sflag:s30] =	ssyncset.done $0x0  }
0x3b: {  	[sflag:s30] =	ssyncadd.s32 $0xFFFFF400  }
0x3c: {  	[tilespmem:s19], [sflag:$0x4] =	stream.indirect.gather [hbm4b:s5+s21], $0x80, s18, s21, $0xb8;
	[tilespmem:$0x18C00] =	vst v63  }
0x3d: {  	s10 =	simm.s32 $0x280  }
0x3e: {  	[tilespmem:s0], [sflag:$0x4] =	stream.indirect.gather [hbm4b:s6+s21], $0x80, s10, s21, $0xb8;
	[tilespmem:$0x18C00] =	vst v63  }
0x3f: {  	s17 =	simm.s32 $0xF0  }
0x40: {  	[tilespmem:s11], [sflag:$0x4] =	stream.indirect.gather [hbm4b:s1+s21], $0x80, s4, s21, $0xb8;
	[tilespmem:$0x18C00] =	vst v63  }
0x41: {  	v6 =	vld [tilespmem:s17+$0x1B50]  }
0x42: {  	v8 =	vld [tilespmem:s17+$0x1B60]  }
0x43: {  	v9 =	vld [tilespmem:s17+$0x1B70]  }
0x44: {  	v10 =	vld [tilespmem:s17+$0x1B80]  }
0x45: {  	v11 =	vld [tilespmem:s17+$0x1BD0]  }
0x46: {  	v16 =	vld [tilespmem:s17+$0x1BE0]  }
0x47: {  	v17 =	vld [tilespmem:s17+$0x1BF0]  }
0x48: {  	v0 =	vld [tilespmem:s17+$0x1C00]  }
0x49: {  	v18 =	vld [tilespmem:s17+$0x3310]  }
0x4a: {  	v19 =	vld [tilespmem:s17+$0x3320]  }
0x4b: {  	v20 =	vld [tilespmem:s17+$0x3330]  }
0x4c: {  	v25 =	vld [tilespmem:s17+$0x3340]  }
0x4d: {  	v26 =	vld [tilespmem:s17+$0x3350]  }
0x4e: {  	v27 =	vld [tilespmem:s17+$0x3360]  }
0x4f: {  	v28 =	vld [tilespmem:s17+$0x3370]  }
0x50: {  	v29 =	vld [tilespmem:s17+$0x3380]  }
0x51: {  	v34 =	vld [tilespmem:s17+$0x3390]  }
0x52: {  	v7 =	vld [tilespmem:s17+$0x33A0]  }
0x53: {  	v5 =	vld [tilespmem:s17+$0x33B0]  }
0x54: {  	v4 =	vld [tilespmem:s17+$0x33C0]  }
0x55: {  	v3 =	vld [tilespmem:s17+$0x33D0]  }
0x56: {  	v2 =	vld [tilespmem:s17+$0x33E0]  }
0x57: {  	v1 =	vld [tilespmem:s17+$0x33F0]  }
0x58: {  	v21 =	vld [tilespmem:s17+$0x1B10]  }
0x59: {  	v22 =	vld [tilespmem:s17+$0x1B20];
	v30 =	vshll.u32 v6, $0x10  }
0x5a: {  	v23 =	vld [tilespmem:s17+$0x1B30];
	v32 =	vand.u32 $0xFFFF0000, v6;
	v33 =	vshll.u32 v8, $0x10;
	v35 =	vand.u32 $0xFFFF0000, v8  }
0x5b: {  	v24 =	vld [tilespmem:s17+$0x1B40];
	v37 =	vshll.u32 v9, $0x10;
	v38 =	vand.u32 $0xFFFF0000, v9;
	v39 =	vshll.u32 v10, $0x10  }
0x5c: {  	v31 =	vld [tilespmem:s17+$0x1B90];
	v15 =	vand.u32 $0xFFFF0000, v10;
	v14 =	vshll.u32 v11, $0x10;
	v13 =	vand.u32 $0xFFFF0000, v11  }
0x5d: {  	v36 =	vld [tilespmem:s17+$0x1BA0];
	v12 =	vshll.u32 v16, $0x10;
	v11 =	vand.u32 $0xFFFF0000, v16;
	v9 =	vshll.u32 v17, $0x10  }
0x5e: {  	v40 =	vld [tilespmem:s17+$0x1BB0];
	v16 =	vshll.u32 v21, $0x10;
	v8 =	vand.u32 $0xFFFF0000, v17;
	v6 =	vshll.u32 v0, $0x10  }
0x5f: {  	v41 =	vld [tilespmem:s17+$0x1BC0];
	v21 =	vand.u32 $0xFFFF0000, v21;
	v42 =	vshll.u32 v22, $0x10;
	v43 =	vand.u32 $0xFFFF0000, v22  }
0x60: {  	v17 =	vld [tilespmem:s17+$0x310];
	v44 =	vshll.u32 v23, $0x10;
	v45 =	vand.u32 $0xFFFF0000, v23;
	v47 =	vshll.u32 v24, $0x10  }
0x61: {  	v46 =	vld [tilespmem:s17+$0x330];
	v48 =	vand.u32 $0xFFFF0000, v24;
	v49 =	vshll.u32 v31, $0x10;
	v16 =	vmul.f32 v16, v18  }
0x62: {  	v22 =	vshll.u32 v36, $0x10;
	v18 =	vld [tilespmem:s17+$0x320];
	v19 =	vmul.f32 v21, v19;
	v21 =	vand.u32 $0xFFFF0000, v31  }
0x63: {  	v10 =	vld [tilespmem:s17+$0x3400];
	v42 =	vmul.f32 v42, v20;
	v26 =	vmul.f32 v44, v26;
	v16 =	vadd.f32 v30, v16  }
0x64: {  	v20 =	vand.u32 $0xFFFF0000, v36;
	v27 =	vmul.f32 v45, v27;
	v28 =	vmul.f32 v47, v28;
	v30 =	vld [tilespmem:s17+$0x340]  }
0x65: {  	v31 =	vld [tilespmem:s17+$0x350];
	v32 =	vadd.f32 v32, v19;
	v16 =	vmul.f32 v16, v17;
	v17 =	vmul.f32 v43, v25  }
0x66: {  	v24 =	vld [tilespmem:s17+$0x360];
	v29 =	vmul.f32 v48, v29;
	v19 =	vshll.u32 v40, $0x10;
	v33 =	vadd.f32 v33, v42  }
0x67: {  	v23 =	vld [tilespmem:s17+$0x370];
	v63 =	vadd.f32 v37, v26;
	v32 =	vmul.f32 v32, v18;
	v35 =	vadd.f32 v35, v17  }
0x68: {  	v25 =	vld [tilespmem:s17+$0x380];
	v33 =	vmul.f32 v33, v46;
	v18 =	vand.u32 $0xFFFF0000, v40;
	[tilespmem:s17+$0x310] =	vst v16;
	v16 =	vshll.u32 v41, $0x10  }
0x69: {  	v26 =	vld [tilespmem:s17+$0x390];
	v17 =	vand.u32 $0xFFFF0000, v41;
	[tilespmem:s17+$0x320] =	vst v32;
	v32 =	vmul.f32 v35, v30;
	v30 =	vadd.f32 v38, v27  }
0x6a: {  	s10 =	simm.s32 $0x7C0;
	[tilespmem:s17+$0x330] =	vst v33;
	v33 =	vmul.f32 v63, v31;
	v31 =	vadd.f32 v39, v28;
	v28 =	vmul.f32 v49, v34;
	v27 =	vld [tilespmem:s17+$0x3A0]  }
.LBB2_3:
0x6b: {  	p0 =	sne.s32 s10, $0x2FC0;
	[tilespmem:s17+$0x340] =	vst v32;
	v24 =	vmul.f32 v30, v24;
	v15 =	vadd.f32 v15, v29;
	v7 =	vmul.f32 v21, v7;
	v21 =	vld [tilespmem:s17+$0x3B0]  }
0x6c: {  	v5 =	vmul.f32 v22, v5;
	[tilespmem:s17+$0x350] =	vst v33;
	v23 =	vmul.f32 v31, v23;
	v14 =	vadd.f32 v14, v28;
	v22 =	vld [tilespmem:s17+$0x3C0]  }
0x6d: {  	v4 =	vmul.f32 v20, v4;
	[tilespmem:s17+$0x360] =	vst v24;
	v15 =	vmul.f32 v15, v25;
	v7 =	vadd.f32 v13, v7;
	v13 =	vld [tilespmem:s17+$0x3D0]  }
0x6e: {  	v3 =	vmul.f32 v19, v3;
	v5 =	vadd.f32 v12, v5;
	[tilespmem:s17+$0x370] =	vst v23;
	v14 =	vmul.f32 v14, v26;
	v12 =	vld [tilespmem:s17+$0x3E0]  }
0x6f: {  	v2 =	vmul.f32 v18, v2;
	v4 =	vadd.f32 v11, v4;
	[tilespmem:s17+$0x380] =	vst v15;
	v7 =	vmul.f32 v7, v27;
	v11 =	vld [tilespmem:s17+$0x3F0]  }
0x70: {  	s31 =	sshra.s32 s10, $0x2;
	v1 =	vmul.f32 v16, v1;
	v3 =	vadd.f32 v9, v3;
	[tilespmem:s17+$0x390] =	vst v14;
	v5 =	vmul.f32 v5, v21;
	v9 =	vld [tilespmem:s17+$0x400]  }
0x71: {  	v2 =	vadd.f32 v8, v2;
	v14 =	vld [tilespmem:s31+$0x1B50];
	[tilespmem:s17+$0x3A0] =	vst v7;
	v4 =	vmul.f32 v4, v22;
	v7 =	vmul.f32 v17, v10  }
0x72: {  	v0 =	vand.u32 $0xFFFF0000, v0;
	v1 =	vadd.f32 v6, v1;
	v8 =	vld [tilespmem:s31+$0x1B60];
	[tilespmem:s17+$0x3B0] =	vst v5;
	v3 =	vmul.f32 v3, v13  }
0x73: {  	v6 =	vld [tilespmem:s31+$0x1B70];
	[tilespmem:s17+$0x3C0] =	vst v4;
	v2 =	vmul.f32 v2, v12;
	v0 =	vadd.f32 v0, v7  }
0x74: {  	v10 =	vld [tilespmem:s31+$0x1B80];
	[tilespmem:s17+$0x3D0] =	vst v3;
	v1 =	vmul.f32 v1, v11  }
0x75: {  	v11 =	vld [tilespmem:s31+$0x1BD0];
	[tilespmem:s17+$0x3E0] =	vst v2;
	v0 =	vmul.f32 v0, v9  }
0x76: {  	v9 =	vld [tilespmem:s31+$0x1BE0];
	[tilespmem:s17+$0x3F0] =	vst v1  }
0x77: {  	v16 =	vld [tilespmem:s31+$0x1BF0];
	[tilespmem:s17+$0x400] =	vst v0;
	s17 =	smov.u32 s31  }
0x78: {  	v0 =	vld [tilespmem:s17+$0x1C00]  }
0x79: {  	v17 =	vld [tilespmem:s17+$0x3310]  }
0x7a: {  	v18 =	vld [tilespmem:s17+$0x3320]  }
0x7b: {  	v23 =	vld [tilespmem:s17+$0x3330]  }
0x7c: {  	v24 =	vld [tilespmem:s17+$0x3340]  }
0x7d: {  	v25 =	vld [tilespmem:s17+$0x3350]  }
0x7e: {  	v26 =	vld [tilespmem:s17+$0x3360]  }
0x7f: {  	v27 =	vld [tilespmem:s17+$0x3370]  }
0x80: {  	v28 =	vld [tilespmem:s17+$0x3380]  }
0x81: {  	v34 =	vld [tilespmem:s17+$0x3390]  }
0x82: {  	v7 =	vld [tilespmem:s17+$0x33A0]  }
0x83: {  	v5 =	vld [tilespmem:s17+$0x33B0]  }
0x84: {  	v4 =	vld [tilespmem:s17+$0x33C0]  }
0x85: {  	v3 =	vld [tilespmem:s17+$0x33D0]  }
0x86: {  	v2 =	vld [tilespmem:s17+$0x33E0]  }
0x87: {  	v1 =	vld [tilespmem:s17+$0x33F0]  }
0x88: {  	v19 =	vld [tilespmem:s17+$0x1B10]  }
0x89: {  	v29 =	vshll.u32 v14, $0x10;
	v20 =	vld [tilespmem:s17+$0x1B20]  }
0x8a: {  	v30 =	vand.u32 $0xFFFF0000, v14;
	v31 =	vshll.u32 v8, $0x10;
	v32 =	vand.u32 $0xFFFF0000, v8;
	v21 =	vld [tilespmem:s17+$0x1B30]  }
0x8b: {  	v33 =	vshll.u32 v6, $0x10;
	v35 =	vand.u32 $0xFFFF0000, v6;
	v36 =	vshll.u32 v10, $0x10;
	v22 =	vld [tilespmem:s17+$0x1B40]  }
0x8c: {  	v15 =	vand.u32 $0xFFFF0000, v10;
	v14 =	vshll.u32 v11, $0x10;
	v13 =	vand.u32 $0xFFFF0000, v11;
	v37 =	vld [tilespmem:s17+$0x1B90]  }
0x8d: {  	v12 =	vshll.u32 v9, $0x10;
	v11 =	vand.u32 $0xFFFF0000, v9;
	v9 =	vshll.u32 v16, $0x10;
	v38 =	vld [tilespmem:s17+$0x1BA0]  }
0x8e: {  	v8 =	vand.u32 $0xFFFF0000, v16;
	v6 =	vshll.u32 v0, $0x10;
	v39 =	vshll.u32 v19, $0x10;
	v40 =	vld [tilespmem:s17+$0x1BB0]  }
0x8f: {  	v16 =	vand.u32 $0xFFFF0000, v19;
	v41 =	vshll.u32 v20, $0x10;
	v42 =	vand.u32 $0xFFFF0000, v20;
	v43 =	vld [tilespmem:s17+$0x1BC0]  }
0x90: {  	v44 =	vshll.u32 v21, $0x10;
	v45 =	vand.u32 $0xFFFF0000, v21;
	v46 =	vshll.u32 v22, $0x10;
	v10 =	vld [tilespmem:s17+$0x3400]  }
0x91: {  	v48 =	vand.u32 $0xFFFF0000, v22;
	v47 =	vld [tilespmem:s17+$0x310];
	v49 =	vshll.u32 v37, $0x10;
	v21 =	vand.u32 $0xFFFF0000, v37  }
0x92: {  	v17 =	vmul.f32 v39, v17;
	v37 =	vld [tilespmem:s17+$0x320];
	v22 =	vshll.u32 v38, $0x10;
	v20 =	vand.u32 $0xFFFF0000, v38  }
0x93: {  	v38 =	vmul.f32 v16, v18;
	v39 =	vld [tilespmem:s17+$0x330];
	v19 =	vshll.u32 v40, $0x10;
	v18 =	vand.u32 $0xFFFF0000, v40  }
0x94: {  	v23 =	vmul.f32 v41, v23;
	v29 =	vadd.f32 v29, v17;
	v40 =	vld [tilespmem:s17+$0x340];
	v16 =	vshll.u32 v43, $0x10  }
0x95: {  	v30 =	vadd.f32 v30, v38;
	v38 =	vmul.f32 v42, v24;
	v17 =	vand.u32 $0xFFFF0000, v43;
	v41 =	vld [tilespmem:s17+$0x350]  }
.Ltmp0:
0x96: {  	v25 =	vmul.f32 v44, v25;
	v31 =	vadd.f32 v31, v23;
	v29 =	vmul.f32 v29, v47;
	v24 =	vld [tilespmem:s17+$0x360];
	(pc) =	sbr.rel @p0 .LBB2_3-.Ltmp0, $4  }
0x97: {  	v26 =	vmul.f32 v45, v26;
	v32 =	vadd.f32 v32, v38;
	v30 =	vmul.f32 v30, v37;
	v23 =	vld [tilespmem:s17+$0x370]  }
0x98: {  	v27 =	vmul.f32 v46, v27;
	v33 =	vadd.f32 v33, v25;
	[tilespmem:s17+$0x310] =	vst v29;
	v31 =	vmul.f32 v31, v39;
	v25 =	vld [tilespmem:s17+$0x380]  }
0x99: {  	v29 =	vmul.f32 v48, v28;
	[tilespmem:s17+$0x320] =	vst v30;
	v32 =	vmul.f32 v32, v40;
	v30 =	vadd.f32 v35, v26;
	v26 =	vld [tilespmem:s17+$0x390]  }
0x9a: {  	s10 =	sadd.s32 $0x400, s10;
	v28 =	vmul.f32 v49, v34;
	[tilespmem:s17+$0x330] =	vst v31;
	v33 =	vmul.f32 v33, v41;
	v31 =	vadd.f32 v36, v27;
	v27 =	vld [tilespmem:s17+$0x3A0]  }
0x9b: {  	v24 =	vmul.f32 v30, v24  }
0x9c: {  	[tilespmem:s17+$0x340] =	vst v32;
	v60 =	vld [tilespmem:s17+$0x3B0];
	v15 =	vadd.f32 v15, v29;
	v7 =	vmul.f32 v21, v7;
	v5 =	vmul.f32 v22, v5  }
0x9d: {  	v30 =	vld [tilespmem:s17+$0x3C0];
	v4 =	vmul.f32 v20, v4;
	[tilespmem:s17+$0x350] =	vst v33;
	v23 =	vmul.f32 v31, v23;
	v14 =	vadd.f32 v14, v28  }
0x9e: {  	v21 =	vld [tilespmem:s17+$0x3E0];
	v3 =	vmul.f32 v19, v3;
	[tilespmem:s17+$0x360] =	vst v24;
	v15 =	vmul.f32 v15, v25;
	v7 =	vadd.f32 v13, v7  }
0x9f: {  	v2 =	vmul.f32 v18, v2;
	v24 =	vld [tilespmem:s17+$0x3D0];
	v5 =	vadd.f32 v12, v5;
	[tilespmem:s17+$0x370] =	vst v23;
	v13 =	vmul.f32 v14, v26  }
0xa0: {  	v1 =	vmul.f32 v16, v1;
	v12 =	vld [tilespmem:s17+$0x3F0];
	v4 =	vadd.f32 v11, v4;
	[tilespmem:s17+$0x380] =	vst v15;
	v7 =	vmul.f32 v7, v27  }
0xa1: {  	v3 =	vadd.f32 v9, v3;
	v9 =	vld [tilespmem:s17+$0x400];
	v2 =	vadd.f32 v8, v2;
	[tilespmem:s17+$0x390] =	vst v13;
	v5 =	vmul.f32 v5, v60  }
0xa2: {  	v4 =	vmul.f32 v4, v30;
	[tilespmem:s17+$0x3A0] =	vst v7;
	v7 =	vmul.f32 v17, v10  }
0xa3: {  	v0 =	vand.u32 $0xFFFF0000, v0;
	v1 =	vadd.f32 v6, v1;
	v2 =	vmul.f32 v2, v21;
	[tilespmem:s17+$0x3B0] =	vst v5  }
0xa4: {  	v3 =	vmul.f32 v3, v24;
	[tilespmem:s17+$0x3C0] =	vst v4;
	v0 =	vadd.f32 v0, v7  }
0xa5: {  	v1 =	vmul.f32 v1, v12;
	[tilespmem:s17+$0x3E0] =	vst v2  }
0xa6: {  	s10 =	sshll.u32 s16, $0xA;
	[tilespmem:s17+$0x3D0] =	vst v3;
	v0 =	vmul.f32 v0, v9  }
0xa7: {  	s10 =	sadd.s32 s10, s12;
	[tilespmem:s17+$0x3F0] =	vst v1  }
0xa8: {  	s10 =	sshrl.u32 s10, $0x3;
	[tilespmem:s17+$0x400] =	vst v0  }
0xa9: {  	[spmem:s2] =	stream.indirect.scatter.add.f32 [tilespmem:s22], [sflag:$0x5], $0x80, s14, s21, $0xb8;
	[tilespmem:$0x18C00] =	vst v63  }
0xaa: {  	s10 =	sadd.s32 s7, s10  }
0xab: {  	[tilespmem:s3], [sflag:$0x1] =	stream.linear.gather [hbm4b:s10+s3], $0x200, $0x38;
	[tilespmem:$0x18C00] =	vst v63  }
0xac: {  	_ =	swait.ge [sflag:s15], $0xC00  }
0xad: {  	[sflag:s15] =	ssyncset.done $0x0  }
0xae: {  	[sflag:s15] =	ssyncadd.s32 $0xFFFFF400  }
0xaf: {  	_ =	swait.ge [sflag:s15], $0xC00  }
0xb0: {  	[sflag:s15] =	ssyncset.done $0x0  }
0xb1: {  	[sflag:s15] =	ssyncadd.s32 $0xFFFFF400  }
0xb2: {  	_ =	swait.ge [sflag:s15], $0xC00  }
0xb3: {  	[sflag:s15] =	ssyncset.done $0x0  }
0xb4: {  	[sflag:s15] =	ssyncadd.s32 $0xFFFFF400  }
0xb5: {  	_ =	swait.ge [sflag:s20], $0x200  }
0xb6: {  	[sflag:s20] =	ssyncset.done $0x0  }
0xb7: {  	[sflag:s20] =	ssyncadd.s32 $0xFFFFFE00  }
0xb8: {  	_ =	swait.ge [sflag:s9], $0xC00  }
0xb9: {  	[sflag:s9] =	ssyncset.done $0x0  }
0xba: {  	[sflag:s9] =	ssyncadd.s32 $0xFFFFF400  }
0xbb: {  	[tilespmem:s22], [sflag:$0x3] =	stream.indirect.gather [hbm4b:s5+s21], $0x80, s3, s21, $0xb8;
	[tilespmem:$0x18C00] =	vst v63  }
0xbc: {  	_ = 	snop  }
0xbd: {  	[tilespmem:s24], [sflag:$0x3] =	stream.indirect.gather [hbm4b:s6+s21], $0x80, s23, s21, $0xb8;
	[tilespmem:$0x18C00] =	vst v63  }
0xbe: {  	s17 =	simm.s32 $0xF0  }
0xbf: {  	[tilespmem:s26], [sflag:$0x3] =	stream.indirect.gather [hbm4b:s1+s21], $0x80, s25, s21, $0xb8;
	[tilespmem:$0x18C00] =	vst v63  }
0xc0: {  	v6 =	vld [tilespmem:s17+$0x2750]  }
0xc1: {  	v8 =	vld [tilespmem:s17+$0x2760]  }
0xc2: {  	v9 =	vld [tilespmem:s17+$0x2770]  }
0xc3: {  	v10 =	vld [tilespmem:s17+$0x2780]  }
0xc4: {  	v11 =	vld [tilespmem:s17+$0x27D0]  }
0xc5: {  	v16 =	vld [tilespmem:s17+$0x27E0]  }
0xc6: {  	v17 =	vld [tilespmem:s17+$0x27F0]  }
0xc7: {  	v0 =	vld [tilespmem:s17+$0x2800]  }
0xc8: {  	v18 =	vld [tilespmem:s17+$0x3F10]  }
0xc9: {  	v19 =	vld [tilespmem:s17+$0x3F20]  }
0xca: {  	v20 =	vld [tilespmem:s17+$0x3F30]  }
0xcb: {  	v25 =	vld [tilespmem:s17+$0x3F40]  }
0xcc: {  	v26 =	vld [tilespmem:s17+$0x3F50]  }
0xcd: {  	v27 =	vld [tilespmem:s17+$0x3F60]  }
0xce: {  	v28 =	vld [tilespmem:s17+$0x3F70]  }
0xcf: {  	v29 =	vld [tilespmem:s17+$0x3F80]  }
0xd0: {  	v34 =	vld [tilespmem:s17+$0x3F90]  }
0xd1: {  	v7 =	vld [tilespmem:s17+$0x3FA0]  }
0xd2: {  	v5 =	vld [tilespmem:s17+$0x3FB0]  }
0xd3: {  	v4 =	vld [tilespmem:s17+$0x3FC0]  }
0xd4: {  	v3 =	vld [tilespmem:s17+$0x3FD0]  }
0xd5: {  	v2 =	vld [tilespmem:s17+$0x3FE0]  }
0xd6: {  	v1 =	vld [tilespmem:s17+$0x3FF0]  }
0xd7: {  	v21 =	vld [tilespmem:s17+$0x2710]  }
0xd8: {  	v22 =	vld [tilespmem:s17+$0x2720];
	v30 =	vshll.u32 v6, $0x10  }
0xd9: {  	v23 =	vld [tilespmem:s17+$0x2730];
	v61 =	vand.u32 $0xFFFF0000, v6;
	v62 =	vshll.u32 v8, $0x10;
	v35 =	vand.u32 $0xFFFF0000, v8  }
0xda: {  	v24 =	vld [tilespmem:s17+$0x2740];
	v37 =	vshll.u32 v9, $0x10;
	v38 =	vand.u32 $0xFFFF0000, v9;
	v39 =	vshll.u32 v10, $0x10  }
0xdb: {  	v31 =	vld [tilespmem:s17+$0x2790];
	v15 =	vand.u32 $0xFFFF0000, v10;
	v14 =	vshll.u32 v11, $0x10;
	v13 =	vand.u32 $0xFFFF0000, v11  }
0xdc: {  	v36 =	vld [tilespmem:s17+$0x27A0];
	v12 =	vshll.u32 v16, $0x10;
	v11 =	vand.u32 $0xFFFF0000, v16;
	v9 =	vshll.u32 v17, $0x10  }
0xdd: {  	v40 =	vld [tilespmem:s17+$0x27B0];
	v16 =	vshll.u32 v21, $0x10;
	v8 =	vand.u32 $0xFFFF0000, v17;
	v6 =	vshll.u32 v0, $0x10  }
0xde: {  	v41 =	vld [tilespmem:s17+$0x27C0];
	v21 =	vand.u32 $0xFFFF0000, v21;
	v42 =	vshll.u32 v22, $0x10;
	v43 =	vand.u32 $0xFFFF0000, v22  }
0xdf: {  	v17 =	vld [tilespmem:s17+$0xF10];
	v44 =	vshll.u32 v23, $0x10;
	v45 =	vand.u32 $0xFFFF0000, v23;
	v47 =	vshll.u32 v24, $0x10  }
0xe0: {  	v46 =	vld [tilespmem:s17+$0xF30];
	v48 =	vand.u32 $0xFFFF0000, v24;
	v49 =	vshll.u32 v31, $0x10;
	v16 =	vmul.f32 v16, v18  }
0xe1: {  	v22 =	vshll.u32 v36, $0x10;
	v18 =	vld [tilespmem:s17+$0xF20];
	v19 =	vmul.f32 v21, v19;
	v21 =	vand.u32 $0xFFFF0000, v31  }
0xe2: {  	v10 =	vld [tilespmem:s17+$0x4000];
	v42 =	vmul.f32 v42, v20;
	v26 =	vmul.f32 v44, v26;
	v16 =	vadd.f32 v30, v16  }
0xe3: {  	v20 =	vand.u32 $0xFFFF0000, v36;
	v27 =	vmul.f32 v45, v27;
	v28 =	vmul.f32 v47, v28;
	v30 =	vld [tilespmem:s17+$0xF40]  }
0xe4: {  	v31 =	vld [tilespmem:s17+$0xF50];
	v32 =	vadd.f32 v61, v19;
	v16 =	vmul.f32 v16, v17;
	v17 =	vmul.f32 v43, v25  }
0xe5: {  	v24 =	vld [tilespmem:s17+$0xF60];
	v29 =	vmul.f32 v48, v29;
	v19 =	vshll.u32 v40, $0x10;
	v33 =	vadd.f32 v62, v42  }
0xe6: {  	v23 =	vld [tilespmem:s17+$0xF70];
	v63 =	vadd.f32 v37, v26;
	v32 =	vmul.f32 v32, v18;
	v35 =	vadd.f32 v35, v17  }
0xe7: {  	v25 =	vld [tilespmem:s17+$0xF80];
	v33 =	vmul.f32 v33, v46;
	v18 =	vand.u32 $0xFFFF0000, v40;
	[tilespmem:s17+$0xF10] =	vst v16;
	v16 =	vshll.u32 v41, $0x10  }
0xe8: {  	v26 =	vld [tilespmem:s17+$0xF90];
	v17 =	vand.u32 $0xFFFF0000, v41;
	[tilespmem:s17+$0xF20] =	vst v32;
	v32 =	vmul.f32 v35, v30;
	v30 =	vadd.f32 v38, v27  }
0xe9: {  	s10 =	simm.s32 $0x7C0;
	[tilespmem:s17+$0xF30] =	vst v33;
	v33 =	vmul.f32 v63, v31;
	v31 =	vadd.f32 v39, v28;
	v28 =	vmul.f32 v49, v34;
	v27 =	vld [tilespmem:s17+$0xFA0]  }
.LBB2_5:
0xea: {  	p0 =	sne.s32 s10, $0x2FC0;
	[tilespmem:s17+$0xF40] =	vst v32;
	v24 =	vmul.f32 v30, v24;
	v15 =	vadd.f32 v15, v29;
	v7 =	vmul.f32 v21, v7;
	v21 =	vld [tilespmem:s17+$0xFB0]  }
0xeb: {  	v5 =	vmul.f32 v22, v5;
	[tilespmem:s17+$0xF50] =	vst v33;
	v23 =	vmul.f32 v31, v23;
	v14 =	vadd.f32 v14, v28;
	v22 =	vld [tilespmem:s17+$0xFC0]  }
0xec: {  	v4 =	vmul.f32 v20, v4;
	[tilespmem:s17+$0xF60] =	vst v24;
	v15 =	vmul.f32 v15, v25;
	v7 =	vadd.f32 v13, v7;
	v13 =	vld [tilespmem:s17+$0xFD0]  }
0xed: {  	v3 =	vmul.f32 v19, v3;
	v5 =	vadd.f32 v12, v5;
	[tilespmem:s17+$0xF70] =	vst v23;
	v14 =	vmul.f32 v14, v26;
	v12 =	vld [tilespmem:s17+$0xFE0]  }
0xee: {  	v2 =	vmul.f32 v18, v2;
	v4 =	vadd.f32 v11, v4;
	[tilespmem:s17+$0xF80] =	vst v15;
	v7 =	vmul.f32 v7, v27;
	v11 =	vld [tilespmem:s17+$0xFF0]  }
0xef: {  	s31 =	sshra.s32 s10, $0x2;
	v1 =	vmul.f32 v16, v1;
	v3 =	vadd.f32 v9, v3;
	[tilespmem:s17+$0xF90] =	vst v14;
	v5 =	vmul.f32 v5, v21;
	v9 =	vld [tilespmem:s17+$0x1000]  }
0xf0: {  	v2 =	vadd.f32 v8, v2;
	v14 =	vld [tilespmem:s31+$0x2750];
	[tilespmem:s17+$0xFA0] =	vst v7;
	v4 =	vmul.f32 v4, v22;
	v7 =	vmul.f32 v17, v10  }
0xf1: {  	v0 =	vand.u32 $0xFFFF0000, v0;
	v1 =	vadd.f32 v6, v1;
	v8 =	vld [tilespmem:s31+$0x2760];
	[tilespmem:s17+$0xFB0] =	vst v5;
	v3 =	vmul.f32 v3, v13  }
0xf2: {  	v6 =	vld [tilespmem:s31+$0x2770];
	[tilespmem:s17+$0xFC0] =	vst v4;
	v2 =	vmul.f32 v2, v12;
	v0 =	vadd.f32 v0, v7  }
0xf3: {  	v10 =	vld [tilespmem:s31+$0x2780];
	[tilespmem:s17+$0xFD0] =	vst v3;
	v1 =	vmul.f32 v1, v11  }
0xf4: {  	v11 =	vld [tilespmem:s31+$0x27D0];
	[tilespmem:s17+$0xFE0] =	vst v2;
	v0 =	vmul.f32 v0, v9  }
0xf5: {  	v9 =	vld [tilespmem:s31+$0x27E0];
	[tilespmem:s17+$0xFF0] =	vst v1  }
0xf6: {  	v16 =	vld [tilespmem:s31+$0x27F0];
	[tilespmem:s17+$0x1000] =	vst v0;
	s17 =	smov.u32 s31  }
0xf7: {  	v0 =	vld [tilespmem:s17+$0x2800]  }
0xf8: {  	v17 =	vld [tilespmem:s17+$0x3F10]  }
0xf9: {  	v18 =	vld [tilespmem:s17+$0x3F20]  }
0xfa: {  	v23 =	vld [tilespmem:s17+$0x3F30]  }
0xfb: {  	v24 =	vld [tilespmem:s17+$0x3F40]  }
0xfc: {  	v25 =	vld [tilespmem:s17+$0x3F50]  }
0xfd: {  	v26 =	vld [tilespmem:s17+$0x3F60]  }
0xfe: {  	v27 =	vld [tilespmem:s17+$0x3F70]  }
0xff: {  	v28 =	vld [tilespmem:s17+$0x3F80]  }
0x100: {  	v34 =	vld [tilespmem:s17+$0x3F90]  }
0x101: {  	v7 =	vld [tilespmem:s17+$0x3FA0]  }
0x102: {  	v5 =	vld [tilespmem:s17+$0x3FB0]  }
0x103: {  	v4 =	vld [tilespmem:s17+$0x3FC0]  }
0x104: {  	v3 =	vld [tilespmem:s17+$0x3FD0]  }
0x105: {  	v2 =	vld [tilespmem:s17+$0x3FE0]  }
0x106: {  	v1 =	vld [tilespmem:s17+$0x3FF0]  }
0x107: {  	v19 =	vld [tilespmem:s17+$0x2710]  }
0x108: {  	v29 =	vshll.u32 v14, $0x10;
	v20 =	vld [tilespmem:s17+$0x2720]  }
0x109: {  	v30 =	vand.u32 $0xFFFF0000, v14;
	v31 =	vshll.u32 v8, $0x10;
	v32 =	vand.u32 $0xFFFF0000, v8;
	v21 =	vld [tilespmem:s17+$0x2730]  }
0x10a: {  	v33 =	vshll.u32 v6, $0x10;
	v35 =	vand.u32 $0xFFFF0000, v6;
	v36 =	vshll.u32 v10, $0x10;
	v22 =	vld [tilespmem:s17+$0x2740]  }
0x10b: {  	v15 =	vand.u32 $0xFFFF0000, v10;
	v14 =	vshll.u32 v11, $0x10;
	v13 =	vand.u32 $0xFFFF0000, v11;
	v37 =	vld [tilespmem:s17+$0x2790]  }
0x10c: {  	v12 =	vshll.u32 v9, $0x10;
	v11 =	vand.u32 $0xFFFF0000, v9;
	v9 =	vshll.u32 v16, $0x10;
	v38 =	vld [tilespmem:s17+$0x27A0]  }
0x10d: {  	v8 =	vand.u32 $0xFFFF0000, v16;
	v6 =	vshll.u32 v0, $0x10;
	v39 =	vshll.u32 v19, $0x10;
	v40 =	vld [tilespmem:s17+$0x27B0]  }
0x10e: {  	v16 =	vand.u32 $0xFFFF0000, v19;
	v41 =	vshll.u32 v20, $0x10;
	v42 =	vand.u32 $0xFFFF0000, v20;
	v43 =	vld [tilespmem:s17+$0x27C0]  }
0x10f: {  	v44 =	vshll.u32 v21, $0x10;
	v45 =	vand.u32 $0xFFFF0000, v21;
	v46 =	vshll.u32 v22, $0x10;
	v10 =	vld [tilespmem:s17+$0x4000]  }
0x110: {  	v48 =	vand.u32 $0xFFFF0000, v22;
	v47 =	vld [tilespmem:s17+$0xF10];
	v49 =	vshll.u32 v37, $0x10;
	v21 =	vand.u32 $0xFFFF0000, v37  }
0x111: {  	v17 =	vmul.f32 v39, v17;
	v37 =	vld [tilespmem:s17+$0xF20];
	v22 =	vshll.u32 v38, $0x10;
	v20 =	vand.u32 $0xFFFF0000, v38  }
0x112: {  	v38 =	vmul.f32 v16, v18;
	v39 =	vld [tilespmem:s17+$0xF30];
	v19 =	vshll.u32 v40, $0x10;
	v18 =	vand.u32 $0xFFFF0000, v40  }
0x113: {  	v23 =	vmul.f32 v41, v23;
	v29 =	vadd.f32 v29, v17;
	v40 =	vld [tilespmem:s17+$0xF40];
	v16 =	vshll.u32 v43, $0x10  }
0x114: {  	v30 =	vadd.f32 v30, v38;
	v38 =	vmul.f32 v42, v24;
	v17 =	vand.u32 $0xFFFF0000, v43;
	v41 =	vld [tilespmem:s17+$0xF50]  }
.Ltmp1:
0x115: {  	v25 =	vmul.f32 v44, v25;
	v31 =	vadd.f32 v31, v23;
	v29 =	vmul.f32 v29, v47;
	v24 =	vld [tilespmem:s17+$0xF60];
	(pc) =	sbr.rel @p0 .LBB2_5-.Ltmp1, $4  }
0x116: {  	v26 =	vmul.f32 v45, v26;
	v32 =	vadd.f32 v32, v38;
	v30 =	vmul.f32 v30, v37;
	v23 =	vld [tilespmem:s17+$0xF70]  }
0x117: {  	v27 =	vmul.f32 v46, v27;
	v33 =	vadd.f32 v33, v25;
	[tilespmem:s17+$0xF10] =	vst v29;
	v31 =	vmul.f32 v31, v39;
	v25 =	vld [tilespmem:s17+$0xF80]  }
0x118: {  	v29 =	vmul.f32 v48, v28;
	[tilespmem:s17+$0xF20] =	vst v30;
	v32 =	vmul.f32 v32, v40;
	v30 =	vadd.f32 v35, v26;
	v26 =	vld [tilespmem:s17+$0xF90]  }
0x119: {  	s10 =	sadd.s32 $0x400, s10;
	v28 =	vmul.f32 v49, v34;
	[tilespmem:s17+$0xF30] =	vst v31;
	v33 =	vmul.f32 v33, v41;
	v31 =	vadd.f32 v36, v27;
	v27 =	vld [tilespmem:s17+$0xFA0]  }
0x11a: {  	[tilespmem:s17+$0xF40] =	vst v32;
	v56 =	vld [tilespmem:s17+$0xFB0];
	v24 =	vmul.f32 v30, v24;
	v15 =	vadd.f32 v15, v29;
	v7 =	vmul.f32 v21, v7  }
0x11b: {  	v57 =	vld [tilespmem:s17+$0xFC0];
	v5 =	vmul.f32 v22, v5;
	[tilespmem:s17+$0xF50] =	vst v33;
	v23 =	vmul.f32 v31, v23;
	v14 =	vadd.f32 v14, v28  }
0x11c: {  	v58 =	vld [tilespmem:s17+$0xFD0];
	v4 =	vmul.f32 v20, v4;
	[tilespmem:s17+$0xF60] =	vst v24;
	v15 =	vmul.f32 v15, v25;
	v7 =	vadd.f32 v13, v7  }
0x11d: {  	v59 =	vld [tilespmem:s17+$0xFE0];
	v3 =	vmul.f32 v19, v3;
	v5 =	vadd.f32 v12, v5;
	[tilespmem:s17+$0xF70] =	vst v23;
	v60 =	vmul.f32 v14, v26  }
0x11e: {  	v61 =	vld [tilespmem:s17+$0xFF0];
	v2 =	vmul.f32 v18, v2;
	v4 =	vadd.f32 v11, v4;
	[tilespmem:s17+$0xF80] =	vst v15;
	v7 =	vmul.f32 v7, v27  }
0x11f: {  	v1 =	vmul.f32 v16, v1;
	v62 =	vld [tilespmem:s17+$0x1000];
	v3 =	vadd.f32 v9, v3;
	[tilespmem:s17+$0xF90] =	vst v60;
	v5 =	vmul.f32 v5, v56  }
0x120: {  	v63 =	vmul.f32 v17, v10;
	v2 =	vadd.f32 v8, v2;
	v4 =	vmul.f32 v4, v57;
	[tilespmem:s17+$0xFA0] =	vst v7  }
0x121: {  	v0 =	vand.u32 $0xFFFF0000, v0;
	v1 =	vadd.f32 v6, v1;
	v3 =	vmul.f32 v3, v58;
	[tilespmem:s17+$0xFB0] =	vst v5  }
0x122: {  	s10 =	sshll.u32 s16, $0x1;
	v0 =	vadd.f32 v0, v63;
	v2 =	vmul.f32 v2, v59;
	[tilespmem:s17+$0xFC0] =	vst v4  }
0x123: {  	s16 =	sadd.s32 $0x1, s16;
	s10 =	smin.u32 s10, $0x19D;
	v1 =	vmul.f32 v1, v61;
	[tilespmem:s17+$0xFD0] =	vst v3  }
0x124: {  	p0 =	sne.s32 s16, $0xD0;
	s10 =	sshll.u32 s10, $0x9;
	v0 =	vmul.f32 v0, v62;
	[tilespmem:s17+$0xFE0] =	vst v2  }
.Ltmp2:
0x125: {  	s10 =	sadd.s32 s10, s13;
	[tilespmem:s17+$0xFF0] =	vst v1;
	(pc) =	sbr.rel @p0 .LBB2_2-.Ltmp2, $4  }
0x126: {  	s10 =	sshrl.u32 s10, $0x3;
	[tilespmem:s17+$0x1000] =	vst v0  }
0x127: {  	[spmem:s2] =	stream.indirect.scatter.add.f32 [tilespmem:s19], [sflag:$0x6], $0x80, s8, s21, $0xb8;
	[tilespmem:$0x18C00] =	vst v63  }
0x128: {  	s10 =	sadd.s32 s7, s10  }
0x129: {  	[tilespmem:s18], [sflag:$0x2] =	stream.linear.gather [hbm4b:s10+s3], $0x200, $0x38;
	[tilespmem:$0x18C00] =	vst v63  }
0x12a: {  	_ =	swait.ge [sflag:s28], $0xC00  }
0x12b: {  	[sflag:s28] =	ssyncset.done $0x0  }
0x12c: {  	[sflag:s28] =	ssyncadd.s32 $0xFFFFF400  }
0x12d: {  	_ =	swait.ge [sflag:s28], $0xC00  }
0x12e: {  	[sflag:s28] =	ssyncset.done $0x0  }
0x12f: {  	[sflag:s28] =	ssyncadd.s32 $0xFFFFF400  }
0x130: {  	_ =	swait.ge [sflag:s28], $0xC00  }
0x131: {  	[sflag:s28] =	ssyncset.done $0x0  }
0x132: {  	s16 =	simm.s32 $0xF0;
	[sflag:s28] =	ssyncadd.s32 $0xFFFFF400  }
0x133: {  	v6 =	vld [tilespmem:s16+$0x1B50]  }
0x134: {  	v8 =	vld [tilespmem:s16+$0x1B60]  }
0x135: {  	v9 =	vld [tilespmem:s16+$0x1B70]  }
0x136: {  	v10 =	vld [tilespmem:s16+$0x1B80]  }
0x137: {  	v11 =	vld [tilespmem:s16+$0x1BD0]  }
0x138: {  	v16 =	vld [tilespmem:s16+$0x1BE0]  }
0x139: {  	v17 =	vld [tilespmem:s16+$0x1BF0]  }
0x13a: {  	v0 =	vld [tilespmem:s16+$0x1C00]  }
0x13b: {  	v18 =	vld [tilespmem:s16+$0x3310]  }
0x13c: {  	v19 =	vld [tilespmem:s16+$0x3320]  }
0x13d: {  	v20 =	vld [tilespmem:s16+$0x3330]  }
0x13e: {  	v25 =	vld [tilespmem:s16+$0x3340]  }
0x13f: {  	v26 =	vld [tilespmem:s16+$0x3350]  }
0x140: {  	v27 =	vld [tilespmem:s16+$0x3360]  }
0x141: {  	v28 =	vld [tilespmem:s16+$0x3370]  }
0x142: {  	v29 =	vld [tilespmem:s16+$0x3380]  }
0x143: {  	v34 =	vld [tilespmem:s16+$0x3390]  }
0x144: {  	v7 =	vld [tilespmem:s16+$0x33A0]  }
0x145: {  	v5 =	vld [tilespmem:s16+$0x33B0]  }
0x146: {  	v4 =	vld [tilespmem:s16+$0x33C0]  }
0x147: {  	v3 =	vld [tilespmem:s16+$0x33D0]  }
0x148: {  	v2 =	vld [tilespmem:s16+$0x33E0]  }
0x149: {  	v1 =	vld [tilespmem:s16+$0x33F0]  }
0x14a: {  	v21 =	vld [tilespmem:s16+$0x1B10]  }
0x14b: {  	v22 =	vld [tilespmem:s16+$0x1B20];
	v30 =	vshll.u32 v6, $0x10  }
0x14c: {  	v23 =	vld [tilespmem:s16+$0x1B30];
	v32 =	vand.u32 $0xFFFF0000, v6;
	v33 =	vshll.u32 v8, $0x10;
	v35 =	vand.u32 $0xFFFF0000, v8  }
0x14d: {  	v24 =	vld [tilespmem:s16+$0x1B40];
	v37 =	vshll.u32 v9, $0x10;
	v38 =	vand.u32 $0xFFFF0000, v9;
	v39 =	vshll.u32 v10, $0x10  }
0x14e: {  	v31 =	vld [tilespmem:s16+$0x1B90];
	v15 =	vand.u32 $0xFFFF0000, v10;
	v14 =	vshll.u32 v11, $0x10;
	v13 =	vand.u32 $0xFFFF0000, v11  }
0x14f: {  	v36 =	vld [tilespmem:s16+$0x1BA0];
	v12 =	vshll.u32 v16, $0x10;
	v11 =	vand.u32 $0xFFFF0000, v16;
	v9 =	vshll.u32 v17, $0x10  }
0x150: {  	v40 =	vld [tilespmem:s16+$0x1BB0];
	v16 =	vshll.u32 v21, $0x10;
	v8 =	vand.u32 $0xFFFF0000, v17;
	v6 =	vshll.u32 v0, $0x10  }
0x151: {  	v41 =	vld [tilespmem:s16+$0x1BC0];
	v21 =	vand.u32 $0xFFFF0000, v21;
	v42 =	vshll.u32 v22, $0x10;
	v43 =	vand.u32 $0xFFFF0000, v22  }
0x152: {  	v17 =	vld [tilespmem:s16+$0x310];
	v44 =	vshll.u32 v23, $0x10;
	v45 =	vand.u32 $0xFFFF0000, v23;
	v47 =	vshll.u32 v24, $0x10  }
0x153: {  	v46 =	vld [tilespmem:s16+$0x330];
	v48 =	vand.u32 $0xFFFF0000, v24;
	v49 =	vshll.u32 v31, $0x10;
	v16 =	vmul.f32 v16, v18  }
0x154: {  	v22 =	vshll.u32 v36, $0x10;
	v18 =	vld [tilespmem:s16+$0x320];
	v19 =	vmul.f32 v21, v19;
	v21 =	vand.u32 $0xFFFF0000, v31  }
0x155: {  	v10 =	vld [tilespmem:s16+$0x3400];
	v42 =	vmul.f32 v42, v20;
	v26 =	vmul.f32 v44, v26;
	v16 =	vadd.f32 v30, v16  }
0x156: {  	v20 =	vand.u32 $0xFFFF0000, v36;
	v27 =	vmul.f32 v45, v27;
	v28 =	vmul.f32 v47, v28;
	v30 =	vld [tilespmem:s16+$0x340]  }
0x157: {  	v31 =	vld [tilespmem:s16+$0x350];
	v32 =	vadd.f32 v32, v19;
	v16 =	vmul.f32 v16, v17;
	v17 =	vmul.f32 v43, v25  }
0x158: {  	v24 =	vld [tilespmem:s16+$0x360];
	v29 =	vmul.f32 v48, v29;
	v19 =	vshll.u32 v40, $0x10;
	v33 =	vadd.f32 v33, v42  }
0x159: {  	v23 =	vld [tilespmem:s16+$0x370];
	v63 =	vadd.f32 v37, v26;
	v32 =	vmul.f32 v32, v18;
	v35 =	vadd.f32 v35, v17  }
0x15a: {  	v25 =	vld [tilespmem:s16+$0x380];
	v33 =	vmul.f32 v33, v46;
	v18 =	vand.u32 $0xFFFF0000, v40;
	[tilespmem:s16+$0x310] =	vst v16;
	v16 =	vshll.u32 v41, $0x10  }
0x15b: {  	v26 =	vld [tilespmem:s16+$0x390];
	v17 =	vand.u32 $0xFFFF0000, v41;
	[tilespmem:s16+$0x320] =	vst v32;
	v32 =	vmul.f32 v35, v30;
	v30 =	vadd.f32 v38, v27  }
0x15c: {  	s10 =	simm.s32 $0x7C0;
	[tilespmem:s16+$0x330] =	vst v33;
	v33 =	vmul.f32 v63, v31;
	v31 =	vadd.f32 v39, v28;
	v28 =	vmul.f32 v49, v34;
	v27 =	vld [tilespmem:s16+$0x3A0]  }
.LBB2_8:
0x15d: {  	p0 =	sne.s32 s10, $0x2FC0;
	[tilespmem:s16+$0x340] =	vst v32;
	v24 =	vmul.f32 v30, v24;
	v15 =	vadd.f32 v15, v29;
	v7 =	vmul.f32 v21, v7;
	v21 =	vld [tilespmem:s16+$0x3B0]  }
0x15e: {  	v5 =	vmul.f32 v22, v5;
	[tilespmem:s16+$0x350] =	vst v33;
	v23 =	vmul.f32 v31, v23;
	v14 =	vadd.f32 v14, v28;
	v22 =	vld [tilespmem:s16+$0x3C0]  }
0x15f: {  	v4 =	vmul.f32 v20, v4;
	[tilespmem:s16+$0x360] =	vst v24;
	v15 =	vmul.f32 v15, v25;
	v7 =	vadd.f32 v13, v7;
	v13 =	vld [tilespmem:s16+$0x3D0]  }
0x160: {  	v3 =	vmul.f32 v19, v3;
	v5 =	vadd.f32 v12, v5;
	[tilespmem:s16+$0x370] =	vst v23;
	v14 =	vmul.f32 v14, v26;
	v12 =	vld [tilespmem:s16+$0x3E0]  }
0x161: {  	v2 =	vmul.f32 v18, v2;
	v4 =	vadd.f32 v11, v4;
	[tilespmem:s16+$0x380] =	vst v15;
	v7 =	vmul.f32 v7, v27;
	v11 =	vld [tilespmem:s16+$0x3F0]  }
0x162: {  	s17 =	sshra.s32 s10, $0x2;
	v1 =	vmul.f32 v16, v1;
	v3 =	vadd.f32 v9, v3;
	[tilespmem:s16+$0x390] =	vst v14;
	v5 =	vmul.f32 v5, v21;
	v9 =	vld [tilespmem:s16+$0x400]  }
0x163: {  	v2 =	vadd.f32 v8, v2;
	v14 =	vld [tilespmem:s17+$0x1B50];
	[tilespmem:s16+$0x3A0] =	vst v7;
	v4 =	vmul.f32 v4, v22;
	v7 =	vmul.f32 v17, v10  }
0x164: {  	v0 =	vand.u32 $0xFFFF0000, v0;
	v1 =	vadd.f32 v6, v1;
	v8 =	vld [tilespmem:s17+$0x1B60];
	[tilespmem:s16+$0x3B0] =	vst v5;
	v3 =	vmul.f32 v3, v13  }
0x165: {  	v6 =	vld [tilespmem:s17+$0x1B70];
	[tilespmem:s16+$0x3C0] =	vst v4;
	v2 =	vmul.f32 v2, v12;
	v0 =	vadd.f32 v0, v7  }
0x166: {  	v10 =	vld [tilespmem:s17+$0x1B80];
	[tilespmem:s16+$0x3D0] =	vst v3;
	v1 =	vmul.f32 v1, v11  }
0x167: {  	v11 =	vld [tilespmem:s17+$0x1BD0];
	[tilespmem:s16+$0x3E0] =	vst v2;
	v0 =	vmul.f32 v0, v9  }
0x168: {  	v9 =	vld [tilespmem:s17+$0x1BE0];
	[tilespmem:s16+$0x3F0] =	vst v1  }
0x169: {  	v16 =	vld [tilespmem:s17+$0x1BF0];
	[tilespmem:s16+$0x400] =	vst v0;
	s16 =	smov.u32 s17  }
0x16a: {  	v0 =	vld [tilespmem:s16+$0x1C00]  }
0x16b: {  	v17 =	vld [tilespmem:s16+$0x3310]  }
0x16c: {  	v18 =	vld [tilespmem:s16+$0x3320]  }
0x16d: {  	v23 =	vld [tilespmem:s16+$0x3330]  }
0x16e: {  	v24 =	vld [tilespmem:s16+$0x3340]  }
0x16f: {  	v25 =	vld [tilespmem:s16+$0x3350]  }
0x170: {  	v26 =	vld [tilespmem:s16+$0x3360]  }
0x171: {  	v27 =	vld [tilespmem:s16+$0x3370]  }
0x172: {  	v28 =	vld [tilespmem:s16+$0x3380]  }
0x173: {  	v34 =	vld [tilespmem:s16+$0x3390]  }
0x174: {  	v7 =	vld [tilespmem:s16+$0x33A0]  }
0x175: {  	v5 =	vld [tilespmem:s16+$0x33B0]  }
0x176: {  	v4 =	vld [tilespmem:s16+$0x33C0]  }
0x177: {  	v3 =	vld [tilespmem:s16+$0x33D0]  }
0x178: {  	v2 =	vld [tilespmem:s16+$0x33E0]  }
0x179: {  	v1 =	vld [tilespmem:s16+$0x33F0]  }
0x17a: {  	v19 =	vld [tilespmem:s16+$0x1B10]  }
0x17b: {  	v29 =	vshll.u32 v14, $0x10;
	v20 =	vld [tilespmem:s16+$0x1B20]  }
0x17c: {  	v30 =	vand.u32 $0xFFFF0000, v14;
	v31 =	vshll.u32 v8, $0x10;
	v32 =	vand.u32 $0xFFFF0000, v8;
	v21 =	vld [tilespmem:s16+$0x1B30]  }
0x17d: {  	v33 =	vshll.u32 v6, $0x10;
	v35 =	vand.u32 $0xFFFF0000, v6;
	v36 =	vshll.u32 v10, $0x10;
	v22 =	vld [tilespmem:s16+$0x1B40]  }
0x17e: {  	v15 =	vand.u32 $0xFFFF0000, v10;
	v14 =	vshll.u32 v11, $0x10;
	v13 =	vand.u32 $0xFFFF0000, v11;
	v37 =	vld [tilespmem:s16+$0x1B90]  }
0x17f: {  	v12 =	vshll.u32 v9, $0x10;
	v11 =	vand.u32 $0xFFFF0000, v9;
	v9 =	vshll.u32 v16, $0x10;
	v38 =	vld [tilespmem:s16+$0x1BA0]  }
0x180: {  	v8 =	vand.u32 $0xFFFF0000, v16;
	v6 =	vshll.u32 v0, $0x10;
	v39 =	vshll.u32 v19, $0x10;
	v40 =	vld [tilespmem:s16+$0x1BB0]  }
0x181: {  	v16 =	vand.u32 $0xFFFF0000, v19;
	v41 =	vshll.u32 v20, $0x10;
	v42 =	vand.u32 $0xFFFF0000, v20;
	v43 =	vld [tilespmem:s16+$0x1BC0]  }
0x182: {  	v44 =	vshll.u32 v21, $0x10;
	v45 =	vand.u32 $0xFFFF0000, v21;
	v46 =	vshll.u32 v22, $0x10;
	v10 =	vld [tilespmem:s16+$0x3400]  }
0x183: {  	v48 =	vand.u32 $0xFFFF0000, v22;
	v47 =	vld [tilespmem:s16+$0x310];
	v49 =	vshll.u32 v37, $0x10;
	v21 =	vand.u32 $0xFFFF0000, v37  }
0x184: {  	v17 =	vmul.f32 v39, v17;
	v37 =	vld [tilespmem:s16+$0x320];
	v22 =	vshll.u32 v38, $0x10;
	v20 =	vand.u32 $0xFFFF0000, v38  }
0x185: {  	v38 =	vmul.f32 v16, v18;
	v39 =	vld [tilespmem:s16+$0x330];
	v19 =	vshll.u32 v40, $0x10;
	v18 =	vand.u32 $0xFFFF0000, v40  }
0x186: {  	v23 =	vmul.f32 v41, v23;
	v29 =	vadd.f32 v29, v17;
	v40 =	vld [tilespmem:s16+$0x340];
	v16 =	vshll.u32 v43, $0x10  }
0x187: {  	v30 =	vadd.f32 v30, v38;
	v38 =	vmul.f32 v42, v24;
	v17 =	vand.u32 $0xFFFF0000, v43;
	v41 =	vld [tilespmem:s16+$0x350]  }
.Ltmp3:
0x188: {  	v25 =	vmul.f32 v44, v25;
	v31 =	vadd.f32 v31, v23;
	v29 =	vmul.f32 v29, v47;
	v24 =	vld [tilespmem:s16+$0x360];
	(pc) =	sbr.rel @p0 .LBB2_8-.Ltmp3, $4  }
0x189: {  	v26 =	vmul.f32 v45, v26;
	v32 =	vadd.f32 v32, v38;
	v30 =	vmul.f32 v30, v37;
	v23 =	vld [tilespmem:s16+$0x370]  }
0x18a: {  	v27 =	vmul.f32 v46, v27;
	v33 =	vadd.f32 v33, v25;
	[tilespmem:s16+$0x310] =	vst v29;
	v31 =	vmul.f32 v31, v39;
	v25 =	vld [tilespmem:s16+$0x380]  }
0x18b: {  	v29 =	vmul.f32 v48, v28;
	[tilespmem:s16+$0x320] =	vst v30;
	v32 =	vmul.f32 v32, v40;
	v30 =	vadd.f32 v35, v26;
	v26 =	vld [tilespmem:s16+$0x390]  }
0x18c: {  	s10 =	sadd.s32 $0x400, s10;
	v28 =	vmul.f32 v49, v34;
	[tilespmem:s16+$0x330] =	vst v31;
	v33 =	vmul.f32 v33, v41;
	v31 =	vadd.f32 v36, v27;
	v27 =	vld [tilespmem:s16+$0x3A0]  }
0x18d: {  	[tilespmem:s16+$0x340] =	vst v32;
	v56 =	vld [tilespmem:s16+$0x3B0];
	v24 =	vmul.f32 v30, v24;
	v15 =	vadd.f32 v15, v29;
	v7 =	vmul.f32 v21, v7  }
0x18e: {  	v57 =	vld [tilespmem:s16+$0x3C0];
	v5 =	vmul.f32 v22, v5;
	[tilespmem:s16+$0x350] =	vst v33;
	v23 =	vmul.f32 v31, v23;
	v14 =	vadd.f32 v14, v28  }
0x18f: {  	v58 =	vld [tilespmem:s16+$0x3D0];
	v4 =	vmul.f32 v20, v4;
	[tilespmem:s16+$0x360] =	vst v24;
	v15 =	vmul.f32 v15, v25;
	v7 =	vadd.f32 v13, v7  }
0x190: {  	v59 =	vld [tilespmem:s16+$0x3E0];
	v3 =	vmul.f32 v19, v3;
	v5 =	vadd.f32 v12, v5;
	[tilespmem:s16+$0x370] =	vst v23;
	v60 =	vmul.f32 v14, v26  }
0x191: {  	v61 =	vld [tilespmem:s16+$0x3F0];
	v2 =	vmul.f32 v18, v2;
	v4 =	vadd.f32 v11, v4;
	[tilespmem:s16+$0x380] =	vst v15;
	v7 =	vmul.f32 v7, v27  }
0x192: {  	v1 =	vmul.f32 v16, v1;
	v62 =	vld [tilespmem:s16+$0x400];
	v3 =	vadd.f32 v9, v3;
	[tilespmem:s16+$0x390] =	vst v60;
	v5 =	vmul.f32 v5, v56  }
0x193: {  	v63 =	vmul.f32 v17, v10;
	v2 =	vadd.f32 v8, v2;
	v4 =	vmul.f32 v4, v57;
	[tilespmem:s16+$0x3A0] =	vst v7  }
0x194: {  	v0 =	vand.u32 $0xFFFF0000, v0;
	v1 =	vadd.f32 v6, v1;
	v3 =	vmul.f32 v3, v58;
	[tilespmem:s16+$0x3B0] =	vst v5  }
0x195: {  	v0 =	vadd.f32 v0, v63;
	v2 =	vmul.f32 v2, v59;
	[tilespmem:s16+$0x3C0] =	vst v4  }
0x196: {  	v1 =	vmul.f32 v1, v61;
	[tilespmem:s16+$0x3D0] =	vst v3  }
0x197: {  	v0 =	vmul.f32 v0, v62;
	[tilespmem:s16+$0x3E0] =	vst v2  }
0x198: {  	[tilespmem:s16+$0x3F0] =	vst v1  }
0x199: {  	[tilespmem:s16+$0x400] =	vst v0  }
0x19a: {  	[spmem:s2] =	stream.indirect.scatter.add.f32 [tilespmem:s22], [sflag:$0x5], $0x80, s14, s21, $0xb8;
	[tilespmem:$0x18C00] =	vst v63  }
0x19b: {  	_ =	swait.ge [sflag:s9], $0xC00  }
0x19c: {  	[sflag:s9] =	ssyncset.done $0x0  }
0x19d: {  	[sflag:s9] =	ssyncadd.s32 $0xFFFFF400  }
0x19e: {  	_ =	swait.ge [sflag:s30], $0xC00  }
0x19f: {  	[sflag:s30] =	ssyncset.done $0x0  }
0x1a0: {  	[sflag:s30] =	ssyncadd.s32 $0xFFFFF400  }
0x1a1: {  	_ =	swait.ge [sflag:s29], $0x200  }
0x1a2: {  	[sflag:s29] =	ssyncset.done $0x0  }
0x1a3: {  	[sflag:s29] =	ssyncadd.s32 $0xFFFFFE00  }
0x1a4: {  	[bflag:$0x0] =	sbarrier.arrive $0xFFFF  }
0x1a5: {  	s16 =	rddreg [dreg:$0x6]  }
0x1a6: {  	s10 =	rddreg [dreg:$0x8]  }
0x1a7: {  	s31 =	simm.s32 $0x7;
	s17 =	rddreg [dreg:$0xa]  }
0x1a8: {  	[hbm:s10], [sflag:s16] =	dma.local [spmem:s17], $0x2800  }
0x1a9: {  	_ =	swait.ge [sflag:s31], $0x2800  }
0x1aa: {  	s0 =	rddreg [dreg:$0xb]  }
0x1ab: {  	s10 =	rddreg [dreg:$0x9];
	s0 =	sadd.s32 $0x1, s0  }
0x1ac: {  	p0 =	sne.s32 s0, s10  }
.Ltmp4:
0x1ad: {  	_ = 	snop;
	(pc) =	sbr.rel @p0 .LBB2_1-.Ltmp4, $3  }
0x1ae: {  	_ =	sdelay $0x1  }
0x1af: {  	[sflag:s31] =	ssyncset.done $0x0  }
0x1b0: {  	[sflag:s31] =	ssyncadd.s32 $0xFFFFD800;
	[dreg:$0xb] =	wrdreg s0;
	s0 =	simm.s32 $0x2800  }
0x1b1: {  	_ =	sfence.sel $0x180000  }
0x1b2: {  	[bflag:$0x0] =	sbarrier.arrive $0xFFFF  }
0x1b3: {  	_ =	strace $0x9000004A  }
0x1b4: {  	s0 =	stileid.u32;
	[bflag:$0x2] =	sbarrier.arrive $0xFFFF  }
0x1b5: {  	p0 =	sne.s32 s0, $0x0;
	s0 =	rddreg [dreg:$0x3]  }
0x1b6: {  	s0 =	sadd.s32 @!p0 $0x100000, s0  }
0x1b7: {  	[sflag:s0] =	ssyncadd.tile.s32 @!p0 $0x1;
	_ =	shalt  }
.Lfunc_end2:
_tile_overlayer_lowered:
.L_overlay_start_2:
0x1b8: {  	(tag) =	ssettag $0x2  }
0x1b9: {  	s0 =	rddreg [dreg:$0x0];
	s2 =	stileid.u32  }
0x1ba: {  	s1 =	rddreg [dreg:$0x1];
	p0 =	sne.s32 s2, $0x0  }
0x1bb: {  	s3 =	rddreg [dreg:$0x2];
	[bflag:$0x3] =	sbarrier.arrive $0xFFFF;
	s2 =	simm.s32 @!p0 $0x1C07  }
0x1bc: {  	[timem:s3], [sflag:s2] =	dma.local @!p0 [hbm:s0], s1  }
0x1bd: {  	s0 =	simm.s32 @!p0 $0x7  }
0x1be: {  	_ =	swait.ge @!p0 [sflag:s0], s1  }
0x1bf: {  	s1 =	ssub.s32 @!p0 $0x0, s1;
	[sflag:s0] =	ssyncset.done @!p0 $0x0  }
0x1c0: {  	[sflag:s0] =	ssyncadd.s32 @!p0 s1  }
0x1c1: {  	[bflag:$0x3] =	sbarrier.arrive $0xFFFF  }
0x1c2: {  	_ =	shalt  }

</sc_bundles>
